<compile_context>
chip_gen: v7x
topology: tpu7x:2x2x1
jax: 0.10.2.dev20260603
libtpu: 0.0.44.dev20260713+nightly
codegen_flags: <defaults>
</compile_context>

<pallas_src>
import functools

import jax
import jax.numpy as jnp
from jax import lax
from jax.experimental import pallas as pl
from jax.experimental.pallas import tpu as pltpu
from jax.experimental.pallas import tpu_sc as plsc

N = 10000
E = 320000
D = 128

NC = 2
NS = 16
NW = NC * NS

GROUP = 128
GROUPS_PER_W = 80
E_PAD = NW * GROUPS_PER_W * GROUP
AGG_ROWS = 10240
ZROWS_PER_TILE = AGG_ROWS // NS

_sc_mesh = plsc.VectorSubcoreMesh(core_axis_name="c", subcore_axis_name="s",
                                  num_cores=NC, num_subcores=NS)


IDXB = 8
NB = GROUPS_PER_W // IDXB


@functools.partial(
    pl.kernel,
    out_type=jax.ShapeDtypeStruct((NC, AGG_ROWS, D), jnp.float32),
    mesh=_sc_mesh,
    scratch_types=[
        pltpu.VMEM((IDXB, GROUP), jnp.int32),
        pltpu.VMEM((IDXB, GROUP), jnp.int32),
        pltpu.VMEM((IDXB, GROUP), jnp.int32),
        pltpu.VMEM((IDXB, GROUP), jnp.int32),
        pltpu.VMEM((GROUP, D), jnp.float32),
        pltpu.VMEM((GROUP, D), jnp.float32),
        pltpu.VMEM_SHARED((AGG_ROWS, D), jnp.float32),
        pltpu.SemaphoreType.DMA,
        pltpu.SemaphoreType.DMA,
        pltpu.SemaphoreType.DMA,
        pltpu.SemaphoreType.DMA,
        pltpu.SemaphoreType.DMA,
        pltpu.SemaphoreType.DMA,
    ],
)
def _sc_edge_agg(m_hbm, src_hbm, dst_hbm, out_hbm,
                 isrc_a, idst_a, isrc_b, idst_b, rows_0, rows_1, agg_sh,
                 semg_0, semg_1, sems_0, sems_1, semi_a, semi_b):
    c = lax.axis_index("c")
    s = lax.axis_index("s")
    w = c * NS + s

    def _zrow(i, carry):
        for j in range(D // 16):
            rows_0[i, pl.ds(j * 16, 16)] = jnp.zeros((16,), jnp.float32)
        return carry
    lax.fori_loop(0, GROUP, _zrow, None)
    zdescs = [
        pltpu.async_copy(
            rows_0, agg_sh.at[pl.ds(s * ZROWS_PER_TILE + b * GROUP, GROUP)],
            semg_0)
        for b in range(ZROWS_PER_TILE // GROUP)
    ]
    for dsc in zdescs:
        dsc.wait()

    base0 = w * GROUPS_PER_W
    d0 = pltpu.async_copy(src_hbm.at[pl.ds(base0, IDXB)], isrc_a, semi_a)
    d1 = pltpu.async_copy(dst_hbm.at[pl.ds(base0, IDXB)], idst_a, semi_a)
    pltpu.async_copy(src_hbm.at[pl.ds(base0 + IDXB, IDXB)], isrc_b, semi_b)
    pltpu.async_copy(dst_hbm.at[pl.ds(base0 + IDXB, IDXB)], idst_b, semi_b)
    d0.wait()
    d1.wait()

    plsc.subcore_barrier()

    pltpu.async_copy(m_hbm.at[isrc_a.at[0]], rows_0, semg_0)

    rows = (rows_0, rows_1)
    gsems = (semg_0, semg_1)
    ssems = (sems_0, sems_1)

    def _wait_gather(p):
        pltpu.make_async_copy(m_hbm.at[pl.ds(0, GROUP)], rows[p],
                              gsems[p]).wait()

    def _wait_scatter(p):
        pltpu.make_async_copy(m_hbm.at[pl.ds(0, GROUP)], rows[p],
                              ssems[p]).wait()

    def _wait_idx(sem, isrc, idst):
        pltpu.make_async_copy(src_hbm.at[pl.ds(0, IDXB)], isrc, sem).wait()
        pltpu.make_async_copy(dst_hbm.at[pl.ds(0, IDXB)], idst, sem).wait()

    def _block(i, half, isrc, idst, nsrc, ndst, isem, nsem):
        bi = i * 2 + half
        gd = [None, None]
        sd = [None, None]
        for j in range(IDXB):
            p = j % 2
            if j == 0:
                if half == 0:
                    pl.when(i > 0)(lambda: _wait_scatter(1))
                else:
                    _wait_scatter(1)
            else:
                sd[1 - p].wait()
            if j + 1 < IDXB:
                gd[1 - p] = pltpu.async_copy(m_hbm.at[isrc.at[j + 1]],
                                             rows[1 - p], gsems[1 - p])
            else:
                def _next_gather():
                    _wait_idx(nsem, nsrc, ndst)
                    pltpu.async_copy(m_hbm.at[nsrc.at[0]], rows[1 - p],
                                     gsems[1 - p])
                if half == 0:
                    _next_gather()
                else:
                    pl.when(i < NB // 2 - 1)(_next_gather)
            if j == 0:
                _wait_gather(0)
            else:
                gd[p].wait()
            sd[p] = pltpu.async_copy(rows[p], agg_sh.at[idst.at[j]],
                                     ssems[p], add=True)

        def _prefetch():
            nbase = w * GROUPS_PER_W + (bi + 2) * IDXB
            pltpu.async_copy(src_hbm.at[pl.ds(nbase, IDXB)], isrc, isem)
            pltpu.async_copy(dst_hbm.at[pl.ds(nbase, IDXB)], idst, isem)
        pl.when(i < NB // 2 - 1)(_prefetch)

    def _pipe(i, carry):
        _block(i, 0, isrc_a, idst_a, isrc_b, idst_b, semi_a, semi_b)
        _block(i, 1, isrc_b, idst_b, isrc_a, idst_a, semi_b, semi_a)
        return carry
    lax.fori_loop(0, NB // 2, _pipe, None)
    _wait_scatter(1)

    plsc.subcore_barrier()

    pltpu.sync_copy(agg_sh.at[pl.ds(s * ZROWS_PER_TILE, ZROWS_PER_TILE)],
                    out_hbm.at[c, pl.ds(s * ZROWS_PER_TILE, ZROWS_PER_TILE)])


_BLK = 1000
_GRID = N // _BLK

_NGRP = E_PAD // GROUP
_PBLK = _NGRP // 10


def _prep_body(es_ref, ed_ref, os_ref, od_ref):
    i = pl.program_id(0)
    r = lax.broadcasted_iota(jnp.int32, (_PBLK, D), 0)
    cidx = lax.broadcasted_iota(jnp.int32, (_PBLK, D), 1)
    elem = (i * _PBLK + r) * GROUP + cidx
    pe = elem - E
    os_ref[...] = jnp.where(elem < E, es_ref[0], pe % N)
    od_ref[...] = jnp.where(elem < E, ed_ref[0], N + pe % (AGG_ROWS - N))


def _tc_prep(eidx3):
    return pl.pallas_call(
        _prep_body,
        grid=(10,),
        in_specs=[pl.BlockSpec((1, _PBLK, D), lambda i: (0, i, 0)),
                  pl.BlockSpec((1, _PBLK, D), lambda i: (1, i, 0))],
        out_specs=[pl.BlockSpec((_PBLK, D), lambda i: (i, 0)),
                   pl.BlockSpec((_PBLK, D), lambda i: (i, 0))],
        out_shape=[jax.ShapeDtypeStruct((_NGRP, D), jnp.int32),
                   jax.ShapeDtypeStruct((_NGRP, D), jnp.int32)],
    )(eidx3, eidx3)


def _mm_body(x_ref, w_ref, o_ref):
    o_ref[...] = jnp.dot(x_ref[...], w_ref[...],
                         preferred_element_type=jnp.float32)


def _tc_matmul(x, w):
    return pl.pallas_call(
        _mm_body,
        grid=(_GRID,),
        in_specs=[pl.BlockSpec((_BLK, D), lambda i: (i, 0)),
                  pl.BlockSpec((D, D), lambda i: (0, 0))],
        out_specs=pl.BlockSpec((_BLK, D), lambda i: (i, 0)),
        out_shape=jax.ShapeDtypeStruct((N, D), jnp.float32),
    )(x, w)


def _combine_mm_body(p0_ref, p1_ref, m_ref, b_ref, w_ref, o_ref):
    h = jax.nn.relu(p0_ref[0] + p1_ref[0] + m_ref[...] + b_ref[...])
    o_ref[...] = jnp.dot(h, w_ref[...], preferred_element_type=jnp.float32)


def _tc_combine_matmul(part, m, b, w):
    return pl.pallas_call(
        _combine_mm_body,
        grid=(_GRID,),
        in_specs=[pl.BlockSpec((1, _BLK, D), lambda i: (0, i, 0)),
                  pl.BlockSpec((1, _BLK, D), lambda i: (1, i, 0)),
                  pl.BlockSpec((_BLK, D), lambda i: (i, 0)),
                  pl.BlockSpec((1, D), lambda i: (0, 0)),
                  pl.BlockSpec((D, D), lambda i: (0, 0))],
        out_specs=pl.BlockSpec((_BLK, D), lambda i: (i, 0)),
        out_shape=jax.ShapeDtypeStruct((N, D), jnp.float32),
    )(part, part, m, b, w)


def _head_body(p0_ref, p1_ref, m_ref, b_ref, wh1_ref, bh1_ref, wh2_ref,
               bh2_ref, o_ref):
    h = jax.nn.relu(p0_ref[0] + p1_ref[0] + m_ref[...] + b_ref[...])
    h = jax.nn.relu(jnp.dot(h, wh1_ref[...],
                            preferred_element_type=jnp.float32) + bh1_ref[...])
    o_ref[...] = jnp.dot(h, wh2_ref[...],
                         preferred_element_type=jnp.float32) + bh2_ref[...]


def _tc_head(part, m, b, wh1, bh1, wh2, bh2):
    return pl.pallas_call(
        _head_body,
        grid=(_GRID,),
        in_specs=[pl.BlockSpec((1, _BLK, D), lambda i: (0, i, 0)),
                  pl.BlockSpec((1, _BLK, D), lambda i: (1, i, 0)),
                  pl.BlockSpec((_BLK, D), lambda i: (i, 0)),
                  pl.BlockSpec((1, D), lambda i: (0, 0)),
                  pl.BlockSpec((D, D), lambda i: (0, 0)),
                  pl.BlockSpec((1, D), lambda i: (0, 0)),
                  pl.BlockSpec((D, D), lambda i: (0, 0)),
                  pl.BlockSpec((1, D), lambda i: (0, 0))],
        out_specs=pl.BlockSpec((_BLK, D), lambda i: (i, 0)),
        out_shape=jax.ShapeDtypeStruct((N, D), jnp.float32),
    )(part, part, m, b, wh1, bh1, wh2, bh2)


def kernel(x, edge_index, W1, b1, W2, b2, Wh1, bh1, Wh2, bh2):
    src_p, dst_p = _tc_prep(edge_index.reshape(2, E // GROUP, GROUP))

    b1r = b1.reshape(1, D)
    b2r = b2.reshape(1, D)
    bh1r = bh1.reshape(1, D)
    bh2r = bh2.reshape(1, D)

    m1 = _tc_matmul(x, W1)
    p1 = _sc_edge_agg(m1, src_p, dst_p)
    m2 = _tc_combine_matmul(p1, m1, b1r, W2)
    p2 = _sc_edge_agg(m2, src_p, dst_p)
    return _tc_head(p2, m2, b2r, Wh1, bh1r, Wh2, bh2r)

# --- scband reference (transcript-rebuilt; emitter-appended) ---
"""Pipeline reference for scband-cell-latent-perturbation-39779987096432 (READ-ONLY COPY).

The authoritative reference and input builder live on the scoring server;
editing this copy changes nothing except your own understanding.
"""

import jax, jax.numpy as jnp
import numpy as np

N = 10000
E = 320000
D_IN = 128
D_H = 128
D_OUT = 128


def setup_inputs(seed: int = 0) -> dict:
    key = jax.random.key(seed)
    ks = jax.random.split(key, 12)
    x = jax.random.normal(ks[0], (N, D_IN), dtype=jnp.float32)
    edge_index = jax.random.randint(ks[1], (2, E), 0, N, dtype=jnp.int32)
    s_in = 1.0 / np.sqrt(D_IN)
    s_h = 1.0 / np.sqrt(D_H)
    W1 = jax.random.normal(ks[2], (D_IN, D_H), dtype=jnp.float32) * s_in
    b1 = jnp.zeros((D_H,), dtype=jnp.float32)
    W2 = jax.random.normal(ks[3], (D_H, D_H), dtype=jnp.float32) * s_h
    b2 = jnp.zeros((D_H,), dtype=jnp.float32)
    Wh1 = jax.random.normal(ks[4], (D_H, D_H), dtype=jnp.float32) * s_h
    bh1 = jnp.zeros((D_H,), dtype=jnp.float32)
    Wh2 = jax.random.normal(ks[5], (D_H, D_OUT), dtype=jnp.float32) * s_h
    bh2 = jnp.zeros((D_OUT,), dtype=jnp.float32)
    return {"x": x, "edge_index": edge_index, "W1": W1, "b1": b1, "W2": W2, "b2": b2,
            "Wh1": Wh1, "bh1": bh1, "Wh2": Wh2, "bh2": bh2}


def reference(x, edge_index, W1, b1, W2, b2, Wh1, bh1, Wh2, bh2):
    # HeteroGnn with conv_type='GCN' (normalize=False, add_self_loops=True),
    # num_layers=2, followed by a 2-layer prediction head.
    src = edge_index[0]
    dst = edge_index[1]

    def gcn_conv(h, W, b):
        m = h @ W
        agg = jnp.zeros_like(m).at[dst].add(m[src])
        # add_self_loops=True, normalize=False -> add node's own message
        return agg + m + b

    h = jax.nn.relu(gcn_conv(x, W1, b1))
    h = jax.nn.relu(gcn_conv(h, W2, b2))
    # prediction head: Linear -> ReLU -> Linear
    h = jax.nn.relu(h @ Wh1 + bh1)
    out = h @ Wh2 + bh2
    return out

if __name__ == "__main__":
    import jax
    _d = setup_inputs()
    print(jax.jit(kernel)(*tuple(_d.values())))

</pallas_src>

<mosaic_0001>
#map = affine_map<(d0, d1) -> (0, 0)>
#map1 = affine_map<(d0, d1) -> (0, 0, 0)>
module attributes {stable_mosaic.version = 14 : i64} {
  func.func @_sc_edge_agg(%arg0: i32, %arg1: i32, %arg2: memref<10000x128xf32, #tpu.memory_space<hbm>>, %arg3: memref<2560x128xi32, #tpu.memory_space<hbm>>, %arg4: memref<2560x128xi32, #tpu.memory_space<hbm>>, %arg5: memref<2x10240x128xf32, #tpu.memory_space<hbm>>, %arg6: memref<8x128xi32, #tpu.memory_space<vmem>>, %arg7: memref<8x128xi32, #tpu.memory_space<vmem>>, %arg8: memref<8x128xi32, #tpu.memory_space<vmem>>, %arg9: memref<8x128xi32, #tpu.memory_space<vmem>>, %arg10: memref<128x128xf32, #tpu.memory_space<vmem>>, %arg11: memref<128x128xf32, #tpu.memory_space<vmem>>, %arg12: memref<10240x128xf32, #tpu.memory_space<vmem_shared>>, %arg13: memref<!tpu.dma_semaphore, #tpu.memory_space<semaphore_mem>>, %arg14: memref<!tpu.dma_semaphore, #tpu.memory_space<semaphore_mem>>, %arg15: memref<!tpu.dma_semaphore, #tpu.memory_space<semaphore_mem>>, %arg16: memref<!tpu.dma_semaphore, #tpu.memory_space<semaphore_mem>>, %arg17: memref<!tpu.dma_semaphore, #tpu.memory_space<semaphore_mem>>, %arg18: memref<!tpu.dma_semaphore, #tpu.memory_space<semaphore_mem>>) attributes {dimension_semantics = [#tpu.dimension_semantics<core_parallel>, #tpu.dimension_semantics<subcore_parallel>], iteration_bounds = array<i64: 2, 16>, scalar_prefetch = 0 : i64, scratch_operands = 13 : i64, tpu.core_type = #tpu.core_type<sc_vector_subcore>, window_params = [{transform_indices = #map}, {transform_indices = #map}, {transform_indices = #map}, {transform_indices = #map1}]} {
    %mul3A = arith.constant 16 : i32
    %mul3A_0 = arith.muli %arg0, %mul3A : i32
    %add3A = arith.addi %mul3A_0, %arg1 : i32
    %scan3A = arith.constant 0 : i32
    %scan3A_1 = arith.constant 128 : i32
    %scan3A_2 = arith.addi %scan3A, %scan3A_1 : i32
    %scan3A_3 = arith.constant 1 : i32
    scf.for %scan3A_116 = %scan3A to %scan3A_2 step %scan3A_3  : i32 {
      %broadcast_in_dim3A = arith.constant 0.000000e+00 : f32
      %broadcast_in_dim3A_117 = vector.broadcast %broadcast_in_dim3A : f32 to vector<16xf32>
      %swap3A = arith.index_cast %scan3A_116 : i32 to index
      %swap3A_118 = arith.constant 0 : index
      %swap3A_119 = tpu.vector_load %arg10[%swap3A, %swap3A_118] {strides = array<i32>} : memref<128x128xf32, #tpu.memory_space<vmem>>, vector<1x16xf32>,
      %swap3A_120 = vector.shape_cast %swap3A_119 : vector<1x16xf32> to vector<16xf32>
      %swap3A_121 = vector.shape_cast %broadcast_in_dim3A_117 : vector<16xf32> to vector<1x16xf32>
      tpu.vector_store %arg10[%swap3A, %swap3A_118], %swap3A_121 {strides = array<i32>} : memref<128x128xf32, #tpu.memory_space<vmem>>, vector<1x16xf32>,
      %broadcast_in_dim3A_122 = arith.constant 0.000000e+00 : f32
      %broadcast_in_dim3A_123 = vector.broadcast %broadcast_in_dim3A_122 : f32 to vector<16xf32>
      %swap3A_124 = arith.index_cast %scan3A_116 : i32 to index
      %swap3A_125 = arith.constant 16 : index
      %swap3A_126 = tpu.vector_load %arg10[%swap3A_124, %swap3A_125] {strides = array<i32>} : memref<128x128xf32, #tpu.memory_space<vmem>>, vector<1x16xf32>,
      %swap3A_127 = vector.shape_cast %swap3A_126 : vector<1x16xf32> to vector<16xf32>
      %swap3A_128 = vector.shape_cast %broadcast_in_dim3A_123 : vector<16xf32> to vector<1x16xf32>
      tpu.vector_store %arg10[%swap3A_124, %swap3A_125], %swap3A_128 {strides = array<i32>} : memref<128x128xf32, #tpu.memory_space<vmem>>, vector<1x16xf32>,
      %broadcast_in_dim3A_129 = arith.constant 0.000000e+00 : f32
      %broadcast_in_dim3A_130 = vector.broadcast %broadcast_in_dim3A_129 : f32 to vector<16xf32>
      %swap3A_131 = arith.index_cast %scan3A_116 : i32 to index
      %swap3A_132 = arith.constant 32 : index
      %swap3A_133 = tpu.vector_load %arg10[%swap3A_131, %swap3A_132] {strides = array<i32>} : memref<128x128xf32, #tpu.memory_space<vmem>>, vector<1x16xf32>,
      %swap3A_134 = vector.shape_cast %swap3A_133 : vector<1x16xf32> to vector<16xf32>
      %swap3A_135 = vector.shape_cast %broadcast_in_dim3A_130 : vector<16xf32> to vector<1x16xf32>
      tpu.vector_store %arg10[%swap3A_131, %swap3A_132], %swap3A_135 {strides = array<i32>} : memref<128x128xf32, #tpu.memory_space<vmem>>, vector<1x16xf32>,
      %broadcast_in_dim3A_136 = arith.constant 0.000000e+00 : f32
      %broadcast_in_dim3A_137 = vector.broadcast %broadcast_in_dim3A_136 : f32 to vector<16xf32>
      %swap3A_138 = arith.index_cast %scan3A_116 : i32 to index
      %swap3A_139 = arith.constant 48 : index
      %swap3A_140 = tpu.vector_load %arg10[%swap3A_138, %swap3A_139] {strides = array<i32>} : memref<128x128xf32, #tpu.memory_space<vmem>>, vector<1x16xf32>,
      %swap3A_141 = vector.shape_cast %swap3A_140 : vector<1x16xf32> to vector<16xf32>
      %swap3A_142 = vector.shape_cast %broadcast_in_dim3A_137 : vector<16xf32> to vector<1x16xf32>
      tpu.vector_store %arg10[%swap3A_138, %swap3A_139], %swap3A_142 {strides = array<i32>} : memref<128x128xf32, #tpu.memory_space<vmem>>, vector<1x16xf32>,
      %broadcast_in_dim3A_143 = arith.constant 0.000000e+00 : f32
      %broadcast_in_dim3A_144 = vector.broadcast %broadcast_in_dim3A_143 : f32 to vector<16xf32>
      %swap3A_145 = arith.index_cast %scan3A_116 : i32 to index
      %swap3A_146 = arith.constant 64 : index
      %swap3A_147 = tpu.vector_load %arg10[%swap3A_145, %swap3A_146] {strides = array<i32>} : memref<128x128xf32, #tpu.memory_space<vmem>>, vector<1x16xf32>,
      %swap3A_148 = vector.shape_cast %swap3A_147 : vector<1x16xf32> to vector<16xf32>
      %swap3A_149 = vector.shape_cast %broadcast_in_dim3A_144 : vector<16xf32> to vector<1x16xf32>
      tpu.vector_store %arg10[%swap3A_145, %swap3A_146], %swap3A_149 {strides = array<i32>} : memref<128x128xf32, #tpu.memory_space<vmem>>, vector<1x16xf32>,
      %broadcast_in_dim3A_150 = arith.constant 0.000000e+00 : f32
      %broadcast_in_dim3A_151 = vector.broadcast %broadcast_in_dim3A_150 : f32 to vector<16xf32>
      %swap3A_152 = arith.index_cast %scan3A_116 : i32 to index
      %swap3A_153 = arith.constant 80 : index
      %swap3A_154 = tpu.vector_load %arg10[%swap3A_152, %swap3A_153] {strides = array<i32>} : memref<128x128xf32, #tpu.memory_space<vmem>>, vector<1x16xf32>,
      %swap3A_155 = vector.shape_cast %swap3A_154 : vector<1x16xf32> to vector<16xf32>
      %swap3A_156 = vector.shape_cast %broadcast_in_dim3A_151 : vector<16xf32> to vector<1x16xf32>
      tpu.vector_store %arg10[%swap3A_152, %swap3A_153], %swap3A_156 {strides = array<i32>} : memref<128x128xf32, #tpu.memory_space<vmem>>, vector<1x16xf32>,
      %broadcast_in_dim3A_157 = arith.constant 0.000000e+00 : f32
      %broadcast_in_dim3A_158 = vector.broadcast %broadcast_in_dim3A_157 : f32 to vector<16xf32>
      %swap3A_159 = arith.index_cast %scan3A_116 : i32 to index
      %swap3A_160 = arith.constant 96 : index
      %swap3A_161 = tpu.vector_load %arg10[%swap3A_159, %swap3A_160] {strides = array<i32>} : memref<128x128xf32, #tpu.memory_space<vmem>>, vector<1x16xf32>,
      %swap3A_162 = vector.shape_cast %swap3A_161 : vector<1x16xf32> to vector<16xf32>
      %swap3A_163 = vector.shape_cast %broadcast_in_dim3A_158 : vector<16xf32> to vector<1x16xf32>
      tpu.vector_store %arg10[%swap3A_159, %swap3A_160], %swap3A_163 {strides = array<i32>} : memref<128x128xf32, #tpu.memory_space<vmem>>, vector<1x16xf32>,
      %broadcast_in_dim3A_164 = arith.constant 0.000000e+00 : f32
      %broadcast_in_dim3A_165 = vector.broadcast %broadcast_in_dim3A_164 : f32 to vector<16xf32>
      %swap3A_166 = arith.index_cast %scan3A_116 : i32 to index
      %swap3A_167 = arith.constant 112 : index
      %swap3A_168 = tpu.vector_load %arg10[%swap3A_166, %swap3A_167] {strides = array<i32>} : memref<128x128xf32, #tpu.memory_space<vmem>>, vector<1x16xf32>,
      %swap3A_169 = vector.shape_cast %swap3A_168 : vector<1x16xf32> to vector<16xf32>
      %swap3A_170 = vector.shape_cast %broadcast_in_dim3A_165 : vector<16xf32> to vector<1x16xf32>
      tpu.vector_store %arg10[%swap3A_166, %swap3A_167], %swap3A_170 {strides = array<i32>} : memref<128x128xf32, #tpu.memory_space<vmem>>, vector<1x16xf32>,
    }
    %scan3A_4 = arith.constant 128 : i32
    %mul3A_5 = arith.constant 640 : i32
    %mul3A_6 = arith.muli %arg1, %mul3A_5 : i32
    %add3A_7 = arith.constant 0 : i32
    %add3A_8 = arith.addi %mul3A_6, %add3A_7 : i32
    %dma_start3A = arith.constant 0 : i32
    %dma_start3A_9 = tpu.memref_slice %arg12[%add3A_8, %dma_start3A] : memref<10240x128xf32, #tpu.memory_space<vmem_shared>> -> memref<128x128xf32, #tpu.memory_space<vmem_shared>>
    %dma_start3A_10 = arith.constant 0 : i32
    %dma_start3A_11 = tpu.memref_slice %arg12[%add3A_8, %dma_start3A_10] : memref<10240x128xf32, #tpu.memory_space<vmem_shared>> -> memref<128x128xf32, #tpu.memory_space<vmem_shared>>
    tpu.enqueue_dma source(%arg10 : memref<128x128xf32, #tpu.memory_space<vmem>>) target(%dma_start3A_11 : memref<128x128xf32, #tpu.memory_space<vmem_shared>>) target_semaphore(%arg13 : memref<!tpu.dma_semaphore, #tpu.memory_space<semaphore_mem>>)
    %mul3A_12 = arith.constant 640 : i32
    %mul3A_13 = arith.muli %arg1, %mul3A_12 : i32
    %add3A_14 = arith.constant 128 : i32
    %add3A_15 = arith.addi %mul3A_13, %add3A_14 : i32
    %dma_start3A_16 = arith.constant 0 : i32
    %dma_start3A_17 = tpu.memref_slice %arg12[%add3A_15, %dma_start3A_16] : memref<10240x128xf32, #tpu.memory_space<vmem_shared>> -> memref<128x128xf32, #tpu.memory_space<vmem_shared>>
    %dma_start3A_18 = arith.constant 0 : i32
    %dma_start3A_19 = tpu.memref_slice %arg12[%add3A_15, %dma_start3A_18] : memref<10240x128xf32, #tpu.memory_space<vmem_shared>> -> memref<128x128xf32, #tpu.memory_space<vmem_shared>>
    tpu.enqueue_dma source(%arg10 : memref<128x128xf32, #tpu.memory_space<vmem>>) target(%dma_start3A_19 : memref<128x128xf32, #tpu.memory_space<vmem_shared>>) target_semaphore(%arg13 : memref<!tpu.dma_semaphore, #tpu.memory_space<semaphore_mem>>)
    %mul3A_20 = arith.constant 640 : i32
    %mul3A_21 = arith.muli %arg1, %mul3A_20 : i32
    %add3A_22 = arith.constant 256 : i32
    %add3A_23 = arith.addi %mul3A_21, %add3A_22 : i32
    %dma_start3A_24 = arith.constant 0 : i32
    %dma_start3A_25 = tpu.memref_slice %arg12[%add3A_23, %dma_start3A_24] : memref<10240x128xf32, #tpu.memory_space<vmem_shared>> -> memref<128x128xf32, #tpu.memory_space<vmem_shared>>
    %dma_start3A_26 = arith.constant 0 : i32
    %dma_start3A_27 = tpu.memref_slice %arg12[%add3A_23, %dma_start3A_26] : memref<10240x128xf32, #tpu.memory_space<vmem_shared>> -> memref<128x128xf32, #tpu.memory_space<vmem_shared>>
    tpu.enqueue_dma source(%arg10 : memref<128x128xf32, #tpu.memory_space<vmem>>) target(%dma_start3A_27 : memref<128x128xf32, #tpu.memory_space<vmem_shared>>) target_semaphore(%arg13 : memref<!tpu.dma_semaphore, #tpu.memory_space<semaphore_mem>>)
    %mul3A_28 = arith.constant 640 : i32
    %mul3A_29 = arith.muli %arg1, %mul3A_28 : i32
    %add3A_30 = arith.constant 384 : i32
    %add3A_31 = arith.addi %mul3A_29, %add3A_30 : i32
    %dma_start3A_32 = arith.constant 0 : i32
    %dma_start3A_33 = tpu.memref_slice %arg12[%add3A_31, %dma_start3A_32] : memref<10240x128xf32, #tpu.memory_space<vmem_shared>> -> memref<128x128xf32, #tpu.memory_space<vmem_shared>>
    %dma_start3A_34 = arith.constant 0 : i32
    %dma_start3A_35 = tpu.memref_slice %arg12[%add3A_31, %dma_start3A_34] : memref<10240x128xf32, #tpu.memory_space<vmem_shared>> -> memref<128x128xf32, #tpu.memory_space<vmem_shared>>
    tpu.enqueue_dma source(%arg10 : memref<128x128xf32, #tpu.memory_space<vmem>>) target(%dma_start3A_35 : memref<128x128xf32, #tpu.memory_space<vmem_shared>>) target_semaphore(%arg13 : memref<!tpu.dma_semaphore, #tpu.memory_space<semaphore_mem>>)
    %mul3A_36 = arith.constant 640 : i32
    %mul3A_37 = arith.muli %arg1, %mul3A_36 : i32
    %add3A_38 = arith.constant 512 : i32
    %add3A_39 = arith.addi %mul3A_37, %add3A_38 : i32
    %dma_start3A_40 = arith.constant 0 : i32
    %dma_start3A_41 = tpu.memref_slice %arg12[%add3A_39, %dma_start3A_40] : memref<10240x128xf32, #tpu.memory_space<vmem_shared>> -> memref<128x128xf32, #tpu.memory_space<vmem_shared>>
    %dma_start3A_42 = arith.constant 0 : i32
    %dma_start3A_43 = tpu.memref_slice %arg12[%add3A_39, %dma_start3A_42] : memref<10240x128xf32, #tpu.memory_space<vmem_shared>> -> memref<128x128xf32, #tpu.memory_space<vmem_shared>>
    tpu.enqueue_dma source(%arg10 : memref<128x128xf32, #tpu.memory_space<vmem>>) target(%dma_start3A_43 : memref<128x128xf32, #tpu.memory_space<vmem_shared>>) target_semaphore(%arg13 : memref<!tpu.dma_semaphore, #tpu.memory_space<semaphore_mem>>)
    %dma_wait3A = arith.constant 0 : i32
    %dma_wait3A_44 = tpu.memref_slice %arg12[%add3A_8, %dma_wait3A] : memref<10240x128xf32, #tpu.memory_space<vmem_shared>> -> memref<128x128xf32, #tpu.memory_space<vmem_shared>>
    %dma_wait3A_45 = arith.constant 0 : i32
    %dma_wait3A_46 = tpu.memref_slice %arg12[%add3A_8, %dma_wait3A_45] : memref<10240x128xf32, #tpu.memory_space<vmem_shared>> -> memref<128x128xf32, #tpu.memory_space<vmem_shared>>
    tpu.wait_dma2 semaphore(%arg13 : memref<!tpu.dma_semaphore, #tpu.memory_space<semaphore_mem>>) src(%arg10 : memref<128x128xf32, #tpu.memory_space<vmem>>) dst(%dma_wait3A_46 : memref<128x128xf32, #tpu.memory_space<vmem_shared>>)
    %dma_wait3A_47 = arith.constant 0 : i32
    %dma_wait3A_48 = tpu.memref_slice %arg12[%add3A_15, %dma_wait3A_47] : memref<10240x128xf32, #tpu.memory_space<vmem_shared>> -> memref<128x128xf32, #tpu.memory_space<vmem_shared>>
    %dma_wait3A_49 = arith.constant 0 : i32
    %dma_wait3A_50 = tpu.memref_slice %arg12[%add3A_15, %dma_wait3A_49] : memref<10240x128xf32, #tpu.memory_space<vmem_shared>> -> memref<128x128xf32, #tpu.memory_space<vmem_shared>>
    tpu.wait_dma2 semaphore(%arg13 : memref<!tpu.dma_semaphore, #tpu.memory_space<semaphore_mem>>) src(%arg10 : memref<128x128xf32, #tpu.memory_space<vmem>>) dst(%dma_wait3A_50 : memref<128x128xf32, #tpu.memory_space<vmem_shared>>)
    %dma_wait3A_51 = arith.constant 0 : i32
    %dma_wait3A_52 = tpu.memref_slice %arg12[%add3A_23, %dma_wait3A_51] : memref<10240x128xf32, #tpu.memory_space<vmem_shared>> -> memref<128x128xf32, #tpu.memory_space<vmem_shared>>
    %dma_wait3A_53 = arith.constant 0 : i32
    %dma_wait3A_54 = tpu.memref_slice %arg12[%add3A_23, %dma_wait3A_53] : memref<10240x128xf32, #tpu.memory_space<vmem_shared>> -> memref<128x128xf32, #tpu.memory_space<vmem_shared>>
    tpu.wait_dma2 semaphore(%arg13 : memref<!tpu.dma_semaphore, #tpu.memory_space<semaphore_mem>>) src(%arg10 : memref<128x128xf32, #tpu.memory_space<vmem>>) dst(%dma_wait3A_54 : memref<128x128xf32, #tpu.memory_space<vmem_shared>>)
    %dma_wait3A_55 = arith.constant 0 : i32
    %dma_wait3A_56 = tpu.memref_slice %arg12[%add3A_31, %dma_wait3A_55] : memref<10240x128xf32, #tpu.memory_space<vmem_shared>> -> memref<128x128xf32, #tpu.memory_space<vmem_shared>>
    %dma_wait3A_57 = arith.constant 0 : i32
    %dma_wait3A_58 = tpu.memref_slice %arg12[%add3A_31, %dma_wait3A_57] : memref<10240x128xf32, #tpu.memory_space<vmem_shared>> -> memref<128x128xf32, #tpu.memory_space<vmem_shared>>
    tpu.wait_dma2 semaphore(%arg13 : memref<!tpu.dma_semaphore, #tpu.memory_space<semaphore_mem>>) src(%arg10 : memref<128x128xf32, #tpu.memory_space<vmem>>) dst(%dma_wait3A_58 : memref<128x128xf32, #tpu.memory_space<vmem_shared>>)
    %dma_wait3A_59 = arith.constant 0 : i32
    %dma_wait3A_60 = tpu.memref_slice %arg12[%add3A_39, %dma_wait3A_59] : memref<10240x128xf32, #tpu.memory_space<vmem_shared>> -> memref<128x128xf32, #tpu.memory_space<vmem_shared>>
    %dma_wait3A_61 = arith.constant 0 : i32
    %dma_wait3A_62 = tpu.memref_slice %arg12[%add3A_39, %dma_wait3A_61] : memref<10240x128xf32, #tpu.memory_space<vmem_shared>> -> memref<128x128xf32, #tpu.memory_space<vmem_shared>>
    tpu.wait_dma2 semaphore(%arg13 : memref<!tpu.dma_semaphore, #tpu.memory_space<semaphore_mem>>) src(%arg10 : memref<128x128xf32, #tpu.memory_space<vmem>>) dst(%dma_wait3A_62 : memref<128x128xf32, #tpu.memory_space<vmem_shared>>)
    %mul3A_63 = arith.constant 80 : i32
    %mul3A_64 = arith.muli %add3A, %mul3A_63 : i32
    %dma_start3A_65 = arith.constant 0 : i32
    %dma_start3A_66 = tpu.memref_slice %arg3[%mul3A_64, %dma_start3A_65] : memref<2560x128xi32, #tpu.memory_space<hbm>> -> memref<8x128xi32, #tpu.memory_space<hbm>>
    %dma_start3A_67 = arith.constant 0 : i32
    %dma_start3A_68 = tpu.memref_slice %arg3[%mul3A_64, %dma_start3A_67] : memref<2560x128xi32, #tpu.memory_space<hbm>> -> memref<8x128xi32, #tpu.memory_space<hbm>>
    tpu.enqueue_dma source(%dma_start3A_68 : memref<8x128xi32, #tpu.memory_space<hbm>>) target(%arg6 : memref<8x128xi32, #tpu.memory_space<vmem>>) target_semaphore(%arg17 : memref<!tpu.dma_semaphore, #tpu.memory_space<semaphore_mem>>)
    %dma_start3A_69 = arith.constant 0 : i32
    %dma_start3A_70 = tpu.memref_slice %arg4[%mul3A_64, %dma_start3A_69] : memref<2560x128xi32, #tpu.memory_space<hbm>> -> memref<8x128xi32, #tpu.memory_space<hbm>>
    %dma_start3A_71 = arith.constant 0 : i32
    %dma_start3A_72 = tpu.memref_slice %arg4[%mul3A_64, %dma_start3A_71] : memref<2560x128xi32, #tpu.memory_space<hbm>> -> memref<8x128xi32, #tpu.memory_space<hbm>>
    tpu.enqueue_dma source(%dma_start3A_72 : memref<8x128xi32, #tpu.memory_space<hbm>>) target(%arg7 : memref<8x128xi32, #tpu.memory_space<vmem>>) target_semaphore(%arg17 : memref<!tpu.dma_semaphore, #tpu.memory_space<semaphore_mem>>)
    %add3A_73 = arith.constant 8 : i32
    %add3A_74 = arith.addi %mul3A_64, %add3A_73 : i32
    %dma_start3A_75 = arith.constant 0 : i32
    %dma_start3A_76 = tpu.memref_slice %arg3[%add3A_74, %dma_start3A_75] : memref<2560x128xi32, #tpu.memory_space<hbm>> -> memref<8x128xi32, #tpu.memory_space<hbm>>
    %dma_start3A_77 = arith.constant 0 : i32
    %dma_start3A_78 = tpu.memref_slice %arg3[%add3A_74, %dma_start3A_77] : memref<2560x128xi32, #tpu.memory_space<hbm>> -> memref<8x128xi32, #tpu.memory_space<hbm>>
    tpu.enqueue_dma source(%dma_start3A_78 : memref<8x128xi32, #tpu.memory_space<hbm>>) target(%arg8 : memref<8x128xi32, #tpu.memory_space<vmem>>) target_semaphore(%arg18 : memref<!tpu.dma_semaphore, #tpu.memory_space<semaphore_mem>>)
    %add3A_79 = arith.constant 8 : i32
    %add3A_80 = arith.addi %mul3A_64, %add3A_79 : i32
    %dma_start3A_81 = arith.constant 0 : i32
    %dma_start3A_82 = tpu.memref_slice %arg4[%add3A_80, %dma_start3A_81] : memref<2560x128xi32, #tpu.memory_space<hbm>> -> memref<8x128xi32, #tpu.memory_space<hbm>>
    %dma_start3A_83 = arith.constant 0 : i32
    %dma_start3A_84 = tpu.memref_slice %arg4[%add3A_80, %dma_start3A_83] : memref<2560x128xi32, #tpu.memory_space<hbm>> -> memref<8x128xi32, #tpu.memory_space<hbm>>
    tpu.enqueue_dma source(%dma_start3A_84 : memref<8x128xi32, #tpu.memory_space<hbm>>) target(%arg9 : memref<8x128xi32, #tpu.memory_space<vmem>>) target_semaphore(%arg18 : memref<!tpu.dma_semaphore, #tpu.memory_space<semaphore_mem>>)
    %dma_wait3A_85 = arith.constant 0 : i32
    %dma_wait3A_86 = tpu.memref_slice %arg3[%mul3A_64, %dma_wait3A_85] : memref<2560x128xi32, #tpu.memory_space<hbm>> -> memref<8x128xi32, #tpu.memory_space<hbm>>
    %dma_wait3A_87 = arith.constant 0 : i32
    %dma_wait3A_88 = tpu.memref_slice %arg3[%mul3A_64, %dma_wait3A_87] : memref<2560x128xi32, #tpu.memory_space<hbm>> -> memref<8x128xi32, #tpu.memory_space<hbm>>
    tpu.wait_dma2 semaphore(%arg17 : memref<!tpu.dma_semaphore, #tpu.memory_space<semaphore_mem>>) src(%dma_wait3A_88 : memref<8x128xi32, #tpu.memory_space<hbm>>) dst(%arg6 : memref<8x128xi32, #tpu.memory_space<vmem>>)
    %dma_wait3A_89 = arith.constant 0 : i32
    %dma_wait3A_90 = tpu.memref_slice %arg4[%mul3A_64, %dma_wait3A_89] : memref<2560x128xi32, #tpu.memory_space<hbm>> -> memref<8x128xi32, #tpu.memory_space<hbm>>
    %dma_wait3A_91 = arith.constant 0 : i32
    %dma_wait3A_92 = tpu.memref_slice %arg4[%mul3A_64, %dma_wait3A_91] : memref<2560x128xi32, #tpu.memory_space<hbm>> -> memref<8x128xi32, #tpu.memory_space<hbm>>
    tpu.wait_dma2 semaphore(%arg17 : memref<!tpu.dma_semaphore, #tpu.memory_space<semaphore_mem>>) src(%dma_wait3A_92 : memref<8x128xi32, #tpu.memory_space<hbm>>) dst(%arg7 : memref<8x128xi32, #tpu.memory_space<vmem>>)
    %barrier3A = arith.constant 0 : index
    tpu.barrier barrier_id(%barrier3A)
    %dma_start3A_93 = arith.constant 0 : i32
    %dma_start3A_94 = arith.constant 0 : i32
    %dma_start3A_95 = tpu.memref_slice %arg6[%dma_start3A_93, %dma_start3A_94] : memref<8x128xi32, #tpu.memory_space<vmem>> -> memref<1x128xi32, #tpu.memory_space<vmem>>
    %dma_start3A_96 = tpu.memref_squeeze %dma_start3A_95 : memref<1x128xi32, #tpu.memory_space<vmem>> -> memref<128xi32, #tpu.memory_space<vmem>>
    %dma_start3A_97 = arith.constant 0 : i32
    %dma_start3A_98 = arith.constant 0 : i32
    %dma_start3A_99 = tpu.memref_slice %arg2[%dma_start3A_97, %dma_start3A_98] : memref<10000x128xf32, #tpu.memory_space<hbm>> -> memref<10000x128xf32, #tpu.memory_space<hbm>>
    tpu.enqueue_indirect_dma source(%dma_start3A_99 : memref<10000x128xf32, #tpu.memory_space<hbm>>) target(%arg10 : memref<128x128xf32, #tpu.memory_space<vmem>>) offsets(%dma_start3A_96 : memref<128xi32, #tpu.memory_space<vmem>>) semaphore(%arg13 : memref<!tpu.dma_semaphore, #tpu.memory_space<semaphore_mem>>)
    %scan3A_100 = arith.constant 0 : i32
    %scan3A_101 = arith.constant 5 : i32
    %scan3A_102 = arith.addi %scan3A_100, %scan3A_101 : i32
    %scan3A_103 = arith.constant 1 : i32
    scf.for %scan3A_116 = %scan3A_100 to %scan3A_102 step %scan3A_103  : i32 {
      %mul3A_117 = arith.constant 2 : i32
      %mul3A_118 = arith.muli %scan3A_116, %mul3A_117 : i32
      %add3A_119 = arith.constant 0 : i32
      %add3A_120 = arith.addi %mul3A_118, %add3A_119 : i32
      %gt3A = arith.constant 0 : i32
      %gt3A_121 = arith.cmpi sgt, %scan3A_116, %gt3A : i32
      %convert_element_type3A = arith.extui %gt3A_121 : i1 to i32
      %cond3A = arith.constant 0 : i32
      %cond3A_122 = arith.cmpi ne, %convert_element_type3A, %cond3A : i32
      scf.if %cond3A_122 {
        %dma_wait3A_584 = arith.constant 0 : i32
        %dma_wait3A_585 = arith.constant 0 : i32
        %dma_wait3A_586 = tpu.memref_slice %arg2[%dma_wait3A_584, %dma_wait3A_585] : memref<10000x128xf32, #tpu.memory_space<hbm>> -> memref<128x128xf32, #tpu.memory_space<hbm>>
        %dma_wait3A_587 = arith.constant 0 : i32
        %dma_wait3A_588 = arith.constant 0 : i32
        %dma_wait3A_589 = tpu.memref_slice %arg2[%dma_wait3A_587, %dma_wait3A_588] : memref<10000x128xf32, #tpu.memory_space<hbm>> -> memref<128x128xf32, #tpu.memory_space<hbm>>
        tpu.wait_dma2 semaphore(%arg16 : memref<!tpu.dma_semaphore, #tpu.memory_space<semaphore_mem>>) src(%dma_wait3A_589 : memref<128x128xf32, #tpu.memory_space<hbm>>) dst(%arg11 : memref<128x128xf32, #tpu.memory_space<vmem>>)
      } else {
      }
      %dma_start3A_123 = arith.constant 1 : i32
      %dma_start3A_124 = arith.constant 0 : i32
      %dma_start3A_125 = tpu.memref_slice %arg6[%dma_start3A_123, %dma_start3A_124] : memref<8x128xi32, #tpu.memory_space<vmem>> -> memref<1x128xi32, #tpu.memory_space<vmem>>
      %dma_start3A_126 = tpu.memref_squeeze %dma_start3A_125 : memref<1x128xi32, #tpu.memory_space<vmem>> -> memref<128xi32, #tpu.memory_space<vmem>>
      %dma_start3A_127 = arith.constant 0 : i32
      %dma_start3A_128 = arith.constant 0 : i32
      %dma_start3A_129 = tpu.memref_slice %arg2[%dma_start3A_127, %dma_start3A_128] : memref<10000x128xf32, #tpu.memory_space<hbm>> -> memref<10000x128xf32, #tpu.memory_space<hbm>>
      tpu.enqueue_indirect_dma source(%dma_start3A_129 : memref<10000x128xf32, #tpu.memory_space<hbm>>) target(%arg11 : memref<128x128xf32, #tpu.memory_space<vmem>>) offsets(%dma_start3A_126 : memref<128xi32, #tpu.memory_space<vmem>>) semaphore(%arg14 : memref<!tpu.dma_semaphore, #tpu.memory_space<semaphore_mem>>)
      %dma_wait3A_130 = arith.constant 0 : i32
      %dma_wait3A_131 = arith.constant 0 : i32
      %dma_wait3A_132 = tpu.memref_slice %arg2[%dma_wait3A_130, %dma_wait3A_131] : memref<10000x128xf32, #tpu.memory_space<hbm>> -> memref<128x128xf32, #tpu.memory_space<hbm>>
      %dma_wait3A_133 = arith.constant 0 : i32
      %dma_wait3A_134 = arith.constant 0 : i32
      %dma_wait3A_135 = tpu.memref_slice %arg2[%dma_wait3A_133, %dma_wait3A_134] : memref<10000x128xf32, #tpu.memory_space<hbm>> -> memref<128x128xf32, #tpu.memory_space<hbm>>
      tpu.wait_dma2 semaphore(%arg13 : memref<!tpu.dma_semaphore, #tpu.memory_space<semaphore_mem>>) src(%dma_wait3A_135 : memref<128x128xf32, #tpu.memory_space<hbm>>) dst(%arg10 : memref<128x128xf32, #tpu.memory_space<vmem>>)
      %dma_start3A_136 = arith.constant 0 : i32
      %dma_start3A_137 = arith.constant 0 : i32
      %dma_start3A_138 = tpu.memref_slice %arg7[%dma_start3A_136, %dma_start3A_137] : memref<8x128xi32, #tpu.memory_space<vmem>> -> memref<1x128xi32, #tpu.memory_space<vmem>>
      %dma_start3A_139 = tpu.memref_squeeze %dma_start3A_138 : memref<1x128xi32, #tpu.memory_space<vmem>> -> memref<128xi32, #tpu.memory_space<vmem>>
      %dma_start3A_140 = arith.constant 0 : i32
      %dma_start3A_141 = arith.constant 0 : i32
      %dma_start3A_142 = tpu.memref_slice %arg12[%dma_start3A_140, %dma_start3A_141] : memref<10240x128xf32, #tpu.memory_space<vmem_shared>> -> memref<10240x128xf32, #tpu.memory_space<vmem_shared>>
      tpu.enqueue_indirect_dma source(%arg10 : memref<128x128xf32, #tpu.memory_space<vmem>>) target(%dma_start3A_142 : memref<10240x128xf32, #tpu.memory_space<vmem_shared>>) offsets(%dma_start3A_139 : memref<128xi32, #tpu.memory_space<vmem>>) semaphore(%arg15 : memref<!tpu.dma_semaphore, #tpu.memory_space<semaphore_mem>>) {add = true}
      %dma_wait3A_143 = arith.constant 0 : i32
      %dma_wait3A_144 = arith.constant 0 : i32
      %dma_wait3A_145 = tpu.memref_slice %arg7[%dma_wait3A_143, %dma_wait3A_144] : memref<8x128xi32, #tpu.memory_space<vmem>> -> memref<1x128xi32, #tpu.memory_space<vmem>>
      %dma_wait3A_146 = tpu.memref_squeeze %dma_wait3A_145 : memref<1x128xi32, #tpu.memory_space<vmem>> -> memref<128xi32, #tpu.memory_space<vmem>>
      %dma_wait3A_147 = arith.constant 0 : i32
      %dma_wait3A_148 = arith.constant 0 : i32
      %dma_wait3A_149 = tpu.memref_slice %arg12[%dma_wait3A_147, %dma_wait3A_148] : memref<10240x128xf32, #tpu.memory_space<vmem_shared>> -> memref<10240x128xf32, #tpu.memory_space<vmem_shared>>
      tpu.wait_indirect_dma semaphore(%arg15 : memref<!tpu.dma_semaphore, #tpu.memory_space<semaphore_mem>>) src(%arg10 : memref<128x128xf32, #tpu.memory_space<vmem>>) dst(%dma_wait3A_149 : memref<10240x128xf32, #tpu.memory_space<vmem_shared>>)
      %dma_start3A_150 = arith.constant 2 : i32
      %dma_start3A_151 = arith.constant 0 : i32
      %dma_start3A_152 = tpu.memref_slice %arg6[%dma_start3A_150, %dma_start3A_151] : memref<8x128xi32, #tpu.memory_space<vmem>> -> memref<1x128xi32, #tpu.memory_space<vmem>>
      %dma_start3A_153 = tpu.memref_squeeze %dma_start3A_152 : memref<1x128xi32, #tpu.memory_space<vmem>> -> memref<128xi32, #tpu.memory_space<vmem>>
      %dma_start3A_154 = arith.constant 0 : i32
      %dma_start3A_155 = arith.constant 0 : i32
      %dma_start3A_156 = tpu.memref_slice %arg2[%dma_start3A_154, %dma_start3A_155] : memref<10000x128xf32, #tpu.memory_space<hbm>> -> memref<10000x128xf32, #tpu.memory_space<hbm>>
      tpu.enqueue_indirect_dma source(%dma_start3A_156 : memref<10000x128xf32, #tpu.memory_space<hbm>>) target(%arg10 : memref<128x128xf32, #tpu.memory_space<vmem>>) offsets(%dma_start3A_153 : memref<128xi32, #tpu.memory_space<vmem>>) semaphore(%arg13 : memref<!tpu.dma_semaphore, #tpu.memory_space<semaphore_mem>>)
      %dma_wait3A_157 = arith.constant 1 : i32
      %dma_wait3A_158 = arith.constant 0 : i32
      %dma_wait3A_159 = tpu.memref_slice %arg6[%dma_wait3A_157, %dma_wait3A_158] : memref<8x128xi32, #tpu.memory_space<vmem>> -> memref<1x128xi32, #tpu.memory_space<vmem>>
      %dma_wait3A_160 = tpu.memref_squeeze %dma_wait3A_159 : memref<1x128xi32, #tpu.memory_space<vmem>> -> memref<128xi32, #tpu.memory_space<vmem>>
      %dma_wait3A_161 = arith.constant 0 : i32
      %dma_wait3A_162 = arith.constant 0 : i32
      %dma_wait3A_163 = tpu.memref_slice %arg2[%dma_wait3A_161, %dma_wait3A_162] : memref<10000x128xf32, #tpu.memory_space<hbm>> -> memref<10000x128xf32, #tpu.memory_space<hbm>>
      tpu.wait_indirect_dma semaphore(%arg14 : memref<!tpu.dma_semaphore, #tpu.memory_space<semaphore_mem>>) src(%dma_wait3A_163 : memref<10000x128xf32, #tpu.memory_space<hbm>>) dst(%arg11 : memref<128x128xf32, #tpu.memory_space<vmem>>)
      %dma_start3A_164 = arith.constant 1 : i32
      %dma_start3A_165 = arith.constant 0 : i32
      %dma_start3A_166 = tpu.memref_slice %arg7[%dma_start3A_164, %dma_start3A_165] : memref<8x128xi32, #tpu.memory_space<vmem>> -> memref<1x128xi32, #tpu.memory_space<vmem>>
      %dma_start3A_167 = tpu.memref_squeeze %dma_start3A_166 : memref<1x128xi32, #tpu.memory_space<vmem>> -> memref<128xi32, #tpu.memory_space<vmem>>
      %dma_start3A_168 = arith.constant 0 : i32
      %dma_start3A_169 = arith.constant 0 : i32
      %dma_start3A_170 = tpu.memref_slice %arg12[%dma_start3A_168, %dma_start3A_169] : memref<10240x128xf32, #tpu.memory_space<vmem_shared>> -> memref<10240x128xf32, #tpu.memory_space<vmem_shared>>
      tpu.enqueue_indirect_dma source(%arg11 : memref<128x128xf32, #tpu.memory_space<vmem>>) target(%dma_start3A_170 : memref<10240x128xf32, #tpu.memory_space<vmem_shared>>) offsets(%dma_start3A_167 : memref<128xi32, #tpu.memory_space<vmem>>) semaphore(%arg16 : memref<!tpu.dma_semaphore, #tpu.memory_space<semaphore_mem>>) {add = true}
      %dma_wait3A_171 = arith.constant 1 : i32
      %dma_wait3A_172 = arith.constant 0 : i32
      %dma_wait3A_173 = tpu.memref_slice %arg7[%dma_wait3A_171, %dma_wait3A_172] : memref<8x128xi32, #tpu.memory_space<vmem>> -> memref<1x128xi32, #tpu.memory_space<vmem>>
      %dma_wait3A_174 = tpu.memref_squeeze %dma_wait3A_173 : memref<1x128xi32, #tpu.memory_space<vmem>> -> memref<128xi32, #tpu.memory_space<vmem>>
      %dma_wait3A_175 = arith.constant 0 : i32
      %dma_wait3A_176 = arith.constant 0 : i32
      %dma_wait3A_177 = tpu.memref_slice %arg12[%dma_wait3A_175, %dma_wait3A_176] : memref<10240x128xf32, #tpu.memory_space<vmem_shared>> -> memref<10240x128xf32, #tpu.memory_space<vmem_shared>>
      tpu.wait_indirect_dma semaphore(%arg16 : memref<!tpu.dma_semaphore, #tpu.memory_space<semaphore_mem>>) src(%arg11 : memref<128x128xf32, #tpu.memory_space<vmem>>) dst(%dma_wait3A_177 : memref<10240x128xf32, #tpu.memory_space<vmem_shared>>)
      %dma_start3A_178 = arith.constant 3 : i32
      %dma_start3A_179 = arith.constant 0 : i32
      %dma_start3A_180 = tpu.memref_slice %arg6[%dma_start3A_178, %dma_start3A_179] : memref<8x128xi32, #tpu.memory_space<vmem>> -> memref<1x128xi32, #tpu.memory_space<vmem>>
      %dma_start3A_181 = tpu.memref_squeeze %dma_start3A_180 : memref<1x128xi32, #tpu.memory_space<vmem>> -> memref<128xi32, #tpu.memory_space<vmem>>
      %dma_start3A_182 = arith.constant 0 : i32
      %dma_start3A_183 = arith.constant 0 : i32
      %dma_start3A_184 = tpu.memref_slice %arg2[%dma_start3A_182, %dma_start3A_183] : memref<10000x128xf32, #tpu.memory_space<hbm>> -> memref<10000x128xf32, #tpu.memory_space<hbm>>
      tpu.enqueue_indirect_dma source(%dma_start3A_184 : memref<10000x128xf32, #tpu.memory_space<hbm>>) target(%arg11 : memref<128x128xf32, #tpu.memory_space<vmem>>) offsets(%dma_start3A_181 : memref<128xi32, #tpu.memory_space<vmem>>) semaphore(%arg14 : memref<!tpu.dma_semaphore, #tpu.memory_space<semaphore_mem>>)
      %dma_wait3A_185 = arith.constant 2 : i32
      %dma_wait3A_186 = arith.constant 0 : i32
      %dma_wait3A_187 = tpu.memref_slice %arg6[%dma_wait3A_185, %dma_wait3A_186] : memref<8x128xi32, #tpu.memory_space<vmem>> -> memref<1x128xi32, #tpu.memory_space<vmem>>
      %dma_wait3A_188 = tpu.memref_squeeze %dma_wait3A_187 : memref<1x128xi32, #tpu.memory_space<vmem>> -> memref<128xi32, #tpu.memory_space<vmem>>
      %dma_wait3A_189 = arith.constant 0 : i32
      %dma_wait3A_190 = arith.constant 0 : i32
      %dma_wait3A_191 = tpu.memref_slice %arg2[%dma_wait3A_189, %dma_wait3A_190] : memref<10000x128xf32, #tpu.memory_space<hbm>> -> memref<10000x128xf32, #tpu.memory_space<hbm>>
      tpu.wait_indirect_dma semaphore(%arg13 : memref<!tpu.dma_semaphore, #tpu.memory_space<semaphore_mem>>) src(%dma_wait3A_191 : memref<10000x128xf32, #tpu.memory_space<hbm>>) dst(%arg10 : memref<128x128xf32, #tpu.memory_space<vmem>>)
      %dma_start3A_192 = arith.constant 2 : i32
      %dma_start3A_193 = arith.constant 0 : i32
      %dma_start3A_194 = tpu.memref_slice %arg7[%dma_start3A_192, %dma_start3A_193] : memref<8x128xi32, #tpu.memory_space<vmem>> -> memref<1x128xi32, #tpu.memory_space<vmem>>
      %dma_start3A_195 = tpu.memref_squeeze %dma_start3A_194 : memref<1x128xi32, #tpu.memory_space<vmem>> -> memref<128xi32, #tpu.memory_space<vmem>>
      %dma_start3A_196 = arith.constant 0 : i32
      %dma_start3A_197 = arith.constant 0 : i32
      %dma_start3A_198 = tpu.memref_slice %arg12[%dma_start3A_196, %dma_start3A_197] : memref<10240x128xf32, #tpu.memory_space<vmem_shared>> -> memref<10240x128xf32, #tpu.memory_space<vmem_shared>>
      tpu.enqueue_indirect_dma source(%arg10 : memref<128x128xf32, #tpu.memory_space<vmem>>) target(%dma_start3A_198 : memref<10240x128xf32, #tpu.memory_space<vmem_shared>>) offsets(%dma_start3A_195 : memref<128xi32, #tpu.memory_space<vmem>>) semaphore(%arg15 : memref<!tpu.dma_semaphore, #tpu.memory_space<semaphore_mem>>) {add = true}
      %dma_wait3A_199 = arith.constant 2 : i32
      %dma_wait3A_200 = arith.constant 0 : i32
      %dma_wait3A_201 = tpu.memref_slice %arg7[%dma_wait3A_199, %dma_wait3A_200] : memref<8x128xi32, #tpu.memory_space<vmem>> -> memref<1x128xi32, #tpu.memory_space<vmem>>
      %dma_wait3A_202 = tpu.memref_squeeze %dma_wait3A_201 : memref<1x128xi32, #tpu.memory_space<vmem>> -> memref<128xi32, #tpu.memory_space<vmem>>
      %dma_wait3A_203 = arith.constant 0 : i32
      %dma_wait3A_204 = arith.constant 0 : i32
      %dma_wait3A_205 = tpu.memref_slice %arg12[%dma_wait3A_203, %dma_wait3A_204] : memref<10240x128xf32, #tpu.memory_space<vmem_shared>> -> memref<10240x128xf32, #tpu.memory_space<vmem_shared>>
      tpu.wait_indirect_dma semaphore(%arg15 : memref<!tpu.dma_semaphore, #tpu.memory_space<semaphore_mem>>) src(%arg10 : memref<128x128xf32, #tpu.memory_space<vmem>>) dst(%dma_wait3A_205 : memref<10240x128xf32, #tpu.memory_space<vmem_shared>>)
      %dma_start3A_206 = arith.constant 4 : i32
      %dma_start3A_207 = arith.constant 0 : i32
      %dma_start3A_208 = tpu.memref_slice %arg6[%dma_start3A_206, %dma_start3A_207] : memref<8x128xi32, #tpu.memory_space<vmem>> -> memref<1x128xi32, #tpu.memory_space<vmem>>
      %dma_start3A_209 = tpu.memref_squeeze %dma_start3A_208 : memref<1x128xi32, #tpu.memory_space<vmem>> -> memref<128xi32, #tpu.memory_space<vmem>>
      %dma_start3A_210 = arith.constant 0 : i32
      %dma_start3A_211 = arith.constant 0 : i32
      %dma_start3A_212 = tpu.memref_slice %arg2[%dma_start3A_210, %dma_start3A_211] : memref<10000x128xf32, #tpu.memory_space<hbm>> -> memref<10000x128xf32, #tpu.memory_space<hbm>>
      tpu.enqueue_indirect_dma source(%dma_start3A_212 : memref<10000x128xf32, #tpu.memory_space<hbm>>) target(%arg10 : memref<128x128xf32, #tpu.memory_space<vmem>>) offsets(%dma_start3A_209 : memref<128xi32, #tpu.memory_space<vmem>>) semaphore(%arg13 : memref<!tpu.dma_semaphore, #tpu.memory_space<semaphore_mem>>)
      %dma_wait3A_213 = arith.constant 3 : i32
      %dma_wait3A_214 = arith.constant 0 : i32
      %dma_wait3A_215 = tpu.memref_slice %arg6[%dma_wait3A_213, %dma_wait3A_214] : memref<8x128xi32, #tpu.memory_space<vmem>> -> memref<1x128xi32, #tpu.memory_space<vmem>>
      %dma_wait3A_216 = tpu.memref_squeeze %dma_wait3A_215 : memref<1x128xi32, #tpu.memory_space<vmem>> -> memref<128xi32, #tpu.memory_space<vmem>>
      %dma_wait3A_217 = arith.constant 0 : i32
      %dma_wait3A_218 = arith.constant 0 : i32
      %dma_wait3A_219 = tpu.memref_slice %arg2[%dma_wait3A_217, %dma_wait3A_218] : memref<10000x128xf32, #tpu.memory_space<hbm>> -> memref<10000x128xf32, #tpu.memory_space<hbm>>
      tpu.wait_indirect_dma semaphore(%arg14 : memref<!tpu.dma_semaphore, #tpu.memory_space<semaphore_mem>>) src(%dma_wait3A_219 : memref<10000x128xf32, #tpu.memory_space<hbm>>) dst(%arg11 : memref<128x128xf32, #tpu.memory_space<vmem>>)
      %dma_start3A_220 = arith.constant 3 : i32
      %dma_start3A_221 = arith.constant 0 : i32
      %dma_start3A_222 = tpu.memref_slice %arg7[%dma_start3A_220, %dma_start3A_221] : memref<8x128xi32, #tpu.memory_space<vmem>> -> memref<1x128xi32, #tpu.memory_space<vmem>>
      %dma_start3A_223 = tpu.memref_squeeze %dma_start3A_222 : memref<1x128xi32, #tpu.memory_space<vmem>> -> memref<128xi32, #tpu.memory_space<vmem>>
      %dma_start3A_224 = arith.constant 0 : i32
      %dma_start3A_225 = arith.constant 0 : i32
      %dma_start3A_226 = tpu.memref_slice %arg12[%dma_start3A_224, %dma_start3A_225] : memref<10240x128xf32, #tpu.memory_space<vmem_shared>> -> memref<10240x128xf32, #tpu.memory_space<vmem_shared>>
      tpu.enqueue_indirect_dma source(%arg11 : memref<128x128xf32, #tpu.memory_space<vmem>>) target(%dma_start3A_226 : memref<10240x128xf32, #tpu.memory_space<vmem_shared>>) offsets(%dma_start3A_223 : memref<128xi32, #tpu.memory_space<vmem>>) semaphore(%arg16 : memref<!tpu.dma_semaphore, #tpu.memory_space<semaphore_mem>>) {add = true}
      %dma_wait3A_227 = arith.constant 3 : i32
      %dma_wait3A_228 = arith.constant 0 : i32
      %dma_wait3A_229 = tpu.memref_slice %arg7[%dma_wait3A_227, %dma_wait3A_228] : memref<8x128xi32, #tpu.memory_space<vmem>> -> memref<1x128xi32, #tpu.memory_space<vmem>>
      %dma_wait3A_230 = tpu.memref_squeeze %dma_wait3A_229 : memref<1x128xi32, #tpu.memory_space<vmem>> -> memref<128xi32, #tpu.memory_space<vmem>>
      %dma_wait3A_231 = arith.constant 0 : i32
      %dma_wait3A_232 = arith.constant 0 : i32
      %dma_wait3A_233 = tpu.memref_slice %arg12[%dma_wait3A_231, %dma_wait3A_232] : memref<10240x128xf32, #tpu.memory_space<vmem_shared>> -> memref<10240x128xf32, #tpu.memory_space<vmem_shared>>
      tpu.wait_indirect_dma semaphore(%arg16 : memref<!tpu.dma_semaphore, #tpu.memory_space<semaphore_mem>>) src(%arg11 : memref<128x128xf32, #tpu.memory_space<vmem>>) dst(%dma_wait3A_233 : memref<10240x128xf32, #tpu.memory_space<vmem_shared>>)
      %dma_start3A_234 = arith.constant 5 : i32
      %dma_start3A_235 = arith.constant 0 : i32
      %dma_start3A_236 = tpu.memref_slice %arg6[%dma_start3A_234, %dma_start3A_235] : memref<8x128xi32, #tpu.memory_space<vmem>> -> memref<1x128xi32, #tpu.memory_space<vmem>>
      %dma_start3A_237 = tpu.memref_squeeze %dma_start3A_236 : memref<1x128xi32, #tpu.memory_space<vmem>> -> memref<128xi32, #tpu.memory_space<vmem>>
      %dma_start3A_238 = arith.constant 0 : i32
      %dma_start3A_239 = arith.constant 0 : i32
      %dma_start3A_240 = tpu.memref_slice %arg2[%dma_start3A_238, %dma_start3A_239] : memref<10000x128xf32, #tpu.memory_space<hbm>> -> memref<10000x128xf32, #tpu.memory_space<hbm>>
      tpu.enqueue_indirect_dma source(%dma_start3A_240 : memref<10000x128xf32, #tpu.memory_space<hbm>>) target(%arg11 : memref<128x128xf32, #tpu.memory_space<vmem>>) offsets(%dma_start3A_237 : memref<128xi32, #tpu.memory_space<vmem>>) semaphore(%arg14 : memref<!tpu.dma_semaphore, #tpu.memory_space<semaphore_mem>>)
      %dma_wait3A_241 = arith.constant 4 : i32
      %dma_wait3A_242 = arith.constant 0 : i32
      %dma_wait3A_243 = tpu.memref_slice %arg6[%dma_wait3A_241, %dma_wait3A_242] : memref<8x128xi32, #tpu.memory_space<vmem>> -> memref<1x128xi32, #tpu.memory_space<vmem>>
      %dma_wait3A_244 = tpu.memref_squeeze %dma_wait3A_243 : memref<1x128xi32, #tpu.memory_space<vmem>> -> memref<128xi32, #tpu.memory_space<vmem>>
      %dma_wait3A_245 = arith.constant 0 : i32
      %dma_wait3A_246 = arith.constant 0 : i32
      %dma_wait3A_247 = tpu.memref_slice %arg2[%dma_wait3A_245, %dma_wait3A_246] : memref<10000x128xf32, #tpu.memory_space<hbm>> -> memref<10000x128xf32, #tpu.memory_space<hbm>>
      tpu.wait_indirect_dma semaphore(%arg13 : memref<!tpu.dma_semaphore, #tpu.memory_space<semaphore_mem>>) src(%dma_wait3A_247 : memref<10000x128xf32, #tpu.memory_space<hbm>>) dst(%arg10 : memref<128x128xf32, #tpu.memory_space<vmem>>)
      %dma_start3A_248 = arith.constant 4 : i32
      %dma_start3A_249 = arith.constant 0 : i32
      %dma_start3A_250 = tpu.memref_slice %arg7[%dma_start3A_248, %dma_start3A_249] : memref<8x128xi32, #tpu.memory_space<vmem>> -> memref<1x128xi32, #tpu.memory_space<vmem>>
      %dma_start3A_251 = tpu.memref_squeeze %dma_start3A_250 : memref<1x128xi32, #tpu.memory_space<vmem>> -> memref<128xi32, #tpu.memory_space<vmem>>
      %dma_start3A_252 = arith.constant 0 : i32
      %dma_start3A_253 = arith.constant 0 : i32
      %dma_start3A_254 = tpu.memref_slice %arg12[%dma_start3A_252, %dma_start3A_253] : memref<10240x128xf32, #tpu.memory_space<vmem_shared>> -> memref<10240x128xf32, #tpu.memory_space<vmem_shared>>
      tpu.enqueue_indirect_dma source(%arg10 : memref<128x128xf32, #tpu.memory_space<vmem>>) target(%dma_start3A_254 : memref<10240x128xf32, #tpu.memory_space<vmem_shared>>) offsets(%dma_start3A_251 : memref<128xi32, #tpu.memory_space<vmem>>) semaphore(%arg15 : memref<!tpu.dma_semaphore, #tpu.memory_space<semaphore_mem>>) {add = true}
      %dma_wait3A_255 = arith.constant 4 : i32
      %dma_wait3A_256 = arith.constant 0 : i32
      %dma_wait3A_257 = tpu.memref_slice %arg7[%dma_wait3A_255, %dma_wait3A_256] : memref<8x128xi32, #tpu.memory_space<vmem>> -> memref<1x128xi32, #tpu.memory_space<vmem>>
      %dma_wait3A_258 = tpu.memref_squeeze %dma_wait3A_257 : memref<1x128xi32, #tpu.memory_space<vmem>> -> memref<128xi32, #tpu.memory_space<vmem>>
      %dma_wait3A_259 = arith.constant 0 : i32
      %dma_wait3A_260 = arith.constant 0 : i32
      %dma_wait3A_261 = tpu.memref_slice %arg12[%dma_wait3A_259, %dma_wait3A_260] : memref<10240x128xf32, #tpu.memory_space<vmem_shared>> -> memref<10240x128xf32, #tpu.memory_space<vmem_shared>>
      tpu.wait_indirect_dma semaphore(%arg15 : memref<!tpu.dma_semaphore, #tpu.memory_space<semaphore_mem>>) src(%arg10 : memref<128x128xf32, #tpu.memory_space<vmem>>) dst(%dma_wait3A_261 : memref<10240x128xf32, #tpu.memory_space<vmem_shared>>)
      %dma_start3A_262 = arith.constant 6 : i32
      %dma_start3A_263 = arith.constant 0 : i32
      %dma_start3A_264 = tpu.memref_slice %arg6[%dma_start3A_262, %dma_start3A_263] : memref<8x128xi32, #tpu.memory_space<vmem>> -> memref<1x128xi32, #tpu.memory_space<vmem>>
      %dma_start3A_265 = tpu.memref_squeeze %dma_start3A_264 : memref<1x128xi32, #tpu.memory_space<vmem>> -> memref<128xi32, #tpu.memory_space<vmem>>
      %dma_start3A_266 = arith.constant 0 : i32
      %dma_start3A_267 = arith.constant 0 : i32
      %dma_start3A_268 = tpu.memref_slice %arg2[%dma_start3A_266, %dma_start3A_267] : memref<10000x128xf32, #tpu.memory_space<hbm>> -> memref<10000x128xf32, #tpu.memory_space<hbm>>
      tpu.enqueue_indirect_dma source(%dma_start3A_268 : memref<10000x128xf32, #tpu.memory_space<hbm>>) target(%arg10 : memref<128x128xf32, #tpu.memory_space<vmem>>) offsets(%dma_start3A_265 : memref<128xi32, #tpu.memory_space<vmem>>) semaphore(%arg13 : memref<!tpu.dma_semaphore, #tpu.memory_space<semaphore_mem>>)
      %dma_wait3A_269 = arith.constant 5 : i32
      %dma_wait3A_270 = arith.constant 0 : i32
      %dma_wait3A_271 = tpu.memref_slice %arg6[%dma_wait3A_269, %dma_wait3A_270] : memref<8x128xi32, #tpu.memory_space<vmem>> -> memref<1x128xi32, #tpu.memory_space<vmem>>
      %dma_wait3A_272 = tpu.memref_squeeze %dma_wait3A_271 : memref<1x128xi32, #tpu.memory_space<vmem>> -> memref<128xi32, #tpu.memory_space<vmem>>
      %dma_wait3A_273 = arith.constant 0 : i32
      %dma_wait3A_274 = arith.constant 0 : i32
      %dma_wait3A_275 = tpu.memref_slice %arg2[%dma_wait3A_273, %dma_wait3A_274] : memref<10000x128xf32, #tpu.memory_space<hbm>> -> memref<10000x128xf32, #tpu.memory_space<hbm>>
      tpu.wait_indirect_dma semaphore(%arg14 : memref<!tpu.dma_semaphore, #tpu.memory_space<semaphore_mem>>) src(%dma_wait3A_275 : memref<10000x128xf32, #tpu.memory_space<hbm>>) dst(%arg11 : memref<128x128xf32, #tpu.memory_space<vmem>>)
      %dma_start3A_276 = arith.constant 5 : i32
      %dma_start3A_277 = arith.constant 0 : i32
      %dma_start3A_278 = tpu.memref_slice %arg7[%dma_start3A_276, %dma_start3A_277] : memref<8x128xi32, #tpu.memory_space<vmem>> -> memref<1x128xi32, #tpu.memory_space<vmem>>
      %dma_start3A_279 = tpu.memref_squeeze %dma_start3A_278 : memref<1x128xi32, #tpu.memory_space<vmem>> -> memref<128xi32, #tpu.memory_space<vmem>>
      %dma_start3A_280 = arith.constant 0 : i32
      %dma_start3A_281 = arith.constant 0 : i32
      %dma_start3A_282 = tpu.memref_slice %arg12[%dma_start3A_280, %dma_start3A_281] : memref<10240x128xf32, #tpu.memory_space<vmem_shared>> -> memref<10240x128xf32, #tpu.memory_space<vmem_shared>>
      tpu.enqueue_indirect_dma source(%arg11 : memref<128x128xf32, #tpu.memory_space<vmem>>) target(%dma_start3A_282 : memref<10240x128xf32, #tpu.memory_space<vmem_shared>>) offsets(%dma_start3A_279 : memref<128xi32, #tpu.memory_space<vmem>>) semaphore(%arg16 : memref<!tpu.dma_semaphore, #tpu.memory_space<semaphore_mem>>) {add = true}
      %dma_wait3A_283 = arith.constant 5 : i32
      %dma_wait3A_284 = arith.constant 0 : i32
      %dma_wait3A_285 = tpu.memref_slice %arg7[%dma_wait3A_283, %dma_wait3A_284] : memref<8x128xi32, #tpu.memory_space<vmem>> -> memref<1x128xi32, #tpu.memory_space<vmem>>
      %dma_wait3A_286 = tpu.memref_squeeze %dma_wait3A_285 : memref<1x128xi32, #tpu.memory_space<vmem>> -> memref<128xi32, #tpu.memory_space<vmem>>
      %dma_wait3A_287 = arith.constant 0 : i32
      %dma_wait3A_288 = arith.constant 0 : i32
      %dma_wait3A_289 = tpu.memref_slice %arg12[%dma_wait3A_287, %dma_wait3A_288] : memref<10240x128xf32, #tpu.memory_space<vmem_shared>> -> memref<10240x128xf32, #tpu.memory_space<vmem_shared>>
      tpu.wait_indirect_dma semaphore(%arg16 : memref<!tpu.dma_semaphore, #tpu.memory_space<semaphore_mem>>) src(%arg11 : memref<128x128xf32, #tpu.memory_space<vmem>>) dst(%dma_wait3A_289 : memref<10240x128xf32, #tpu.memory_space<vmem_shared>>)
      %dma_start3A_290 = arith.constant 7 : i32
      %dma_start3A_291 = arith.constant 0 : i32
      %dma_start3A_292 = tpu.memref_slice %arg6[%dma_start3A_290, %dma_start3A_291] : memref<8x128xi32, #tpu.memory_space<vmem>> -> memref<1x128xi32, #tpu.memory_space<vmem>>
      %dma_start3A_293 = tpu.memref_squeeze %dma_start3A_292 : memref<1x128xi32, #tpu.memory_space<vmem>> -> memref<128xi32, #tpu.memory_space<vmem>>
      %dma_start3A_294 = arith.constant 0 : i32
      %dma_start3A_295 = arith.constant 0 : i32
      %dma_start3A_296 = tpu.memref_slice %arg2[%dma_start3A_294, %dma_start3A_295] : memref<10000x128xf32, #tpu.memory_space<hbm>> -> memref<10000x128xf32, #tpu.memory_space<hbm>>
      tpu.enqueue_indirect_dma source(%dma_start3A_296 : memref<10000x128xf32, #tpu.memory_space<hbm>>) target(%arg11 : memref<128x128xf32, #tpu.memory_space<vmem>>) offsets(%dma_start3A_293 : memref<128xi32, #tpu.memory_space<vmem>>) semaphore(%arg14 : memref<!tpu.dma_semaphore, #tpu.memory_space<semaphore_mem>>)
      %dma_wait3A_297 = arith.constant 6 : i32
      %dma_wait3A_298 = arith.constant 0 : i32
      %dma_wait3A_299 = tpu.memref_slice %arg6[%dma_wait3A_297, %dma_wait3A_298] : memref<8x128xi32, #tpu.memory_space<vmem>> -> memref<1x128xi32, #tpu.memory_space<vmem>>
      %dma_wait3A_300 = tpu.memref_squeeze %dma_wait3A_299 : memref<1x128xi32, #tpu.memory_space<vmem>> -> memref<128xi32, #tpu.memory_space<vmem>>
      %dma_wait3A_301 = arith.constant 0 : i32
      %dma_wait3A_302 = arith.constant 0 : i32
      %dma_wait3A_303 = tpu.memref_slice %arg2[%dma_wait3A_301, %dma_wait3A_302] : memref<10000x128xf32, #tpu.memory_space<hbm>> -> memref<10000x128xf32, #tpu.memory_space<hbm>>
      tpu.wait_indirect_dma semaphore(%arg13 : memref<!tpu.dma_semaphore, #tpu.memory_space<semaphore_mem>>) src(%dma_wait3A_303 : memref<10000x128xf32, #tpu.memory_space<hbm>>) dst(%arg10 : memref<128x128xf32, #tpu.memory_space<vmem>>)
      %dma_start3A_304 = arith.constant 6 : i32
      %dma_start3A_305 = arith.constant 0 : i32
      %dma_start3A_306 = tpu.memref_slice %arg7[%dma_start3A_304, %dma_start3A_305] : memref<8x128xi32, #tpu.memory_space<vmem>> -> memref<1x128xi32, #tpu.memory_space<vmem>>
      %dma_start3A_307 = tpu.memref_squeeze %dma_start3A_306 : memref<1x128xi32, #tpu.memory_space<vmem>> -> memref<128xi32, #tpu.memory_space<vmem>>
      %dma_start3A_308 = arith.constant 0 : i32
      %dma_start3A_309 = arith.constant 0 : i32
      %dma_start3A_310 = tpu.memref_slice %arg12[%dma_start3A_308, %dma_start3A_309] : memref<10240x128xf32, #tpu.memory_space<vmem_shared>> -> memref<10240x128xf32, #tpu.memory_space<vmem_shared>>
      tpu.enqueue_indirect_dma source(%arg10 : memref<128x128xf32, #tpu.memory_space<vmem>>) target(%dma_start3A_310 : memref<10240x128xf32, #tpu.memory_space<vmem_shared>>) offsets(%dma_start3A_307 : memref<128xi32, #tpu.memory_space<vmem>>) semaphore(%arg15 : memref<!tpu.dma_semaphore, #tpu.memory_space<semaphore_mem>>) {add = true}
      %dma_wait3A_311 = arith.constant 6 : i32
      %dma_wait3A_312 = arith.constant 0 : i32
      %dma_wait3A_313 = tpu.memref_slice %arg7[%dma_wait3A_311, %dma_wait3A_312] : memref<8x128xi32, #tpu.memory_space<vmem>> -> memref<1x128xi32, #tpu.memory_space<vmem>>
      %dma_wait3A_314 = tpu.memref_squeeze %dma_wait3A_313 : memref<1x128xi32, #tpu.memory_space<vmem>> -> memref<128xi32, #tpu.memory_space<vmem>>
      %dma_wait3A_315 = arith.constant 0 : i32
      %dma_wait3A_316 = arith.constant 0 : i32
      %dma_wait3A_317 = tpu.memref_slice %arg12[%dma_wait3A_315, %dma_wait3A_316] : memref<10240x128xf32, #tpu.memory_space<vmem_shared>> -> memref<10240x128xf32, #tpu.memory_space<vmem_shared>>
      tpu.wait_indirect_dma semaphore(%arg15 : memref<!tpu.dma_semaphore, #tpu.memory_space<semaphore_mem>>) src(%arg10 : memref<128x128xf32, #tpu.memory_space<vmem>>) dst(%dma_wait3A_317 : memref<10240x128xf32, #tpu.memory_space<vmem_shared>>)
      %dma_wait3A_318 = arith.constant 0 : i32
      %dma_wait3A_319 = arith.constant 0 : i32
      %dma_wait3A_320 = tpu.memref_slice %arg3[%dma_wait3A_318, %dma_wait3A_319] : memref<2560x128xi32, #tpu.memory_space<hbm>> -> memref<8x128xi32, #tpu.memory_space<hbm>>
      %dma_wait3A_321 = arith.constant 0 : i32
      %dma_wait3A_322 = arith.constant 0 : i32
      %dma_wait3A_323 = tpu.memref_slice %arg3[%dma_wait3A_321, %dma_wait3A_322] : memref<2560x128xi32, #tpu.memory_space<hbm>> -> memref<8x128xi32, #tpu.memory_space<hbm>>
      tpu.wait_dma2 semaphore(%arg18 : memref<!tpu.dma_semaphore, #tpu.memory_space<semaphore_mem>>) src(%dma_wait3A_323 : memref<8x128xi32, #tpu.memory_space<hbm>>) dst(%arg8 : memref<8x128xi32, #tpu.memory_space<vmem>>)
      %dma_wait3A_324 = arith.constant 0 : i32
      %dma_wait3A_325 = arith.constant 0 : i32
      %dma_wait3A_326 = tpu.memref_slice %arg4[%dma_wait3A_324, %dma_wait3A_325] : memref<2560x128xi32, #tpu.memory_space<hbm>> -> memref<8x128xi32, #tpu.memory_space<hbm>>
      %dma_wait3A_327 = arith.constant 0 : i32
      %dma_wait3A_328 = arith.constant 0 : i32
      %dma_wait3A_329 = tpu.memref_slice %arg4[%dma_wait3A_327, %dma_wait3A_328] : memref<2560x128xi32, #tpu.memory_space<hbm>> -> memref<8x128xi32, #tpu.memory_space<hbm>>
      tpu.wait_dma2 semaphore(%arg18 : memref<!tpu.dma_semaphore, #tpu.memory_space<semaphore_mem>>) src(%dma_wait3A_329 : memref<8x128xi32, #tpu.memory_space<hbm>>) dst(%arg9 : memref<8x128xi32, #tpu.memory_space<vmem>>)
      %dma_start3A_330 = arith.constant 0 : i32
      %dma_start3A_331 = arith.constant 0 : i32
      %dma_start3A_332 = tpu.memref_slice %arg8[%dma_start3A_330, %dma_start3A_331] : memref<8x128xi32, #tpu.memory_space<vmem>> -> memref<1x128xi32, #tpu.memory_space<vmem>>
      %dma_start3A_333 = tpu.memref_squeeze %dma_start3A_332 : memref<1x128xi32, #tpu.memory_space<vmem>> -> memref<128xi32, #tpu.memory_space<vmem>>
      %dma_start3A_334 = arith.constant 0 : i32
      %dma_start3A_335 = arith.constant 0 : i32
      %dma_start3A_336 = tpu.memref_slice %arg2[%dma_start3A_334, %dma_start3A_335] : memref<10000x128xf32, #tpu.memory_space<hbm>> -> memref<10000x128xf32, #tpu.memory_space<hbm>>
      tpu.enqueue_indirect_dma source(%dma_start3A_336 : memref<10000x128xf32, #tpu.memory_space<hbm>>) target(%arg10 : memref<128x128xf32, #tpu.memory_space<vmem>>) offsets(%dma_start3A_333 : memref<128xi32, #tpu.memory_space<vmem>>) semaphore(%arg13 : memref<!tpu.dma_semaphore, #tpu.memory_space<semaphore_mem>>)
      %dma_wait3A_337 = arith.constant 7 : i32
      %dma_wait3A_338 = arith.constant 0 : i32
      %dma_wait3A_339 = tpu.memref_slice %arg6[%dma_wait3A_337, %dma_wait3A_338] : memref<8x128xi32, #tpu.memory_space<vmem>> -> memref<1x128xi32, #tpu.memory_space<vmem>>
      %dma_wait3A_340 = tpu.memref_squeeze %dma_wait3A_339 : memref<1x128xi32, #tpu.memory_space<vmem>> -> memref<128xi32, #tpu.memory_space<vmem>>
      %dma_wait3A_341 = arith.constant 0 : i32
      %dma_wait3A_342 = arith.constant 0 : i32
      %dma_wait3A_343 = tpu.memref_slice %arg2[%dma_wait3A_341, %dma_wait3A_342] : memref<10000x128xf32, #tpu.memory_space<hbm>> -> memref<10000x128xf32, #tpu.memory_space<hbm>>
      tpu.wait_indirect_dma semaphore(%arg14 : memref<!tpu.dma_semaphore, #tpu.memory_space<semaphore_mem>>) src(%dma_wait3A_343 : memref<10000x128xf32, #tpu.memory_space<hbm>>) dst(%arg11 : memref<128x128xf32, #tpu.memory_space<vmem>>)
      %dma_start3A_344 = arith.constant 7 : i32
      %dma_start3A_345 = arith.constant 0 : i32
      %dma_start3A_346 = tpu.memref_slice %arg7[%dma_start3A_344, %dma_start3A_345] : memref<8x128xi32, #tpu.memory_space<vmem>> -> memref<1x128xi32, #tpu.memory_space<vmem>>
      %dma_start3A_347 = tpu.memref_squeeze %dma_start3A_346 : memref<1x128xi32, #tpu.memory_space<vmem>> -> memref<128xi32, #tpu.memory_space<vmem>>
      %dma_start3A_348 = arith.constant 0 : i32
      %dma_start3A_349 = arith.constant 0 : i32
      %dma_start3A_350 = tpu.memref_slice %arg12[%dma_start3A_348, %dma_start3A_349] : memref<10240x128xf32, #tpu.memory_space<vmem_shared>> -> memref<10240x128xf32, #tpu.memory_space<vmem_shared>>
      tpu.enqueue_indirect_dma source(%arg11 : memref<128x128xf32, #tpu.memory_space<vmem>>) target(%dma_start3A_350 : memref<10240x128xf32, #tpu.memory_space<vmem_shared>>) offsets(%dma_start3A_347 : memref<128xi32, #tpu.memory_space<vmem>>) semaphore(%arg16 : memref<!tpu.dma_semaphore, #tpu.memory_space<semaphore_mem>>) {add = true}
      %lt3A = arith.constant 4 : i32
      %lt3A_351 = arith.cmpi slt, %scan3A_116, %lt3A : i32
      %convert_element_type3A_352 = arith.extui %lt3A_351 : i1 to i32
      %cond3A_353 = arith.constant 0 : i32
      %cond3A_354 = arith.cmpi ne, %convert_element_type3A_352, %cond3A_353 : i32
      scf.if %cond3A_354 {
        %mul3A_584 = arith.constant 80 : i32
        %mul3A_585 = arith.muli %add3A, %mul3A_584 : i32
        %add3A_586 = arith.constant 2 : i32
        %add3A_587 = arith.addi %add3A_120, %add3A_586 : i32
        %mul3A_588 = arith.constant 8 : i32
        %mul3A_589 = arith.muli %add3A_587, %mul3A_588 : i32
        %add3A_590 = arith.addi %mul3A_585, %mul3A_589 : i32
        %dma_start3A_591 = arith.constant 0 : i32
        %dma_start3A_592 = tpu.memref_slice %arg3[%add3A_590, %dma_start3A_591] : memref<2560x128xi32, #tpu.memory_space<hbm>> -> memref<8x128xi32, #tpu.memory_space<hbm>>
        %dma_start3A_593 = arith.constant 0 : i32
        %dma_start3A_594 = tpu.memref_slice %arg3[%add3A_590, %dma_start3A_593] : memref<2560x128xi32, #tpu.memory_space<hbm>> -> memref<8x128xi32, #tpu.memory_space<hbm>>
        tpu.enqueue_dma source(%dma_start3A_594 : memref<8x128xi32, #tpu.memory_space<hbm>>) target(%arg6 : memref<8x128xi32, #tpu.memory_space<vmem>>) target_semaphore(%arg17 : memref<!tpu.dma_semaphore, #tpu.memory_space<semaphore_mem>>)
        %dma_start3A_595 = arith.constant 0 : i32
        %dma_start3A_596 = tpu.memref_slice %arg4[%add3A_590, %dma_start3A_595] : memref<2560x128xi32, #tpu.memory_space<hbm>> -> memref<8x128xi32, #tpu.memory_space<hbm>>
        %dma_start3A_597 = arith.constant 0 : i32
        %dma_start3A_598 = tpu.memref_slice %arg4[%add3A_590, %dma_start3A_597] : memref<2560x128xi32, #tpu.memory_space<hbm>> -> memref<8x128xi32, #tpu.memory_space<hbm>>
        tpu.enqueue_dma source(%dma_start3A_598 : memref<8x128xi32, #tpu.memory_space<hbm>>) target(%arg7 : memref<8x128xi32, #tpu.memory_space<vmem>>) target_semaphore(%arg17 : memref<!tpu.dma_semaphore, #tpu.memory_space<semaphore_mem>>)
      } else {
      }
      %mul3A_355 = arith.constant 2 : i32
      %mul3A_356 = arith.muli %scan3A_116, %mul3A_355 : i32
      %add3A_357 = arith.constant 1 : i32
      %add3A_358 = arith.addi %mul3A_356, %add3A_357 : i32
      %dma_wait3A_359 = arith.constant 0 : i32
      %dma_wait3A_360 = arith.constant 0 : i32
      %dma_wait3A_361 = tpu.memref_slice %arg2[%dma_wait3A_359, %dma_wait3A_360] : memref<10000x128xf32, #tpu.memory_space<hbm>> -> memref<128x128xf32, #tpu.memory_space<hbm>>
      %dma_wait3A_362 = arith.constant 0 : i32
      %dma_wait3A_363 = arith.constant 0 : i32
      %dma_wait3A_364 = tpu.memref_slice %arg2[%dma_wait3A_362, %dma_wait3A_363] : memref<10000x128xf32, #tpu.memory_space<hbm>> -> memref<128x128xf32, #tpu.memory_space<hbm>>
      tpu.wait_dma2 semaphore(%arg16 : memref<!tpu.dma_semaphore, #tpu.memory_space<semaphore_mem>>) src(%dma_wait3A_364 : memref<128x128xf32, #tpu.memory_space<hbm>>) dst(%arg11 : memref<128x128xf32, #tpu.memory_space<vmem>>)
      %dma_start3A_365 = arith.constant 1 : i32
      %dma_start3A_366 = arith.constant 0 : i32
      %dma_start3A_367 = tpu.memref_slice %arg8[%dma_start3A_365, %dma_start3A_366] : memref<8x128xi32, #tpu.memory_space<vmem>> -> memref<1x128xi32, #tpu.memory_space<vmem>>
      %dma_start3A_368 = tpu.memref_squeeze %dma_start3A_367 : memref<1x128xi32, #tpu.memory_space<vmem>> -> memref<128xi32, #tpu.memory_space<vmem>>
      %dma_start3A_369 = arith.constant 0 : i32
      %dma_start3A_370 = arith.constant 0 : i32
      %dma_start3A_371 = tpu.memref_slice %arg2[%dma_start3A_369, %dma_start3A_370] : memref<10000x128xf32, #tpu.memory_space<hbm>> -> memref<10000x128xf32, #tpu.memory_space<hbm>>
      tpu.enqueue_indirect_dma source(%dma_start3A_371 : memref<10000x128xf32, #tpu.memory_space<hbm>>) target(%arg11 : memref<128x128xf32, #tpu.memory_space<vmem>>) offsets(%dma_start3A_368 : memref<128xi32, #tpu.memory_space<vmem>>) semaphore(%arg14 : memref<!tpu.dma_semaphore, #tpu.memory_space<semaphore_mem>>)
      %dma_wait3A_372 = arith.constant 0 : i32
      %dma_wait3A_373 = arith.constant 0 : i32
      %dma_wait3A_374 = tpu.memref_slice %arg2[%dma_wait3A_372, %dma_wait3A_373] : memref<10000x128xf32, #tpu.memory_space<hbm>> -> memref<128x128xf32, #tpu.memory_space<hbm>>
      %dma_wait3A_375 = arith.constant 0 : i32
      %dma_wait3A_376 = arith.constant 0 : i32
      %dma_wait3A_377 = tpu.memref_slice %arg2[%dma_wait3A_375, %dma_wait3A_376] : memref<10000x128xf32, #tpu.memory_space<hbm>> -> memref<128x128xf32, #tpu.memory_space<hbm>>
      tpu.wait_dma2 semaphore(%arg13 : memref<!tpu.dma_semaphore, #tpu.memory_space<semaphore_mem>>) src(%dma_wait3A_377 : memref<128x128xf32, #tpu.memory_space<hbm>>) dst(%arg10 : memref<128x128xf32, #tpu.memory_space<vmem>>)
      %dma_start3A_378 = arith.constant 0 : i32
      %dma_start3A_379 = arith.constant 0 : i32
      %dma_start3A_380 = tpu.memref_slice %arg9[%dma_start3A_378, %dma_start3A_379] : memref<8x128xi32, #tpu.memory_space<vmem>> -> memref<1x128xi32, #tpu.memory_space<vmem>>
      %dma_start3A_381 = tpu.memref_squeeze %dma_start3A_380 : memref<1x128xi32, #tpu.memory_space<vmem>> -> memref<128xi32, #tpu.memory_space<vmem>>
      %dma_start3A_382 = arith.constant 0 : i32
      %dma_start3A_383 = arith.constant 0 : i32
      %dma_start3A_384 = tpu.memref_slice %arg12[%dma_start3A_382, %dma_start3A_383] : memref<10240x128xf32, #tpu.memory_space<vmem_shared>> -> memref<10240x128xf32, #tpu.memory_space<vmem_shared>>
      tpu.enqueue_indirect_dma source(%arg10 : memref<128x128xf32, #tpu.memory_space<vmem>>) target(%dma_start3A_384 : memref<10240x128xf32, #tpu.memory_space<vmem_shared>>) offsets(%dma_start3A_381 : memref<128xi32, #tpu.memory_space<vmem>>) semaphore(%arg15 : memref<!tpu.dma_semaphore, #tpu.memory_space<semaphore_mem>>) {add = true}
      %dma_wait3A_385 = arith.constant 0 : i32
      %dma_wait3A_386 = arith.constant 0 : i32
      %dma_wait3A_387 = tpu.memref_slice %arg9[%dma_wait3A_385, %dma_wait3A_386] : memref<8x128xi32, #tpu.memory_space<vmem>> -> memref<1x128xi32, #tpu.memory_space<vmem>>
      %dma_wait3A_388 = tpu.memref_squeeze %dma_wait3A_387 : memref<1x128xi32, #tpu.memory_space<vmem>> -> memref<128xi32, #tpu.memory_space<vmem>>
      %dma_wait3A_389 = arith.constant 0 : i32
      %dma_wait3A_390 = arith.constant 0 : i32
      %dma_wait3A_391 = tpu.memref_slice %arg12[%dma_wait3A_389, %dma_wait3A_390] : memref<10240x128xf32, #tpu.memory_space<vmem_shared>> -> memref<10240x128xf32, #tpu.memory_space<vmem_shared>>
      tpu.wait_indirect_dma semaphore(%arg15 : memref<!tpu.dma_semaphore, #tpu.memory_space<semaphore_mem>>) src(%arg10 : memref<128x128xf32, #tpu.memory_space<vmem>>) dst(%dma_wait3A_391 : memref<10240x128xf32, #tpu.memory_space<vmem_shared>>)
      %dma_start3A_392 = arith.constant 2 : i32
      %dma_start3A_393 = arith.constant 0 : i32
      %dma_start3A_394 = tpu.memref_slice %arg8[%dma_start3A_392, %dma_start3A_393] : memref<8x128xi32, #tpu.memory_space<vmem>> -> memref<1x128xi32, #tpu.memory_space<vmem>>
      %dma_start3A_395 = tpu.memref_squeeze %dma_start3A_394 : memref<1x128xi32, #tpu.memory_space<vmem>> -> memref<128xi32, #tpu.memory_space<vmem>>
      %dma_start3A_396 = arith.constant 0 : i32
      %dma_start3A_397 = arith.constant 0 : i32
      %dma_start3A_398 = tpu.memref_slice %arg2[%dma_start3A_396, %dma_start3A_397] : memref<10000x128xf32, #tpu.memory_space<hbm>> -> memref<10000x128xf32, #tpu.memory_space<hbm>>
      tpu.enqueue_indirect_dma source(%dma_start3A_398 : memref<10000x128xf32, #tpu.memory_space<hbm>>) target(%arg10 : memref<128x128xf32, #tpu.memory_space<vmem>>) offsets(%dma_start3A_395 : memref<128xi32, #tpu.memory_space<vmem>>) semaphore(%arg13 : memref<!tpu.dma_semaphore, #tpu.memory_space<semaphore_mem>>)
      %dma_wait3A_399 = arith.constant 1 : i32
      %dma_wait3A_400 = arith.constant 0 : i32
      %dma_wait3A_401 = tpu.memref_slice %arg8[%dma_wait3A_399, %dma_wait3A_400] : memref<8x128xi32, #tpu.memory_space<vmem>> -> memref<1x128xi32, #tpu.memory_space<vmem>>
      %dma_wait3A_402 = tpu.memref_squeeze %dma_wait3A_401 : memref<1x128xi32, #tpu.memory_space<vmem>> -> memref<128xi32, #tpu.memory_space<vmem>>
      %dma_wait3A_403 = arith.constant 0 : i32
      %dma_wait3A_404 = arith.constant 0 : i32
      %dma_wait3A_405 = tpu.memref_slice %arg2[%dma_wait3A_403, %dma_wait3A_404] : memref<10000x128xf32, #tpu.memory_space<hbm>> -> memref<10000x128xf32, #tpu.memory_space<hbm>>
      tpu.wait_indirect_dma semaphore(%arg14 : memref<!tpu.dma_semaphore, #tpu.memory_space<semaphore_mem>>) src(%dma_wait3A_405 : memref<10000x128xf32, #tpu.memory_space<hbm>>) dst(%arg11 : memref<128x128xf32, #tpu.memory_space<vmem>>)
      %dma_start3A_406 = arith.constant 1 : i32
      %dma_start3A_407 = arith.constant 0 : i32
      %dma_start3A_408 = tpu.memref_slice %arg9[%dma_start3A_406, %dma_start3A_407] : memref<8x128xi32, #tpu.memory_space<vmem>> -> memref<1x128xi32, #tpu.memory_space<vmem>>
      %dma_start3A_409 = tpu.memref_squeeze %dma_start3A_408 : memref<1x128xi32, #tpu.memory_space<vmem>> -> memref<128xi32, #tpu.memory_space<vmem>>
      %dma_start3A_410 = arith.constant 0 : i32
      %dma_start3A_411 = arith.constant 0 : i32
      %dma_start3A_412 = tpu.memref_slice %arg12[%dma_start3A_410, %dma_start3A_411] : memref<10240x128xf32, #tpu.memory_space<vmem_shared>> -> memref<10240x128xf32, #tpu.memory_space<vmem_shared>>
      tpu.enqueue_indirect_dma source(%arg11 : memref<128x128xf32, #tpu.memory_space<vmem>>) target(%dma_start3A_412 : memref<10240x128xf32, #tpu.memory_space<vmem_shared>>) offsets(%dma_start3A_409 : memref<128xi32, #tpu.memory_space<vmem>>) semaphore(%arg16 : memref<!tpu.dma_semaphore, #tpu.memory_space<semaphore_mem>>) {add = true}
      %dma_wait3A_413 = arith.constant 1 : i32
      %dma_wait3A_414 = arith.constant 0 : i32
      %dma_wait3A_415 = tpu.memref_slice %arg9[%dma_wait3A_413, %dma_wait3A_414] : memref<8x128xi32, #tpu.memory_space<vmem>> -> memref<1x128xi32, #tpu.memory_space<vmem>>
      %dma_wait3A_416 = tpu.memref_squeeze %dma_wait3A_415 : memref<1x128xi32, #tpu.memory_space<vmem>> -> memref<128xi32, #tpu.memory_space<vmem>>
      %dma_wait3A_417 = arith.constant 0 : i32
      %dma_wait3A_418 = arith.constant 0 : i32
      %dma_wait3A_419 = tpu.memref_slice %arg12[%dma_wait3A_417, %dma_wait3A_418] : memref<10240x128xf32, #tpu.memory_space<vmem_shared>> -> memref<10240x128xf32, #tpu.memory_space<vmem_shared>>
      tpu.wait_indirect_dma semaphore(%arg16 : memref<!tpu.dma_semaphore, #tpu.memory_space<semaphore_mem>>) src(%arg11 : memref<128x128xf32, #tpu.memory_space<vmem>>) dst(%dma_wait3A_419 : memref<10240x128xf32, #tpu.memory_space<vmem_shared>>)
      %dma_start3A_420 = arith.constant 3 : i32
      %dma_start3A_421 = arith.constant 0 : i32
      %dma_start3A_422 = tpu.memref_slice %arg8[%dma_start3A_420, %dma_start3A_421] : memref<8x128xi32, #tpu.memory_space<vmem>> -> memref<1x128xi32, #tpu.memory_space<vmem>>
      %dma_start3A_423 = tpu.memref_squeeze %dma_start3A_422 : memref<1x128xi32, #tpu.memory_space<vmem>> -> memref<128xi32, #tpu.memory_space<vmem>>
      %dma_start3A_424 = arith.constant 0 : i32
      %dma_start3A_425 = arith.constant 0 : i32
      %dma_start3A_426 = tpu.memref_slice %arg2[%dma_start3A_424, %dma_start3A_425] : memref<10000x128xf32, #tpu.memory_space<hbm>> -> memref<10000x128xf32, #tpu.memory_space<hbm>>
      tpu.enqueue_indirect_dma source(%dma_start3A_426 : memref<10000x128xf32, #tpu.memory_space<hbm>>) target(%arg11 : memref<128x128xf32, #tpu.memory_space<vmem>>) offsets(%dma_start3A_423 : memref<128xi32, #tpu.memory_space<vmem>>) semaphore(%arg14 : memref<!tpu.dma_semaphore, #tpu.memory_space<semaphore_mem>>)
      %dma_wait3A_427 = arith.constant 2 : i32
      %dma_wait3A_428 = arith.constant 0 : i32
      %dma_wait3A_429 = tpu.memref_slice %arg8[%dma_wait3A_427, %dma_wait3A_428] : memref<8x128xi32, #tpu.memory_space<vmem>> -> memref<1x128xi32, #tpu.memory_space<vmem>>
      %dma_wait3A_430 = tpu.memref_squeeze %dma_wait3A_429 : memref<1x128xi32, #tpu.memory_space<vmem>> -> memref<128xi32, #tpu.memory_space<vmem>>
      %dma_wait3A_431 = arith.constant 0 : i32
      %dma_wait3A_432 = arith.constant 0 : i32
      %dma_wait3A_433 = tpu.memref_slice %arg2[%dma_wait3A_431, %dma_wait3A_432] : memref<10000x128xf32, #tpu.memory_space<hbm>> -> memref<10000x128xf32, #tpu.memory_space<hbm>>
      tpu.wait_indirect_dma semaphore(%arg13 : memref<!tpu.dma_semaphore, #tpu.memory_space<semaphore_mem>>) src(%dma_wait3A_433 : memref<10000x128xf32, #tpu.memory_space<hbm>>) dst(%arg10 : memref<128x128xf32, #tpu.memory_space<vmem>>)
      %dma_start3A_434 = arith.constant 2 : i32
      %dma_start3A_435 = arith.constant 0 : i32
      %dma_start3A_436 = tpu.memref_slice %arg9[%dma_start3A_434, %dma_start3A_435] : memref<8x128xi32, #tpu.memory_space<vmem>> -> memref<1x128xi32, #tpu.memory_space<vmem>>
      %dma_start3A_437 = tpu.memref_squeeze %dma_start3A_436 : memref<1x128xi32, #tpu.memory_space<vmem>> -> memref<128xi32, #tpu.memory_space<vmem>>
      %dma_start3A_438 = arith.constant 0 : i32
      %dma_start3A_439 = arith.constant 0 : i32
      %dma_start3A_440 = tpu.memref_slice %arg12[%dma_start3A_438, %dma_start3A_439] : memref<10240x128xf32, #tpu.memory_space<vmem_shared>> -> memref<10240x128xf32, #tpu.memory_space<vmem_shared>>
      tpu.enqueue_indirect_dma source(%arg10 : memref<128x128xf32, #tpu.memory_space<vmem>>) target(%dma_start3A_440 : memref<10240x128xf32, #tpu.memory_space<vmem_shared>>) offsets(%dma_start3A_437 : memref<128xi32, #tpu.memory_space<vmem>>) semaphore(%arg15 : memref<!tpu.dma_semaphore, #tpu.memory_space<semaphore_mem>>) {add = true}
      %dma_wait3A_441 = arith.constant 2 : i32
      %dma_wait3A_442 = arith.constant 0 : i32
      %dma_wait3A_443 = tpu.memref_slice %arg9[%dma_wait3A_441, %dma_wait3A_442] : memref<8x128xi32, #tpu.memory_space<vmem>> -> memref<1x128xi32, #tpu.memory_space<vmem>>
      %dma_wait3A_444 = tpu.memref_squeeze %dma_wait3A_443 : memref<1x128xi32, #tpu.memory_space<vmem>> -> memref<128xi32, #tpu.memory_space<vmem>>
      %dma_wait3A_445 = arith.constant 0 : i32
      %dma_wait3A_446 = arith.constant 0 : i32
      %dma_wait3A_447 = tpu.memref_slice %arg12[%dma_wait3A_445, %dma_wait3A_446] : memref<10240x128xf32, #tpu.memory_space<vmem_shared>> -> memref<10240x128xf32, #tpu.memory_space<vmem_shared>>
      tpu.wait_indirect_dma semaphore(%arg15 : memref<!tpu.dma_semaphore, #tpu.memory_space<semaphore_mem>>) src(%arg10 : memref<128x128xf32, #tpu.memory_space<vmem>>) dst(%dma_wait3A_447 : memref<10240x128xf32, #tpu.memory_space<vmem_shared>>)
      %dma_start3A_448 = arith.constant 4 : i32
      %dma_start3A_449 = arith.constant 0 : i32
      %dma_start3A_450 = tpu.memref_slice %arg8[%dma_start3A_448, %dma_start3A_449] : memref<8x128xi32, #tpu.memory_space<vmem>> -> memref<1x128xi32, #tpu.memory_space<vmem>>
      %dma_start3A_451 = tpu.memref_squeeze %dma_start3A_450 : memref<1x128xi32, #tpu.memory_space<vmem>> -> memref<128xi32, #tpu.memory_space<vmem>>
      %dma_start3A_452 = arith.constant 0 : i32
      %dma_start3A_453 = arith.constant 0 : i32
      %dma_start3A_454 = tpu.memref_slice %arg2[%dma_start3A_452, %dma_start3A_453] : memref<10000x128xf32, #tpu.memory_space<hbm>> -> memref<10000x128xf32, #tpu.memory_space<hbm>>
      tpu.enqueue_indirect_dma source(%dma_start3A_454 : memref<10000x128xf32, #tpu.memory_space<hbm>>) target(%arg10 : memref<128x128xf32, #tpu.memory_space<vmem>>) offsets(%dma_start3A_451 : memref<128xi32, #tpu.memory_space<vmem>>) semaphore(%arg13 : memref<!tpu.dma_semaphore, #tpu.memory_space<semaphore_mem>>)
      %dma_wait3A_455 = arith.constant 3 : i32
      %dma_wait3A_456 = arith.constant 0 : i32
      %dma_wait3A_457 = tpu.memref_slice %arg8[%dma_wait3A_455, %dma_wait3A_456] : memref<8x128xi32, #tpu.memory_space<vmem>> -> memref<1x128xi32, #tpu.memory_space<vmem>>
      %dma_wait3A_458 = tpu.memref_squeeze %dma_wait3A_457 : memref<1x128xi32, #tpu.memory_space<vmem>> -> memref<128xi32, #tpu.memory_space<vmem>>
      %dma_wait3A_459 = arith.constant 0 : i32
      %dma_wait3A_460 = arith.constant 0 : i32
      %dma_wait3A_461 = tpu.memref_slice %arg2[%dma_wait3A_459, %dma_wait3A_460] : memref<10000x128xf32, #tpu.memory_space<hbm>> -> memref<10000x128xf32, #tpu.memory_space<hbm>>
      tpu.wait_indirect_dma semaphore(%arg14 : memref<!tpu.dma_semaphore, #tpu.memory_space<semaphore_mem>>) src(%dma_wait3A_461 : memref<10000x128xf32, #tpu.memory_space<hbm>>) dst(%arg11 : memref<128x128xf32, #tpu.memory_space<vmem>>)
      %dma_start3A_462 = arith.constant 3 : i32
      %dma_start3A_463 = arith.constant 0 : i32
      %dma_start3A_464 = tpu.memref_slice %arg9[%dma_start3A_462, %dma_start3A_463] : memref<8x128xi32, #tpu.memory_space<vmem>> -> memref<1x128xi32, #tpu.memory_space<vmem>>
      %dma_start3A_465 = tpu.memref_squeeze %dma_start3A_464 : memref<1x128xi32, #tpu.memory_space<vmem>> -> memref<128xi32, #tpu.memory_space<vmem>>
      %dma_start3A_466 = arith.constant 0 : i32
      %dma_start3A_467 = arith.constant 0 : i32
      %dma_start3A_468 = tpu.memref_slice %arg12[%dma_start3A_466, %dma_start3A_467] : memref<10240x128xf32, #tpu.memory_space<vmem_shared>> -> memref<10240x128xf32, #tpu.memory_space<vmem_shared>>
      tpu.enqueue_indirect_dma source(%arg11 : memref<128x128xf32, #tpu.memory_space<vmem>>) target(%dma_start3A_468 : memref<10240x128xf32, #tpu.memory_space<vmem_shared>>) offsets(%dma_start3A_465 : memref<128xi32, #tpu.memory_space<vmem>>) semaphore(%arg16 : memref<!tpu.dma_semaphore, #tpu.memory_space<semaphore_mem>>) {add = true}
      %dma_wait3A_469 = arith.constant 3 : i32
      %dma_wait3A_470 = arith.constant 0 : i32
      %dma_wait3A_471 = tpu.memref_slice %arg9[%dma_wait3A_469, %dma_wait3A_470] : memref<8x128xi32, #tpu.memory_space<vmem>> -> memref<1x128xi32, #tpu.memory_space<vmem>>
      %dma_wait3A_472 = tpu.memref_squeeze %dma_wait3A_471 : memref<1x128xi32, #tpu.memory_space<vmem>> -> memref<128xi32, #tpu.memory_space<vmem>>
      %dma_wait3A_473 = arith.constant 0 : i32
      %dma_wait3A_474 = arith.constant 0 : i32
      %dma_wait3A_475 = tpu.memref_slice %arg12[%dma_wait3A_473, %dma_wait3A_474] : memref<10240x128xf32, #tpu.memory_space<vmem_shared>> -> memref<10240x128xf32, #tpu.memory_space<vmem_shared>>
      tpu.wait_indirect_dma semaphore(%arg16 : memref<!tpu.dma_semaphore, #tpu.memory_space<semaphore_mem>>) src(%arg11 : memref<128x128xf32, #tpu.memory_space<vmem>>) dst(%dma_wait3A_475 : memref<10240x128xf32, #tpu.memory_space<vmem_shared>>)
      %dma_start3A_476 = arith.constant 5 : i32
      %dma_start3A_477 = arith.constant 0 : i32
      %dma_start3A_478 = tpu.memref_slice %arg8[%dma_start3A_476, %dma_start3A_477] : memref<8x128xi32, #tpu.memory_space<vmem>> -> memref<1x128xi32, #tpu.memory_space<vmem>>
      %dma_start3A_479 = tpu.memref_squeeze %dma_start3A_478 : memref<1x128xi32, #tpu.memory_space<vmem>> -> memref<128xi32, #tpu.memory_space<vmem>>
      %dma_start3A_480 = arith.constant 0 : i32
      %dma_start3A_481 = arith.constant 0 : i32
      %dma_start3A_482 = tpu.memref_slice %arg2[%dma_start3A_480, %dma_start3A_481] : memref<10000x128xf32, #tpu.memory_space<hbm>> -> memref<10000x128xf32, #tpu.memory_space<hbm>>
      tpu.enqueue_indirect_dma source(%dma_start3A_482 : memref<10000x128xf32, #tpu.memory_space<hbm>>) target(%arg11 : memref<128x128xf32, #tpu.memory_space<vmem>>) offsets(%dma_start3A_479 : memref<128xi32, #tpu.memory_space<vmem>>) semaphore(%arg14 : memref<!tpu.dma_semaphore, #tpu.memory_space<semaphore_mem>>)
      %dma_wait3A_483 = arith.constant 4 : i32
      %dma_wait3A_484 = arith.constant 0 : i32
      %dma_wait3A_485 = tpu.memref_slice %arg8[%dma_wait3A_483, %dma_wait3A_484] : memref<8x128xi32, #tpu.memory_space<vmem>> -> memref<1x128xi32, #tpu.memory_space<vmem>>
      %dma_wait3A_486 = tpu.memref_squeeze %dma_wait3A_485 : memref<1x128xi32, #tpu.memory_space<vmem>> -> memref<128xi32, #tpu.memory_space<vmem>>
      %dma_wait3A_487 = arith.constant 0 : i32
      %dma_wait3A_488 = arith.constant 0 : i32
      %dma_wait3A_489 = tpu.memref_slice %arg2[%dma_wait3A_487, %dma_wait3A_488] : memref<10000x128xf32, #tpu.memory_space<hbm>> -> memref<10000x128xf32, #tpu.memory_space<hbm>>
      tpu.wait_indirect_dma semaphore(%arg13 : memref<!tpu.dma_semaphore, #tpu.memory_space<semaphore_mem>>) src(%dma_wait3A_489 : memref<10000x128xf32, #tpu.memory_space<hbm>>) dst(%arg10 : memref<128x128xf32, #tpu.memory_space<vmem>>)
      %dma_start3A_490 = arith.constant 4 : i32
      %dma_start3A_491 = arith.constant 0 : i32
      %dma_start3A_492 = tpu.memref_slice %arg9[%dma_start3A_490, %dma_start3A_491] : memref<8x128xi32, #tpu.memory_space<vmem>> -> memref<1x128xi32, #tpu.memory_space<vmem>>
      %dma_start3A_493 = tpu.memref_squeeze %dma_start3A_492 : memref<1x128xi32, #tpu.memory_space<vmem>> -> memref<128xi32, #tpu.memory_space<vmem>>
      %dma_start3A_494 = arith.constant 0 : i32
      %dma_start3A_495 = arith.constant 0 : i32
      %dma_start3A_496 = tpu.memref_slice %arg12[%dma_start3A_494, %dma_start3A_495] : memref<10240x128xf32, #tpu.memory_space<vmem_shared>> -> memref<10240x128xf32, #tpu.memory_space<vmem_shared>>
      tpu.enqueue_indirect_dma source(%arg10 : memref<128x128xf32, #tpu.memory_space<vmem>>) target(%dma_start3A_496 : memref<10240x128xf32, #tpu.memory_space<vmem_shared>>) offsets(%dma_start3A_493 : memref<128xi32, #tpu.memory_space<vmem>>) semaphore(%arg15 : memref<!tpu.dma_semaphore, #tpu.memory_space<semaphore_mem>>) {add = true}
      %dma_wait3A_497 = arith.constant 4 : i32
      %dma_wait3A_498 = arith.constant 0 : i32
      %dma_wait3A_499 = tpu.memref_slice %arg9[%dma_wait3A_497, %dma_wait3A_498] : memref<8x128xi32, #tpu.memory_space<vmem>> -> memref<1x128xi32, #tpu.memory_space<vmem>>
      %dma_wait3A_500 = tpu.memref_squeeze %dma_wait3A_499 : memref<1x128xi32, #tpu.memory_space<vmem>> -> memref<128xi32, #tpu.memory_space<vmem>>
      %dma_wait3A_501 = arith.constant 0 : i32
      %dma_wait3A_502 = arith.constant 0 : i32
      %dma_wait3A_503 = tpu.memref_slice %arg12[%dma_wait3A_501, %dma_wait3A_502] : memref<10240x128xf32, #tpu.memory_space<vmem_shared>> -> memref<10240x128xf32, #tpu.memory_space<vmem_shared>>
      tpu.wait_indirect_dma semaphore(%arg15 : memref<!tpu.dma_semaphore, #tpu.memory_space<semaphore_mem>>) src(%arg10 : memref<128x128xf32, #tpu.memory_space<vmem>>) dst(%dma_wait3A_503 : memref<10240x128xf32, #tpu.memory_space<vmem_shared>>)
      %dma_start3A_504 = arith.constant 6 : i32
      %dma_start3A_505 = arith.constant 0 : i32
      %dma_start3A_506 = tpu.memref_slice %arg8[%dma_start3A_504, %dma_start3A_505] : memref<8x128xi32, #tpu.memory_space<vmem>> -> memref<1x128xi32, #tpu.memory_space<vmem>>
      %dma_start3A_507 = tpu.memref_squeeze %dma_start3A_506 : memref<1x128xi32, #tpu.memory_space<vmem>> -> memref<128xi32, #tpu.memory_space<vmem>>
      %dma_start3A_508 = arith.constant 0 : i32
      %dma_start3A_509 = arith.constant 0 : i32
      %dma_start3A_510 = tpu.memref_slice %arg2[%dma_start3A_508, %dma_start3A_509] : memref<10000x128xf32, #tpu.memory_space<hbm>> -> memref<10000x128xf32, #tpu.memory_space<hbm>>
      tpu.enqueue_indirect_dma source(%dma_start3A_510 : memref<10000x128xf32, #tpu.memory_space<hbm>>) target(%arg10 : memref<128x128xf32, #tpu.memory_space<vmem>>) offsets(%dma_start3A_507 : memref<128xi32, #tpu.memory_space<vmem>>) semaphore(%arg13 : memref<!tpu.dma_semaphore, #tpu.memory_space<semaphore_mem>>)
      %dma_wait3A_511 = arith.constant 5 : i32
      %dma_wait3A_512 = arith.constant 0 : i32
      %dma_wait3A_513 = tpu.memref_slice %arg8[%dma_wait3A_511, %dma_wait3A_512] : memref<8x128xi32, #tpu.memory_space<vmem>> -> memref<1x128xi32, #tpu.memory_space<vmem>>
      %dma_wait3A_514 = tpu.memref_squeeze %dma_wait3A_513 : memref<1x128xi32, #tpu.memory_space<vmem>> -> memref<128xi32, #tpu.memory_space<vmem>>
      %dma_wait3A_515 = arith.constant 0 : i32
      %dma_wait3A_516 = arith.constant 0 : i32
      %dma_wait3A_517 = tpu.memref_slice %arg2[%dma_wait3A_515, %dma_wait3A_516] : memref<10000x128xf32, #tpu.memory_space<hbm>> -> memref<10000x128xf32, #tpu.memory_space<hbm>>
      tpu.wait_indirect_dma semaphore(%arg14 : memref<!tpu.dma_semaphore, #tpu.memory_space<semaphore_mem>>) src(%dma_wait3A_517 : memref<10000x128xf32, #tpu.memory_space<hbm>>) dst(%arg11 : memref<128x128xf32, #tpu.memory_space<vmem>>)
      %dma_start3A_518 = arith.constant 5 : i32
      %dma_start3A_519 = arith.constant 0 : i32
      %dma_start3A_520 = tpu.memref_slice %arg9[%dma_start3A_518, %dma_start3A_519] : memref<8x128xi32, #tpu.memory_space<vmem>> -> memref<1x128xi32, #tpu.memory_space<vmem>>
      %dma_start3A_521 = tpu.memref_squeeze %dma_start3A_520 : memref<1x128xi32, #tpu.memory_space<vmem>> -> memref<128xi32, #tpu.memory_space<vmem>>
      %dma_start3A_522 = arith.constant 0 : i32
      %dma_start3A_523 = arith.constant 0 : i32
      %dma_start3A_524 = tpu.memref_slice %arg12[%dma_start3A_522, %dma_start3A_523] : memref<10240x128xf32, #tpu.memory_space<vmem_shared>> -> memref<10240x128xf32, #tpu.memory_space<vmem_shared>>
      tpu.enqueue_indirect_dma source(%arg11 : memref<128x128xf32, #tpu.memory_space<vmem>>) target(%dma_start3A_524 : memref<10240x128xf32, #tpu.memory_space<vmem_shared>>) offsets(%dma_start3A_521 : memref<128xi32, #tpu.memory_space<vmem>>) semaphore(%arg16 : memref<!tpu.dma_semaphore, #tpu.memory_space<semaphore_mem>>) {add = true}
      %dma_wait3A_525 = arith.constant 5 : i32
      %dma_wait3A_526 = arith.constant 0 : i32
      %dma_wait3A_527 = tpu.memref_slice %arg9[%dma_wait3A_525, %dma_wait3A_526] : memref<8x128xi32, #tpu.memory_space<vmem>> -> memref<1x128xi32, #tpu.memory_space<vmem>>
      %dma_wait3A_528 = tpu.memref_squeeze %dma_wait3A_527 : memref<1x128xi32, #tpu.memory_space<vmem>> -> memref<128xi32, #tpu.memory_space<vmem>>
      %dma_wait3A_529 = arith.constant 0 : i32
      %dma_wait3A_530 = arith.constant 0 : i32
      %dma_wait3A_531 = tpu.memref_slice %arg12[%dma_wait3A_529, %dma_wait3A_530] : memref<10240x128xf32, #tpu.memory_space<vmem_shared>> -> memref<10240x128xf32, #tpu.memory_space<vmem_shared>>
      tpu.wait_indirect_dma semaphore(%arg16 : memref<!tpu.dma_semaphore, #tpu.memory_space<semaphore_mem>>) src(%arg11 : memref<128x128xf32, #tpu.memory_space<vmem>>) dst(%dma_wait3A_531 : memref<10240x128xf32, #tpu.memory_space<vmem_shared>>)
      %dma_start3A_532 = arith.constant 7 : i32
      %dma_start3A_533 = arith.constant 0 : i32
      %dma_start3A_534 = tpu.memref_slice %arg8[%dma_start3A_532, %dma_start3A_533] : memref<8x128xi32, #tpu.memory_space<vmem>> -> memref<1x128xi32, #tpu.memory_space<vmem>>
      %dma_start3A_535 = tpu.memref_squeeze %dma_start3A_534 : memref<1x128xi32, #tpu.memory_space<vmem>> -> memref<128xi32, #tpu.memory_space<vmem>>
      %dma_start3A_536 = arith.constant 0 : i32
      %dma_start3A_537 = arith.constant 0 : i32
      %dma_start3A_538 = tpu.memref_slice %arg2[%dma_start3A_536, %dma_start3A_537] : memref<10000x128xf32, #tpu.memory_space<hbm>> -> memref<10000x128xf32, #tpu.memory_space<hbm>>
      tpu.enqueue_indirect_dma source(%dma_start3A_538 : memref<10000x128xf32, #tpu.memory_space<hbm>>) target(%arg11 : memref<128x128xf32, #tpu.memory_space<vmem>>) offsets(%dma_start3A_535 : memref<128xi32, #tpu.memory_space<vmem>>) semaphore(%arg14 : memref<!tpu.dma_semaphore, #tpu.memory_space<semaphore_mem>>)
      %dma_wait3A_539 = arith.constant 6 : i32
      %dma_wait3A_540 = arith.constant 0 : i32
      %dma_wait3A_541 = tpu.memref_slice %arg8[%dma_wait3A_539, %dma_wait3A_540] : memref<8x128xi32, #tpu.memory_space<vmem>> -> memref<1x128xi32, #tpu.memory_space<vmem>>
      %dma_wait3A_542 = tpu.memref_squeeze %dma_wait3A_541 : memref<1x128xi32, #tpu.memory_space<vmem>> -> memref<128xi32, #tpu.memory_space<vmem>>
      %dma_wait3A_543 = arith.constant 0 : i32
      %dma_wait3A_544 = arith.constant 0 : i32
      %dma_wait3A_545 = tpu.memref_slice %arg2[%dma_wait3A_543, %dma_wait3A_544] : memref<10000x128xf32, #tpu.memory_space<hbm>> -> memref<10000x128xf32, #tpu.memory_space<hbm>>
      tpu.wait_indirect_dma semaphore(%arg13 : memref<!tpu.dma_semaphore, #tpu.memory_space<semaphore_mem>>) src(%dma_wait3A_545 : memref<10000x128xf32, #tpu.memory_space<hbm>>) dst(%arg10 : memref<128x128xf32, #tpu.memory_space<vmem>>)
      %dma_start3A_546 = arith.constant 6 : i32
      %dma_start3A_547 = arith.constant 0 : i32
      %dma_start3A_548 = tpu.memref_slice %arg9[%dma_start3A_546, %dma_start3A_547] : memref<8x128xi32, #tpu.memory_space<vmem>> -> memref<1x128xi32, #tpu.memory_space<vmem>>
      %dma_start3A_549 = tpu.memref_squeeze %dma_start3A_548 : memref<1x128xi32, #tpu.memory_space<vmem>> -> memref<128xi32, #tpu.memory_space<vmem>>
      %dma_start3A_550 = arith.constant 0 : i32
      %dma_start3A_551 = arith.constant 0 : i32
      %dma_start3A_552 = tpu.memref_slice %arg12[%dma_start3A_550, %dma_start3A_551] : memref<10240x128xf32, #tpu.memory_space<vmem_shared>> -> memref<10240x128xf32, #tpu.memory_space<vmem_shared>>
      tpu.enqueue_indirect_dma source(%arg10 : memref<128x128xf32, #tpu.memory_space<vmem>>) target(%dma_start3A_552 : memref<10240x128xf32, #tpu.memory_space<vmem_shared>>) offsets(%dma_start3A_549 : memref<128xi32, #tpu.memory_space<vmem>>) semaphore(%arg15 : memref<!tpu.dma_semaphore, #tpu.memory_space<semaphore_mem>>) {add = true}
      %dma_wait3A_553 = arith.constant 6 : i32
      %dma_wait3A_554 = arith.constant 0 : i32
      %dma_wait3A_555 = tpu.memref_slice %arg9[%dma_wait3A_553, %dma_wait3A_554] : memref<8x128xi32, #tpu.memory_space<vmem>> -> memref<1x128xi32, #tpu.memory_space<vmem>>
      %dma_wait3A_556 = tpu.memref_squeeze %dma_wait3A_555 : memref<1x128xi32, #tpu.memory_space<vmem>> -> memref<128xi32, #tpu.memory_space<vmem>>
      %dma_wait3A_557 = arith.constant 0 : i32
      %dma_wait3A_558 = arith.constant 0 : i32
      %dma_wait3A_559 = tpu.memref_slice %arg12[%dma_wait3A_557, %dma_wait3A_558] : memref<10240x128xf32, #tpu.memory_space<vmem_shared>> -> memref<10240x128xf32, #tpu.memory_space<vmem_shared>>
      tpu.wait_indirect_dma semaphore(%arg15 : memref<!tpu.dma_semaphore, #tpu.memory_space<semaphore_mem>>) src(%arg10 : memref<128x128xf32, #tpu.memory_space<vmem>>) dst(%dma_wait3A_559 : memref<10240x128xf32, #tpu.memory_space<vmem_shared>>)
      %lt3A_560 = arith.constant 4 : i32
      %lt3A_561 = arith.cmpi slt, %scan3A_116, %lt3A_560 : i32
      %convert_element_type3A_562 = arith.extui %lt3A_561 : i1 to i32
      %cond3A_563 = arith.constant 0 : i32
      %cond3A_564 = arith.cmpi ne, %convert_element_type3A_562, %cond3A_563 : i32
      scf.if %cond3A_564 {
        %dma_wait3A_584 = arith.constant 0 : i32
        %dma_wait3A_585 = arith.constant 0 : i32
        %dma_wait3A_586 = tpu.memref_slice %arg3[%dma_wait3A_584, %dma_wait3A_585] : memref<2560x128xi32, #tpu.memory_space<hbm>> -> memref<8x128xi32, #tpu.memory_space<hbm>>
        %dma_wait3A_587 = arith.constant 0 : i32
        %dma_wait3A_588 = arith.constant 0 : i32
        %dma_wait3A_589 = tpu.memref_slice %arg3[%dma_wait3A_587, %dma_wait3A_588] : memref<2560x128xi32, #tpu.memory_space<hbm>> -> memref<8x128xi32, #tpu.memory_space<hbm>>
        tpu.wait_dma2 semaphore(%arg17 : memref<!tpu.dma_semaphore, #tpu.memory_space<semaphore_mem>>) src(%dma_wait3A_589 : memref<8x128xi32, #tpu.memory_space<hbm>>) dst(%arg6 : memref<8x128xi32, #tpu.memory_space<vmem>>)
        %dma_wait3A_590 = arith.constant 0 : i32
        %dma_wait3A_591 = arith.constant 0 : i32
        %dma_wait3A_592 = tpu.memref_slice %arg4[%dma_wait3A_590, %dma_wait3A_591] : memref<2560x128xi32, #tpu.memory_space<hbm>> -> memref<8x128xi32, #tpu.memory_space<hbm>>
        %dma_wait3A_593 = arith.constant 0 : i32
        %dma_wait3A_594 = arith.constant 0 : i32
        %dma_wait3A_595 = tpu.memref_slice %arg4[%dma_wait3A_593, %dma_wait3A_594] : memref<2560x128xi32, #tpu.memory_space<hbm>> -> memref<8x128xi32, #tpu.memory_space<hbm>>
        tpu.wait_dma2 semaphore(%arg17 : memref<!tpu.dma_semaphore, #tpu.memory_space<semaphore_mem>>) src(%dma_wait3A_595 : memref<8x128xi32, #tpu.memory_space<hbm>>) dst(%arg7 : memref<8x128xi32, #tpu.memory_space<vmem>>)
        %dma_start3A_596 = arith.constant 0 : i32
        %dma_start3A_597 = arith.constant 0 : i32
        %dma_start3A_598 = tpu.memref_slice %arg6[%dma_start3A_596, %dma_start3A_597] : memref<8x128xi32, #tpu.memory_space<vmem>> -> memref<1x128xi32, #tpu.memory_space<vmem>>
        %dma_start3A_599 = tpu.memref_squeeze %dma_start3A_598 : memref<1x128xi32, #tpu.memory_space<vmem>> -> memref<128xi32, #tpu.memory_space<vmem>>
        %dma_start3A_600 = arith.constant 0 : i32
        %dma_start3A_601 = arith.constant 0 : i32
        %dma_start3A_602 = tpu.memref_slice %arg2[%dma_start3A_600, %dma_start3A_601] : memref<10000x128xf32, #tpu.memory_space<hbm>> -> memref<10000x128xf32, #tpu.memory_space<hbm>>
        tpu.enqueue_indirect_dma source(%dma_start3A_602 : memref<10000x128xf32, #tpu.memory_space<hbm>>) target(%arg10 : memref<128x128xf32, #tpu.memory_space<vmem>>) offsets(%dma_start3A_599 : memref<128xi32, #tpu.memory_space<vmem>>) semaphore(%arg13 : memref<!tpu.dma_semaphore, #tpu.memory_space<semaphore_mem>>)
      } else {
      }
      %dma_wait3A_565 = arith.constant 7 : i32
      %dma_wait3A_566 = arith.constant 0 : i32
      %dma_wait3A_567 = tpu.memref_slice %arg8[%dma_wait3A_565, %dma_wait3A_566] : memref<8x128xi32, #tpu.memory_space<vmem>> -> memref<1x128xi32, #tpu.memory_space<vmem>>
      %dma_wait3A_568 = tpu.memref_squeeze %dma_wait3A_567 : memref<1x128xi32, #tpu.memory_space<vmem>> -> memref<128xi32, #tpu.memory_space<vmem>>
      %dma_wait3A_569 = arith.constant 0 : i32
      %dma_wait3A_570 = arith.constant 0 : i32
      %dma_wait3A_571 = tpu.memref_slice %arg2[%dma_wait3A_569, %dma_wait3A_570] : memref<10000x128xf32, #tpu.memory_space<hbm>> -> memref<10000x128xf32, #tpu.memory_space<hbm>>
      tpu.wait_indirect_dma semaphore(%arg14 : memref<!tpu.dma_semaphore, #tpu.memory_space<semaphore_mem>>) src(%dma_wait3A_571 : memref<10000x128xf32, #tpu.memory_space<hbm>>) dst(%arg11 : memref<128x128xf32, #tpu.memory_space<vmem>>)
      %dma_start3A_572 = arith.constant 7 : i32
      %dma_start3A_573 = arith.constant 0 : i32
      %dma_start3A_574 = tpu.memref_slice %arg9[%dma_start3A_572, %dma_start3A_573] : memref<8x128xi32, #tpu.memory_space<vmem>> -> memref<1x128xi32, #tpu.memory_space<vmem>>
      %dma_start3A_575 = tpu.memref_squeeze %dma_start3A_574 : memref<1x128xi32, #tpu.memory_space<vmem>> -> memref<128xi32, #tpu.memory_space<vmem>>
      %dma_start3A_576 = arith.constant 0 : i32
      %dma_start3A_577 = arith.constant 0 : i32
      %dma_start3A_578 = tpu.memref_slice %arg12[%dma_start3A_576, %dma_start3A_577] : memref<10240x128xf32, #tpu.memory_space<vmem_shared>> -> memref<10240x128xf32, #tpu.memory_space<vmem_shared>>
      tpu.enqueue_indirect_dma source(%arg11 : memref<128x128xf32, #tpu.memory_space<vmem>>) target(%dma_start3A_578 : memref<10240x128xf32, #tpu.memory_space<vmem_shared>>) offsets(%dma_start3A_575 : memref<128xi32, #tpu.memory_space<vmem>>) semaphore(%arg16 : memref<!tpu.dma_semaphore, #tpu.memory_space<semaphore_mem>>) {add = true}
      %lt3A_579 = arith.constant 4 : i32
      %lt3A_580 = arith.cmpi slt, %scan3A_116, %lt3A_579 : i32
      %convert_element_type3A_581 = arith.extui %lt3A_580 : i1 to i32
      %cond3A_582 = arith.constant 0 : i32
      %cond3A_583 = arith.cmpi ne, %convert_element_type3A_581, %cond3A_582 : i32
      scf.if %cond3A_583 {
        %mul3A_584 = arith.constant 80 : i32
        %mul3A_585 = arith.muli %add3A, %mul3A_584 : i32
        %add3A_586 = arith.constant 2 : i32
        %add3A_587 = arith.addi %add3A_358, %add3A_586 : i32
        %mul3A_588 = arith.constant 8 : i32
        %mul3A_589 = arith.muli %add3A_587, %mul3A_588 : i32
        %add3A_590 = arith.addi %mul3A_585, %mul3A_589 : i32
        %dma_start3A_591 = arith.constant 0 : i32
        %dma_start3A_592 = tpu.memref_slice %arg3[%add3A_590, %dma_start3A_591] : memref<2560x128xi32, #tpu.memory_space<hbm>> -> memref<8x128xi32, #tpu.memory_space<hbm>>
        %dma_start3A_593 = arith.constant 0 : i32
        %dma_start3A_594 = tpu.memref_slice %arg3[%add3A_590, %dma_start3A_593] : memref<2560x128xi32, #tpu.memory_space<hbm>> -> memref<8x128xi32, #tpu.memory_space<hbm>>
        tpu.enqueue_dma source(%dma_start3A_594 : memref<8x128xi32, #tpu.memory_space<hbm>>) target(%arg8 : memref<8x128xi32, #tpu.memory_space<vmem>>) target_semaphore(%arg18 : memref<!tpu.dma_semaphore, #tpu.memory_space<semaphore_mem>>)
        %dma_start3A_595 = arith.constant 0 : i32
        %dma_start3A_596 = tpu.memref_slice %arg4[%add3A_590, %dma_start3A_595] : memref<2560x128xi32, #tpu.memory_space<hbm>> -> memref<8x128xi32, #tpu.memory_space<hbm>>
        %dma_start3A_597 = arith.constant 0 : i32
        %dma_start3A_598 = tpu.memref_slice %arg4[%add3A_590, %dma_start3A_597] : memref<2560x128xi32, #tpu.memory_space<hbm>> -> memref<8x128xi32, #tpu.memory_space<hbm>>
        tpu.enqueue_dma source(%dma_start3A_598 : memref<8x128xi32, #tpu.memory_space<hbm>>) target(%arg9 : memref<8x128xi32, #tpu.memory_space<vmem>>) target_semaphore(%arg18 : memref<!tpu.dma_semaphore, #tpu.memory_space<semaphore_mem>>)
      } else {
      }
    }
    %scan3A_104 = arith.constant 5 : i32
    %dma_wait3A_105 = arith.constant 0 : i32
    %dma_wait3A_106 = arith.constant 0 : i32
    %dma_wait3A_107 = tpu.memref_slice %arg2[%dma_wait3A_105, %dma_wait3A_106] : memref<10000x128xf32, #tpu.memory_space<hbm>> -> memref<128x128xf32, #tpu.memory_space<hbm>>
    %dma_wait3A_108 = arith.constant 0 : i32
    %dma_wait3A_109 = arith.constant 0 : i32
    %dma_wait3A_110 = tpu.memref_slice %arg2[%dma_wait3A_108, %dma_wait3A_109] : memref<10000x128xf32, #tpu.memory_space<hbm>> -> memref<128x128xf32, #tpu.memory_space<hbm>>
    tpu.wait_dma2 semaphore(%arg16 : memref<!tpu.dma_semaphore, #tpu.memory_space<semaphore_mem>>) src(%dma_wait3A_110 : memref<128x128xf32, #tpu.memory_space<hbm>>) dst(%arg11 : memref<128x128xf32, #tpu.memory_space<vmem>>)
    %barrier3A_111 = arith.constant 0 : index
    tpu.barrier barrier_id(%barrier3A_111)
    %mul3A_112 = arith.constant 640 : i32
    %mul3A_113 = arith.muli %arg1, %mul3A_112 : i32
    %mul3A_114 = arith.constant 640 : i32
    %mul3A_115 = arith.muli %arg1, %mul3A_114 : i32
    "tpu.region"() ({
      %run_scoped3A = tpu.sem_alloc : memref<!tpu.dma_semaphore, #tpu.memory_space<semaphore_mem>>
      %dma_start3A_116 = arith.constant 0 : i32
      %dma_start3A_117 = tpu.memref_slice %arg5[%arg0, %mul3A_115, %dma_start3A_116] : memref<2x10240x128xf32, #tpu.memory_space<hbm>> -> memref<1x640x128xf32, #tpu.memory_space<hbm>>
      %dma_start3A_118 = tpu.memref_squeeze %dma_start3A_117 : memref<1x640x128xf32, #tpu.memory_space<hbm>> -> memref<640x128xf32, #tpu.memory_space<hbm>>
      %dma_start3A_119 = arith.constant 0 : i32
      %dma_start3A_120 = tpu.memref_slice %arg12[%mul3A_113, %dma_start3A_119] : memref<10240x128xf32, #tpu.memory_space<vmem_shared>> -> memref<640x128xf32, #tpu.memory_space<vmem_shared>>
      tpu.enqueue_dma source(%dma_start3A_120 : memref<640x128xf32, #tpu.memory_space<vmem_shared>>) target(%dma_start3A_118 : memref<640x128xf32, #tpu.memory_space<hbm>>) target_semaphore(%run_scoped3A : memref<!tpu.dma_semaphore, #tpu.memory_space<semaphore_mem>>)
      %dma_wait3A_121 = arith.constant 0 : i32
      %dma_wait3A_122 = tpu.memref_slice %arg5[%arg0, %mul3A_115, %dma_wait3A_121] : memref<2x10240x128xf32, #tpu.memory_space<hbm>> -> memref<1x640x128xf32, #tpu.memory_space<hbm>>
      %dma_wait3A_123 = tpu.memref_squeeze %dma_wait3A_122 : memref<1x640x128xf32, #tpu.memory_space<hbm>> -> memref<640x128xf32, #tpu.memory_space<hbm>>
      %dma_wait3A_124 = arith.constant 0 : i32
      %dma_wait3A_125 = tpu.memref_slice %arg12[%mul3A_113, %dma_wait3A_124] : memref<10240x128xf32, #tpu.memory_space<vmem_shared>> -> memref<640x128xf32, #tpu.memory_space<vmem_shared>>
      tpu.wait_dma2 semaphore(%run_scoped3A : memref<!tpu.dma_semaphore, #tpu.memory_space<semaphore_mem>>) src(%dma_wait3A_125 : memref<640x128xf32, #tpu.memory_space<vmem_shared>>) dst(%dma_wait3A_123 : memref<640x128xf32, #tpu.memory_space<hbm>>)
      tpu.yield
    }) : () -> ()
    return
  }
}

#map = affine_map<(d0, d1) -> (0, 0)>
#map1 = affine_map<(d0, d1) -> (0, 0, 0)>
module attributes {stable_mosaic.version = 14 : i64} {
  func.func @_sc_edge_agg(%arg0: i32, %arg1: i32, %arg2: memref<10000x128xf32, #tpu.memory_space<hbm>>, %arg3: memref<2560x128xi32, #tpu.memory_space<hbm>>, %arg4: memref<2560x128xi32, #tpu.memory_space<hbm>>, %arg5: memref<2x10240x128xf32, #tpu.memory_space<hbm>>, %arg6: memref<8x128xi32, #tpu.memory_space<vmem>>, %arg7: memref<8x128xi32, #tpu.memory_space<vmem>>, %arg8: memref<8x128xi32, #tpu.memory_space<vmem>>, %arg9: memref<8x128xi32, #tpu.memory_space<vmem>>, %arg10: memref<128x128xf32, #tpu.memory_space<vmem>>, %arg11: memref<128x128xf32, #tpu.memory_space<vmem>>, %arg12: memref<10240x128xf32, #tpu.memory_space<vmem_shared>>, %arg13: memref<!tpu.dma_semaphore, #tpu.memory_space<semaphore_mem>>, %arg14: memref<!tpu.dma_semaphore, #tpu.memory_space<semaphore_mem>>, %arg15: memref<!tpu.dma_semaphore, #tpu.memory_space<semaphore_mem>>, %arg16: memref<!tpu.dma_semaphore, #tpu.memory_space<semaphore_mem>>, %arg17: memref<!tpu.dma_semaphore, #tpu.memory_space<semaphore_mem>>, %arg18: memref<!tpu.dma_semaphore, #tpu.memory_space<semaphore_mem>>) attributes {dimension_semantics = [#tpu.dimension_semantics<core_parallel>, #tpu.dimension_semantics<subcore_parallel>], iteration_bounds = array<i64: 2, 16>, scalar_prefetch = 0 : i64, scratch_operands = 13 : i64, tpu.core_type = #tpu.core_type<sc_vector_subcore>, window_params = [{transform_indices = #map}, {transform_indices = #map}, {transform_indices = #map}, {transform_indices = #map1}]} {
    %mul3A = arith.constant 16 : i32
    %mul3A_0 = arith.muli %arg0, %mul3A : i32
    %add3A = arith.addi %mul3A_0, %arg1 : i32
    %scan3A = arith.constant 0 : i32
    %scan3A_1 = arith.constant 128 : i32
    %scan3A_2 = arith.addi %scan3A, %scan3A_1 : i32
    %scan3A_3 = arith.constant 1 : i32
    scf.for %scan3A_116 = %scan3A to %scan3A_2 step %scan3A_3  : i32 {
      %broadcast_in_dim3A = arith.constant 0.000000e+00 : f32
      %broadcast_in_dim3A_117 = vector.broadcast %broadcast_in_dim3A : f32 to vector<16xf32>
      %swap3A = arith.index_cast %scan3A_116 : i32 to index
      %swap3A_118 = arith.constant 0 : index
      %swap3A_119 = tpu.vector_load %arg10[%swap3A, %swap3A_118] {strides = array<i32>} : memref<128x128xf32, #tpu.memory_space<vmem>>, vector<1x16xf32>,
      %swap3A_120 = vector.shape_cast %swap3A_119 : vector<1x16xf32> to vector<16xf32>
      %swap3A_121 = vector.shape_cast %broadcast_in_dim3A_117 : vector<16xf32> to vector<1x16xf32>
      tpu.vector_store %arg10[%swap3A, %swap3A_118], %swap3A_121 {strides = array<i32>} : memref<128x128xf32, #tpu.memory_space<vmem>>, vector<1x16xf32>,
      %broadcast_in_dim3A_122 = arith.constant 0.000000e+00 : f32
      %broadcast_in_dim3A_123 = vector.broadcast %broadcast_in_dim3A_122 : f32 to vector<16xf32>
      %swap3A_124 = arith.index_cast %scan3A_116 : i32 to index
      %swap3A_125 = arith.constant 16 : index
      %swap3A_126 = tpu.vector_load %arg10[%swap3A_124, %swap3A_125] {strides = array<i32>} : memref<128x128xf32, #tpu.memory_space<vmem>>, vector<1x16xf32>,
      %swap3A_127 = vector.shape_cast %swap3A_126 : vector<1x16xf32> to vector<16xf32>
      %swap3A_128 = vector.shape_cast %broadcast_in_dim3A_123 : vector<16xf32> to vector<1x16xf32>
      tpu.vector_store %arg10[%swap3A_124, %swap3A_125], %swap3A_128 {strides = array<i32>} : memref<128x128xf32, #tpu.memory_space<vmem>>, vector<1x16xf32>,
      %broadcast_in_dim3A_129 = arith.constant 0.000000e+00 : f32
      %broadcast_in_dim3A_130 = vector.broadcast %broadcast_in_dim3A_129 : f32 to vector<16xf32>
      %swap3A_131 = arith.index_cast %scan3A_116 : i32 to index
      %swap3A_132 = arith.constant 32 : index
      %swap3A_133 = tpu.vector_load %arg10[%swap3A_131, %swap3A_132] {strides = array<i32>} : memref<128x128xf32, #tpu.memory_space<vmem>>, vector<1x16xf32>,
      %swap3A_134 = vector.shape_cast %swap3A_133 : vector<1x16xf32> to vector<16xf32>
      %swap3A_135 = vector.shape_cast %broadcast_in_dim3A_130 : vector<16xf32> to vector<1x16xf32>
      tpu.vector_store %arg10[%swap3A_131, %swap3A_132], %swap3A_135 {strides = array<i32>} : memref<128x128xf32, #tpu.memory_space<vmem>>, vector<1x16xf32>,
      %broadcast_in_dim3A_136 = arith.constant 0.000000e+00 : f32
      %broadcast_in_dim3A_137 = vector.broadcast %broadcast_in_dim3A_136 : f32 to vector<16xf32>
      %swap3A_138 = arith.index_cast %scan3A_116 : i32 to index
      %swap3A_139 = arith.constant 48 : index
      %swap3A_140 = tpu.vector_load %arg10[%swap3A_138, %swap3A_139] {strides = array<i32>} : memref<128x128xf32, #tpu.memory_space<vmem>>, vector<1x16xf32>,
      %swap3A_141 = vector.shape_cast %swap3A_140 : vector<1x16xf32> to vector<16xf32>
      %swap3A_142 = vector.shape_cast %broadcast_in_dim3A_137 : vector<16xf32> to vector<1x16xf32>
      tpu.vector_store %arg10[%swap3A_138, %swap3A_139], %swap3A_142 {strides = array<i32>} : memref<128x128xf32, #tpu.memory_space<vmem>>, vector<1x16xf32>,
      %broadcast_in_dim3A_143 = arith.constant 0.000000e+00 : f32
      %broadcast_in_dim3A_144 = vector.broadcast %broadcast_in_dim3A_143 : f32 to vector<16xf32>
      %swap3A_145 = arith.index_cast %scan3A_116 : i32 to index
      %swap3A_146 = arith.constant 64 : index
      %swap3A_147 = tpu.vector_load %arg10[%swap3A_145, %swap3A_146] {strides = array<i32>} : memref<128x128xf32, #tpu.memory_space<vmem>>, vector<1x16xf32>,
      %swap3A_148 = vector.shape_cast %swap3A_147 : vector<1x16xf32> to vector<16xf32>
      %swap3A_149 = vector.shape_cast %broadcast_in_dim3A_144 : vector<16xf32> to vector<1x16xf32>
      tpu.vector_store %arg10[%swap3A_145, %swap3A_146], %swap3A_149 {strides = array<i32>} : memref<128x128xf32, #tpu.memory_space<vmem>>, vector<1x16xf32>,
      %broadcast_in_dim3A_150 = arith.constant 0.000000e+00 : f32
      %broadcast_in_dim3A_151 = vector.broadcast %broadcast_in_dim3A_150 : f32 to vector<16xf32>
      %swap3A_152 = arith.index_cast %scan3A_116 : i32 to index
      %swap3A_153 = arith.constant 80 : index
      %swap3A_154 = tpu.vector_load %arg10[%swap3A_152, %swap3A_153] {strides = array<i32>} : memref<128x128xf32, #tpu.memory_space<vmem>>, vector<1x16xf32>,
      %swap3A_155 = vector.shape_cast %swap3A_154 : vector<1x16xf32> to vector<16xf32>
      %swap3A_156 = vector.shape_cast %broadcast_in_dim3A_151 : vector<16xf32> to vector<1x16xf32>
      tpu.vector_store %arg10[%swap3A_152, %swap3A_153], %swap3A_156 {strides = array<i32>} : memref<128x128xf32, #tpu.memory_space<vmem>>, vector<1x16xf32>,
      %broadcast_in_dim3A_157 = arith.constant 0.000000e+00 : f32
      %broadcast_in_dim3A_158 = vector.broadcast %broadcast_in_dim3A_157 : f32 to vector<16xf32>
      %swap3A_159 = arith.index_cast %scan3A_116 : i32 to index
      %swap3A_160 = arith.constant 96 : index
      %swap3A_161 = tpu.vector_load %arg10[%swap3A_159, %swap3A_160] {strides = array<i32>} : memref<128x128xf32, #tpu.memory_space<vmem>>, vector<1x16xf32>,
      %swap3A_162 = vector.shape_cast %swap3A_161 : vector<1x16xf32> to vector<16xf32>
      %swap3A_163 = vector.shape_cast %broadcast_in_dim3A_158 : vector<16xf32> to vector<1x16xf32>
      tpu.vector_store %arg10[%swap3A_159, %swap3A_160], %swap3A_163 {strides = array<i32>} : memref<128x128xf32, #tpu.memory_space<vmem>>, vector<1x16xf32>,
      %broadcast_in_dim3A_164 = arith.constant 0.000000e+00 : f32
      %broadcast_in_dim3A_165 = vector.broadcast %broadcast_in_dim3A_164 : f32 to vector<16xf32>
      %swap3A_166 = arith.index_cast %scan3A_116 : i32 to index
      %swap3A_167 = arith.constant 112 : index
      %swap3A_168 = tpu.vector_load %arg10[%swap3A_166, %swap3A_167] {strides = array<i32>} : memref<128x128xf32, #tpu.memory_space<vmem>>, vector<1x16xf32>,
      %swap3A_169 = vector.shape_cast %swap3A_168 : vector<1x16xf32> to vector<16xf32>
      %swap3A_170 = vector.shape_cast %broadcast_in_dim3A_165 : vector<16xf32> to vector<1x16xf32>
      tpu.vector_store %arg10[%swap3A_166, %swap3A_167], %swap3A_170 {strides = array<i32>} : memref<128x128xf32, #tpu.memory_space<vmem>>, vector<1x16xf32>,
    }
    %scan3A_4 = arith.constant 128 : i32
    %mul3A_5 = arith.constant 640 : i32
    %mul3A_6 = arith.muli %arg1, %mul3A_5 : i32
    %add3A_7 = arith.constant 0 : i32
    %add3A_8 = arith.addi %mul3A_6, %add3A_7 : i32
    %dma_start3A = arith.constant 0 : i32
    %dma_start3A_9 = tpu.memref_slice %arg12[%add3A_8, %dma_start3A] : memref<10240x128xf32, #tpu.memory_space<vmem_shared>> -> memref<128x128xf32, #tpu.memory_space<vmem_shared>>
    %dma_start3A_10 = arith.constant 0 : i32
    %dma_start3A_11 = tpu.memref_slice %arg12[%add3A_8, %dma_start3A_10] : memref<10240x128xf32, #tpu.memory_space<vmem_shared>> -> memref<128x128xf32, #tpu.memory_space<vmem_shared>>
    tpu.enqueue_dma source(%arg10 : memref<128x128xf32, #tpu.memory_space<vmem>>) target(%dma_start3A_11 : memref<128x128xf32, #tpu.memory_space<vmem_shared>>) target_semaphore(%arg13 : memref<!tpu.dma_semaphore, #tpu.memory_space<semaphore_mem>>)
    %mul3A_12 = arith.constant 640 : i32
    %mul3A_13 = arith.muli %arg1, %mul3A_12 : i32
    %add3A_14 = arith.constant 128 : i32
    %add3A_15 = arith.addi %mul3A_13, %add3A_14 : i32
    %dma_start3A_16 = arith.constant 0 : i32
    %dma_start3A_17 = tpu.memref_slice %arg12[%add3A_15, %dma_start3A_16] : memref<10240x128xf32, #tpu.memory_space<vmem_shared>> -> memref<128x128xf32, #tpu.memory_space<vmem_shared>>
    %dma_start3A_18 = arith.constant 0 : i32
    %dma_start3A_19 = tpu.memref_slice %arg12[%add3A_15, %dma_start3A_18] : memref<10240x128xf32, #tpu.memory_space<vmem_shared>> -> memref<128x128xf32, #tpu.memory_space<vmem_shared>>
    tpu.enqueue_dma source(%arg10 : memref<128x128xf32, #tpu.memory_space<vmem>>) target(%dma_start3A_19 : memref<128x128xf32, #tpu.memory_space<vmem_shared>>) target_semaphore(%arg13 : memref<!tpu.dma_semaphore, #tpu.memory_space<semaphore_mem>>)
    %mul3A_20 = arith.constant 640 : i32
    %mul3A_21 = arith.muli %arg1, %mul3A_20 : i32
    %add3A_22 = arith.constant 256 : i32
    %add3A_23 = arith.addi %mul3A_21, %add3A_22 : i32
    %dma_start3A_24 = arith.constant 0 : i32
    %dma_start3A_25 = tpu.memref_slice %arg12[%add3A_23, %dma_start3A_24] : memref<10240x128xf32, #tpu.memory_space<vmem_shared>> -> memref<128x128xf32, #tpu.memory_space<vmem_shared>>
    %dma_start3A_26 = arith.constant 0 : i32
    %dma_start3A_27 = tpu.memref_slice %arg12[%add3A_23, %dma_start3A_26] : memref<10240x128xf32, #tpu.memory_space<vmem_shared>> -> memref<128x128xf32, #tpu.memory_space<vmem_shared>>
    tpu.enqueue_dma source(%arg10 : memref<128x128xf32, #tpu.memory_space<vmem>>) target(%dma_start3A_27 : memref<128x128xf32, #tpu.memory_space<vmem_shared>>) target_semaphore(%arg13 : memref<!tpu.dma_semaphore, #tpu.memory_space<semaphore_mem>>)
    %mul3A_28 = arith.constant 640 : i32
    %mul3A_29 = arith.muli %arg1, %mul3A_28 : i32
    %add3A_30 = arith.constant 384 : i32
    %add3A_31 = arith.addi %mul3A_29, %add3A_30 : i32
    %dma_start3A_32 = arith.constant 0 : i32
    %dma_start3A_33 = tpu.memref_slice %arg12[%add3A_31, %dma_start3A_32] : memref<10240x128xf32, #tpu.memory_space<vmem_shared>> -> memref<128x128xf32, #tpu.memory_space<vmem_shared>>
    %dma_start3A_34 = arith.constant 0 : i32
    %dma_start3A_35 = tpu.memref_slice %arg12[%add3A_31, %dma_start3A_34] : memref<10240x128xf32, #tpu.memory_space<vmem_shared>> -> memref<128x128xf32, #tpu.memory_space<vmem_shared>>
    tpu.enqueue_dma source(%arg10 : memref<128x128xf32, #tpu.memory_space<vmem>>) target(%dma_start3A_35 : memref<128x128xf32, #tpu.memory_space<vmem_shared>>) target_semaphore(%arg13 : memref<!tpu.dma_semaphore, #tpu.memory_space<semaphore_mem>>)
    %mul3A_36 = arith.constant 640 : i32
    %mul3A_37 = arith.muli %arg1, %mul3A_36 : i32
    %add3A_38 = arith.constant 512 : i32
    %add3A_39 = arith.addi %mul3A_37, %add3A_38 : i32
    %dma_start3A_40 = arith.constant 0 : i32
    %dma_start3A_41 = tpu.memref_slice %arg12[%add3A_39, %dma_start3A_40] : memref<10240x128xf32, #tpu.memory_space<vmem_shared>> -> memref<128x128xf32, #tpu.memory_space<vmem_shared>>
    %dma_start3A_42 = arith.constant 0 : i32
    %dma_start3A_43 = tpu.memref_slice %arg12[%add3A_39, %dma_start3A_42] : memref<10240x128xf32, #tpu.memory_space<vmem_shared>> -> memref<128x128xf32, #tpu.memory_space<vmem_shared>>
    tpu.enqueue_dma source(%arg10 : memref<128x128xf32, #tpu.memory_space<vmem>>) target(%dma_start3A_43 : memref<128x128xf32, #tpu.memory_space<vmem_shared>>) target_semaphore(%arg13 : memref<!tpu.dma_semaphore, #tpu.memory_space<semaphore_mem>>)
    %dma_wait3A = arith.constant 0 : i32
    %dma_wait3A_44 = tpu.memref_slice %arg12[%add3A_8, %dma_wait3A] : memref<10240x128xf32, #tpu.memory_space<vmem_shared>> -> memref<128x128xf32, #tpu.memory_space<vmem_shared>>
    %dma_wait3A_45 = arith.constant 0 : i32
    %dma_wait3A_46 = tpu.memref_slice %arg12[%add3A_8, %dma_wait3A_45] : memref<10240x128xf32, #tpu.memory_space<vmem_shared>> -> memref<128x128xf32, #tpu.memory_space<vmem_shared>>
    tpu.wait_dma2 semaphore(%arg13 : memref<!tpu.dma_semaphore, #tpu.memory_space<semaphore_mem>>) src(%arg10 : memref<128x128xf32, #tpu.memory_space<vmem>>) dst(%dma_wait3A_46 : memref<128x128xf32, #tpu.memory_space<vmem_shared>>)
    %dma_wait3A_47 = arith.constant 0 : i32
    %dma_wait3A_48 = tpu.memref_slice %arg12[%add3A_15, %dma_wait3A_47] : memref<10240x128xf32, #tpu.memory_space<vmem_shared>> -> memref<128x128xf32, #tpu.memory_space<vmem_shared>>
    %dma_wait3A_49 = arith.constant 0 : i32
    %dma_wait3A_50 = tpu.memref_slice %arg12[%add3A_15, %dma_wait3A_49] : memref<10240x128xf32, #tpu.memory_space<vmem_shared>> -> memref<128x128xf32, #tpu.memory_space<vmem_shared>>
    tpu.wait_dma2 semaphore(%arg13 : memref<!tpu.dma_semaphore, #tpu.memory_space<semaphore_mem>>) src(%arg10 : memref<128x128xf32, #tpu.memory_space<vmem>>) dst(%dma_wait3A_50 : memref<128x128xf32, #tpu.memory_space<vmem_shared>>)
    %dma_wait3A_51 = arith.constant 0 : i32
    %dma_wait3A_52 = tpu.memref_slice %arg12[%add3A_23, %dma_wait3A_51] : memref<10240x128xf32, #tpu.memory_space<vmem_shared>> -> memref<128x128xf32, #tpu.memory_space<vmem_shared>>
    %dma_wait3A_53 = arith.constant 0 : i32
    %dma_wait3A_54 = tpu.memref_slice %arg12[%add3A_23, %dma_wait3A_53] : memref<10240x128xf32, #tpu.memory_space<vmem_shared>> -> memref<128x128xf32, #tpu.memory_space<vmem_shared>>
    tpu.wait_dma2 semaphore(%arg13 : memref<!tpu.dma_semaphore, #tpu.memory_space<semaphore_mem>>) src(%arg10 : memref<128x128xf32, #tpu.memory_space<vmem>>) dst(%dma_wait3A_54 : memref<128x128xf32, #tpu.memory_space<vmem_shared>>)
    %dma_wait3A_55 = arith.constant 0 : i32
    %dma_wait3A_56 = tpu.memref_slice %arg12[%add3A_31, %dma_wait3A_55] : memref<10240x128xf32, #tpu.memory_space<vmem_shared>> -> memref<128x128xf32, #tpu.memory_space<vmem_shared>>
    %dma_wait3A_57 = arith.constant 0 : i32
    %dma_wait3A_58 = tpu.memref_slice %arg12[%add3A_31, %dma_wait3A_57] : memref<10240x128xf32, #tpu.memory_space<vmem_shared>> -> memref<128x128xf32, #tpu.memory_space<vmem_shared>>
    tpu.wait_dma2 semaphore(%arg13 : memref<!tpu.dma_semaphore, #tpu.memory_space<semaphore_mem>>) src(%arg10 : memref<128x128xf32, #tpu.memory_space<vmem>>) dst(%dma_wait3A_58 : memref<128x128xf32, #tpu.memory_space<vmem_shared>>)
    %dma_wait3A_59 = arith.constant 0 : i32
    %dma_wait3A_60 = tpu.memref_slice %arg12[%add3A_39, %dma_wait3A_59] : memref<10240x128xf32, #tpu.memory_space<vmem_shared>> -> memref<128x128xf32, #tpu.memory_space<vmem_shared>>
    %dma_wait3A_61 = arith.constant 0 : i32
    %dma_wait3A_62 = tpu.memref_slice %arg12[%add3A_39, %dma_wait3A_61] : memref<10240x128xf32, #tpu.memory_space<vmem_shared>> -> memref<128x128xf32, #tpu.memory_space<vmem_shared>>
    tpu.wait_dma2 semaphore(%arg13 : memref<!tpu.dma_semaphore, #tpu.memory_space<semaphore_mem>>) src(%arg10 : memref<128x128xf32, #tpu.memory_space<vmem>>) dst(%dma_wait3A_62 : memref<128x128xf32, #tpu.memory_space<vmem_shared>>)
    %mul3A_63 = arith.constant 80 : i32
    %mul3A_64 = arith.muli %add3A, %mul3A_63 : i32
    %dma_start3A_65 = arith.constant 0 : i32
    %dma_start3A_66 = tpu.memref_slice %arg3[%mul3A_64, %dma_start3A_65] : memref<2560x128xi32, #tpu.memory_space<hbm>> -> memref<8x128xi32, #tpu.memory_space<hbm>>
    %dma_start3A_67 = arith.constant 0 : i32
    %dma_start3A_68 = tpu.memref_slice %arg3[%mul3A_64, %dma_start3A_67] : memref<2560x128xi32, #tpu.memory_space<hbm>> -> memref<8x128xi32, #tpu.memory_space<hbm>>
    tpu.enqueue_dma source(%dma_start3A_68 : memref<8x128xi32, #tpu.memory_space<hbm>>) target(%arg6 : memref<8x128xi32, #tpu.memory_space<vmem>>) target_semaphore(%arg17 : memref<!tpu.dma_semaphore, #tpu.memory_space<semaphore_mem>>)
    %dma_start3A_69 = arith.constant 0 : i32
    %dma_start3A_70 = tpu.memref_slice %arg4[%mul3A_64, %dma_start3A_69] : memref<2560x128xi32, #tpu.memory_space<hbm>> -> memref<8x128xi32, #tpu.memory_space<hbm>>
    %dma_start3A_71 = arith.constant 0 : i32
    %dma_start3A_72 = tpu.memref_slice %arg4[%mul3A_64, %dma_start3A_71] : memref<2560x128xi32, #tpu.memory_space<hbm>> -> memref<8x128xi32, #tpu.memory_space<hbm>>
    tpu.enqueue_dma source(%dma_start3A_72 : memref<8x128xi32, #tpu.memory_space<hbm>>) target(%arg7 : memref<8x128xi32, #tpu.memory_space<vmem>>) target_semaphore(%arg17 : memref<!tpu.dma_semaphore, #tpu.memory_space<semaphore_mem>>)
    %add3A_73 = arith.constant 8 : i32
    %add3A_74 = arith.addi %mul3A_64, %add3A_73 : i32
    %dma_start3A_75 = arith.constant 0 : i32
    %dma_start3A_76 = tpu.memref_slice %arg3[%add3A_74, %dma_start3A_75] : memref<2560x128xi32, #tpu.memory_space<hbm>> -> memref<8x128xi32, #tpu.memory_space<hbm>>
    %dma_start3A_77 = arith.constant 0 : i32
    %dma_start3A_78 = tpu.memref_slice %arg3[%add3A_74, %dma_start3A_77] : memref<2560x128xi32, #tpu.memory_space<hbm>> -> memref<8x128xi32, #tpu.memory_space<hbm>>
    tpu.enqueue_dma source(%dma_start3A_78 : memref<8x128xi32, #tpu.memory_space<hbm>>) target(%arg8 : memref<8x128xi32, #tpu.memory_space<vmem>>) target_semaphore(%arg18 : memref<!tpu.dma_semaphore, #tpu.memory_space<semaphore_mem>>)
    %add3A_79 = arith.constant 8 : i32
    %add3A_80 = arith.addi %mul3A_64, %add3A_79 : i32
    %dma_start3A_81 = arith.constant 0 : i32
    %dma_start3A_82 = tpu.memref_slice %arg4[%add3A_80, %dma_start3A_81] : memref<2560x128xi32, #tpu.memory_space<hbm>> -> memref<8x128xi32, #tpu.memory_space<hbm>>
    %dma_start3A_83 = arith.constant 0 : i32
    %dma_start3A_84 = tpu.memref_slice %arg4[%add3A_80, %dma_start3A_83] : memref<2560x128xi32, #tpu.memory_space<hbm>> -> memref<8x128xi32, #tpu.memory_space<hbm>>
    tpu.enqueue_dma source(%dma_start3A_84 : memref<8x128xi32, #tpu.memory_space<hbm>>) target(%arg9 : memref<8x128xi32, #tpu.memory_space<vmem>>) target_semaphore(%arg18 : memref<!tpu.dma_semaphore, #tpu.memory_space<semaphore_mem>>)
    %dma_wait3A_85 = arith.constant 0 : i32
    %dma_wait3A_86 = tpu.memref_slice %arg3[%mul3A_64, %dma_wait3A_85] : memref<2560x128xi32, #tpu.memory_space<hbm>> -> memref<8x128xi32, #tpu.memory_space<hbm>>
    %dma_wait3A_87 = arith.constant 0 : i32
    %dma_wait3A_88 = tpu.memref_slice %arg3[%mul3A_64, %dma_wait3A_87] : memref<2560x128xi32, #tpu.memory_space<hbm>> -> memref<8x128xi32, #tpu.memory_space<hbm>>
    tpu.wait_dma2 semaphore(%arg17 : memref<!tpu.dma_semaphore, #tpu.memory_space<semaphore_mem>>) src(%dma_wait3A_88 : memref<8x128xi32, #tpu.memory_space<hbm>>) dst(%arg6 : memref<8x128xi32, #tpu.memory_space<vmem>>)
    %dma_wait3A_89 = arith.constant 0 : i32
    %dma_wait3A_90 = tpu.memref_slice %arg4[%mul3A_64, %dma_wait3A_89] : memref<2560x128xi32, #tpu.memory_space<hbm>> -> memref<8x128xi32, #tpu.memory_space<hbm>>
    %dma_wait3A_91 = arith.constant 0 : i32
    %dma_wait3A_92 = tpu.memref_slice %arg4[%mul3A_64, %dma_wait3A_91] : memref<2560x128xi32, #tpu.memory_space<hbm>> -> memref<8x128xi32, #tpu.memory_space<hbm>>
    tpu.wait_dma2 semaphore(%arg17 : memref<!tpu.dma_semaphore, #tpu.memory_space<semaphore_mem>>) src(%dma_wait3A_92 : memref<8x128xi32, #tpu.memory_space<hbm>>) dst(%arg7 : memref<8x128xi32, #tpu.memory_space<vmem>>)
    %barrier3A = arith.constant 0 : index
    tpu.barrier barrier_id(%barrier3A)
    %dma_start3A_93 = arith.constant 0 : i32
    %dma_start3A_94 = arith.constant 0 : i32
    %dma_start3A_95 = tpu.memref_slice %arg6[%dma_start3A_93, %dma_start3A_94] : memref<8x128xi32, #tpu.memory_space<vmem>> -> memref<1x128xi32, #tpu.memory_space<vmem>>
    %dma_start3A_96 = tpu.memref_squeeze %dma_start3A_95 : memref<1x128xi32, #tpu.memory_space<vmem>> -> memref<128xi32, #tpu.memory_space<vmem>>
    %dma_start3A_97 = arith.constant 0 : i32
    %dma_start3A_98 = arith.constant 0 : i32
    %dma_start3A_99 = tpu.memref_slice %arg2[%dma_start3A_97, %dma_start3A_98] : memref<10000x128xf32, #tpu.memory_space<hbm>> -> memref<10000x128xf32, #tpu.memory_space<hbm>>
    tpu.enqueue_indirect_dma source(%dma_start3A_99 : memref<10000x128xf32, #tpu.memory_space<hbm>>) target(%arg10 : memref<128x128xf32, #tpu.memory_space<vmem>>) offsets(%dma_start3A_96 : memref<128xi32, #tpu.memory_space<vmem>>) semaphore(%arg13 : memref<!tpu.dma_semaphore, #tpu.memory_space<semaphore_mem>>)
    %scan3A_100 = arith.constant 0 : i32
    %scan3A_101 = arith.constant 5 : i32
    %scan3A_102 = arith.addi %scan3A_100, %scan3A_101 : i32
    %scan3A_103 = arith.constant 1 : i32
    scf.for %scan3A_116 = %scan3A_100 to %scan3A_102 step %scan3A_103  : i32 {
      %mul3A_117 = arith.constant 2 : i32
      %mul3A_118 = arith.muli %scan3A_116, %mul3A_117 : i32
      %add3A_119 = arith.constant 0 : i32
      %add3A_120 = arith.addi %mul3A_118, %add3A_119 : i32
      %gt3A = arith.constant 0 : i32
      %gt3A_121 = arith.cmpi sgt, %scan3A_116, %gt3A : i32
      %convert_element_type3A = arith.extui %gt3A_121 : i1 to i32
      %cond3A = arith.constant 0 : i32
      %cond3A_122 = arith.cmpi ne, %convert_element_type3A, %cond3A : i32
      scf.if %cond3A_122 {
        %dma_wait3A_584 = arith.constant 0 : i32
        %dma_wait3A_585 = arith.constant 0 : i32
        %dma_wait3A_586 = tpu.memref_slice %arg2[%dma_wait3A_584, %dma_wait3A_585] : memref<10000x128xf32, #tpu.memory_space<hbm>> -> memref<128x128xf32, #tpu.memory_space<hbm>>
        %dma_wait3A_587 = arith.constant 0 : i32
        %dma_wait3A_588 = arith.constant 0 : i32
        %dma_wait3A_589 = tpu.memref_slice %arg2[%dma_wait3A_587, %dma_wait3A_588] : memref<10000x128xf32, #tpu.memory_space<hbm>> -> memref<128x128xf32, #tpu.memory_space<hbm>>
        tpu.wait_dma2 semaphore(%arg16 : memref<!tpu.dma_semaphore, #tpu.memory_space<semaphore_mem>>) src(%dma_wait3A_589 : memref<128x128xf32, #tpu.memory_space<hbm>>) dst(%arg11 : memref<128x128xf32, #tpu.memory_space<vmem>>)
      } else {
      }
      %dma_start3A_123 = arith.constant 1 : i32
      %dma_start3A_124 = arith.constant 0 : i32
      %dma_start3A_125 = tpu.memref_slice %arg6[%dma_start3A_123, %dma_start3A_124] : memref<8x128xi32, #tpu.memory_space<vmem>> -> memref<1x128xi32, #tpu.memory_space<vmem>>
      %dma_start3A_126 = tpu.memref_squeeze %dma_start3A_125 : memref<1x128xi32, #tpu.memory_space<vmem>> -> memref<128xi32, #tpu.memory_space<vmem>>
      %dma_start3A_127 = arith.constant 0 : i32
      %dma_start3A_128 = arith.constant 0 : i32
      %dma_start3A_129 = tpu.memref_slice %arg2[%dma_start3A_127, %dma_start3A_128] : memref<10000x128xf32, #tpu.memory_space<hbm>> -> memref<10000x128xf32, #tpu.memory_space<hbm>>
      tpu.enqueue_indirect_dma source(%dma_start3A_129 : memref<10000x128xf32, #tpu.memory_space<hbm>>) target(%arg11 : memref<128x128xf32, #tpu.memory_space<vmem>>) offsets(%dma_start3A_126 : memref<128xi32, #tpu.memory_space<vmem>>) semaphore(%arg14 : memref<!tpu.dma_semaphore, #tpu.memory_space<semaphore_mem>>)
      %dma_wait3A_130 = arith.constant 0 : i32
      %dma_wait3A_131 = arith.constant 0 : i32
      %dma_wait3A_132 = tpu.memref_slice %arg2[%dma_wait3A_130, %dma_wait3A_131] : memref<10000x128xf32, #tpu.memory_space<hbm>> -> memref<128x128xf32, #tpu.memory_space<hbm>>
      %dma_wait3A_133 = arith.constant 0 : i32
      %dma_wait3A_134 = arith.constant 0 : i32
      %dma_wait3A_135 = tpu.memref_slice %arg2[%dma_wait3A_133, %dma_wait3A_134] : memref<10000x128xf32, #tpu.memory_space<hbm>> -> memref<128x128xf32, #tpu.memory_space<hbm>>
      tpu.wait_dma2 semaphore(%arg13 : memref<!tpu.dma_semaphore, #tpu.memory_space<semaphore_mem>>) src(%dma_wait3A_135 : memref<128x128xf32, #tpu.memory_space<hbm>>) dst(%arg10 : memref<128x128xf32, #tpu.memory_space<vmem>>)
      %dma_start3A_136 = arith.constant 0 : i32
      %dma_start3A_137 = arith.constant 0 : i32
      %dma_start3A_138 = tpu.memref_slice %arg7[%dma_start3A_136, %dma_start3A_137] : memref<8x128xi32, #tpu.memory_space<vmem>> -> memref<1x128xi32, #tpu.memory_space<vmem>>
      %dma_start3A_139 = tpu.memref_squeeze %dma_start3A_138 : memref<1x128xi32, #tpu.memory_space<vmem>> -> memref<128xi32, #tpu.memory_space<vmem>>
      %dma_start3A_140 = arith.constant 0 : i32
      %dma_start3A_141 = arith.constant 0 : i32
      %dma_start3A_142 = tpu.memref_slice %arg12[%dma_start3A_140, %dma_start3A_141] : memref<10240x128xf32, #tpu.memory_space<vmem_shared>> -> memref<10240x128xf32, #tpu.memory_space<vmem_shared>>
      tpu.enqueue_indirect_dma source(%arg10 : memref<128x128xf32, #tpu.memory_space<vmem>>) target(%dma_start3A_142 : memref<10240x128xf32, #tpu.memory_space<vmem_shared>>) offsets(%dma_start3A_139 : memref<128xi32, #tpu.memory_space<vmem>>) semaphore(%arg15 : memref<!tpu.dma_semaphore, #tpu.memory_space<semaphore_mem>>) {add = true}
      %dma_wait3A_143 = arith.constant 0 : i32
      %dma_wait3A_144 = arith.constant 0 : i32
      %dma_wait3A_145 = tpu.memref_slice %arg7[%dma_wait3A_143, %dma_wait3A_144] : memref<8x128xi32, #tpu.memory_space<vmem>> -> memref<1x128xi32, #tpu.memory_space<vmem>>
      %dma_wait3A_146 = tpu.memref_squeeze %dma_wait3A_145 : memref<1x128xi32, #tpu.memory_space<vmem>> -> memref<128xi32, #tpu.memory_space<vmem>>
      %dma_wait3A_147 = arith.constant 0 : i32
      %dma_wait3A_148 = arith.constant 0 : i32
      %dma_wait3A_149 = tpu.memref_slice %arg12[%dma_wait3A_147, %dma_wait3A_148] : memref<10240x128xf32, #tpu.memory_space<vmem_shared>> -> memref<10240x128xf32, #tpu.memory_space<vmem_shared>>
      tpu.wait_indirect_dma semaphore(%arg15 : memref<!tpu.dma_semaphore, #tpu.memory_space<semaphore_mem>>) src(%arg10 : memref<128x128xf32, #tpu.memory_space<vmem>>) dst(%dma_wait3A_149 : memref<10240x128xf32, #tpu.memory_space<vmem_shared>>)
      %dma_start3A_150 = arith.constant 2 : i32
      %dma_start3A_151 = arith.constant 0 : i32
      %dma_start3A_152 = tpu.memref_slice %arg6[%dma_start3A_150, %dma_start3A_151] : memref<8x128xi32, #tpu.memory_space<vmem>> -> memref<1x128xi32, #tpu.memory_space<vmem>>
      %dma_start3A_153 = tpu.memref_squeeze %dma_start3A_152 : memref<1x128xi32, #tpu.memory_space<vmem>> -> memref<128xi32, #tpu.memory_space<vmem>>
      %dma_start3A_154 = arith.constant 0 : i32
      %dma_start3A_155 = arith.constant 0 : i32
      %dma_start3A_156 = tpu.memref_slice %arg2[%dma_start3A_154, %dma_start3A_155] : memref<10000x128xf32, #tpu.memory_space<hbm>> -> memref<10000x128xf32, #tpu.memory_space<hbm>>
      tpu.enqueue_indirect_dma source(%dma_start3A_156 : memref<10000x128xf32, #tpu.memory_space<hbm>>) target(%arg10 : memref<128x128xf32, #tpu.memory_space<vmem>>) offsets(%dma_start3A_153 : memref<128xi32, #tpu.memory_space<vmem>>) semaphore(%arg13 : memref<!tpu.dma_semaphore, #tpu.memory_space<semaphore_mem>>)
      %dma_wait3A_157 = arith.constant 1 : i32
      %dma_wait3A_158 = arith.constant 0 : i32
      %dma_wait3A_159 = tpu.memref_slice %arg6[%dma_wait3A_157, %dma_wait3A_158] : memref<8x128xi32, #tpu.memory_space<vmem>> -> memref<1x128xi32, #tpu.memory_space<vmem>>
      %dma_wait3A_160 = tpu.memref_squeeze %dma_wait3A_159 : memref<1x128xi32, #tpu.memory_space<vmem>> -> memref<128xi32, #tpu.memory_space<vmem>>
      %dma_wait3A_161 = arith.constant 0 : i32
      %dma_wait3A_162 = arith.constant 0 : i32
      %dma_wait3A_163 = tpu.memref_slice %arg2[%dma_wait3A_161, %dma_wait3A_162] : memref<10000x128xf32, #tpu.memory_space<hbm>> -> memref<10000x128xf32, #tpu.memory_space<hbm>>
      tpu.wait_indirect_dma semaphore(%arg14 : memref<!tpu.dma_semaphore, #tpu.memory_space<semaphore_mem>>) src(%dma_wait3A_163 : memref<10000x128xf32, #tpu.memory_space<hbm>>) dst(%arg11 : memref<128x128xf32, #tpu.memory_space<vmem>>)
      %dma_start3A_164 = arith.constant 1 : i32
      %dma_start3A_165 = arith.constant 0 : i32
      %dma_start3A_166 = tpu.memref_slice %arg7[%dma_start3A_164, %dma_start3A_165] : memref<8x128xi32, #tpu.memory_space<vmem>> -> memref<1x128xi32, #tpu.memory_space<vmem>>
      %dma_start3A_167 = tpu.memref_squeeze %dma_start3A_166 : memref<1x128xi32, #tpu.memory_space<vmem>> -> memref<128xi32, #tpu.memory_space<vmem>>
      %dma_start3A_168 = arith.constant 0 : i32
      %dma_start3A_169 = arith.constant 0 : i32
      %dma_start3A_170 = tpu.memref_slice %arg12[%dma_start3A_168, %dma_start3A_169] : memref<10240x128xf32, #tpu.memory_space<vmem_shared>> -> memref<10240x128xf32, #tpu.memory_space<vmem_shared>>
      tpu.enqueue_indirect_dma source(%arg11 : memref<128x128xf32, #tpu.memory_space<vmem>>) target(%dma_start3A_170 : memref<10240x128xf32, #tpu.memory_space<vmem_shared>>) offsets(%dma_start3A_167 : memref<128xi32, #tpu.memory_space<vmem>>) semaphore(%arg16 : memref<!tpu.dma_semaphore, #tpu.memory_space<semaphore_mem>>) {add = true}
      %dma_wait3A_171 = arith.constant 1 : i32
      %dma_wait3A_172 = arith.constant 0 : i32
      %dma_wait3A_173 = tpu.memref_slice %arg7[%dma_wait3A_171, %dma_wait3A_172] : memref<8x128xi32, #tpu.memory_space<vmem>> -> memref<1x128xi32, #tpu.memory_space<vmem>>
      %dma_wait3A_174 = tpu.memref_squeeze %dma_wait3A_173 : memref<1x128xi32, #tpu.memory_space<vmem>> -> memref<128xi32, #tpu.memory_space<vmem>>
      %dma_wait3A_175 = arith.constant 0 : i32
      %dma_wait3A_176 = arith.constant 0 : i32
      %dma_wait3A_177 = tpu.memref_slice %arg12[%dma_wait3A_175, %dma_wait3A_176] : memref<10240x128xf32, #tpu.memory_space<vmem_shared>> -> memref<10240x128xf32, #tpu.memory_space<vmem_shared>>
      tpu.wait_indirect_dma semaphore(%arg16 : memref<!tpu.dma_semaphore, #tpu.memory_space<semaphore_mem>>) src(%arg11 : memref<128x128xf32, #tpu.memory_space<vmem>>) dst(%dma_wait3A_177 : memref<10240x128xf32, #tpu.memory_space<vmem_shared>>)
      %dma_start3A_178 = arith.constant 3 : i32
      %dma_start3A_179 = arith.constant 0 : i32
      %dma_start3A_180 = tpu.memref_slice %arg6[%dma_start3A_178, %dma_start3A_179] : memref<8x128xi32, #tpu.memory_space<vmem>> -> memref<1x128xi32, #tpu.memory_space<vmem>>
      %dma_start3A_181 = tpu.memref_squeeze %dma_start3A_180 : memref<1x128xi32, #tpu.memory_space<vmem>> -> memref<128xi32, #tpu.memory_space<vmem>>
      %dma_start3A_182 = arith.constant 0 : i32
      %dma_start3A_183 = arith.constant 0 : i32
      %dma_start3A_184 = tpu.memref_slice %arg2[%dma_start3A_182, %dma_start3A_183] : memref<10000x128xf32, #tpu.memory_space<hbm>> -> memref<10000x128xf32, #tpu.memory_space<hbm>>
      tpu.enqueue_indirect_dma source(%dma_start3A_184 : memref<10000x128xf32, #tpu.memory_space<hbm>>) target(%arg11 : memref<128x128xf32, #tpu.memory_space<vmem>>) offsets(%dma_start3A_181 : memref<128xi32, #tpu.memory_space<vmem>>) semaphore(%arg14 : memref<!tpu.dma_semaphore, #tpu.memory_space<semaphore_mem>>)
      %dma_wait3A_185 = arith.constant 2 : i32
      %dma_wait3A_186 = arith.constant 0 : i32
      %dma_wait3A_187 = tpu.memref_slice %arg6[%dma_wait3A_185, %dma_wait3A_186] : memref<8x128xi32, #tpu.memory_space<vmem>> -> memref<1x128xi32, #tpu.memory_space<vmem>>
      %dma_wait3A_188 = tpu.memref_squeeze %dma_wait3A_187 : memref<1x128xi32, #tpu.memory_space<vmem>> -> memref<128xi32, #tpu.memory_space<vmem>>
      %dma_wait3A_189 = arith.constant 0 : i32
      %dma_wait3A_190 = arith.constant 0 : i32
      %dma_wait3A_191 = tpu.memref_slice %arg2[%dma_wait3A_189, %dma_wait3A_190] : memref<10000x128xf32, #tpu.memory_space<hbm>> -> memref<10000x128xf32, #tpu.memory_space<hbm>>
      tpu.wait_indirect_dma semaphore(%arg13 : memref<!tpu.dma_semaphore, #tpu.memory_space<semaphore_mem>>) src(%dma_wait3A_191 : memref<10000x128xf32, #tpu.memory_space<hbm>>) dst(%arg10 : memref<128x128xf32, #tpu.memory_space<vmem>>)
      %dma_start3A_192 = arith.constant 2 : i32
      %dma_start3A_193 = arith.constant 0 : i32
      %dma_start3A_194 = tpu.memref_slice %arg7[%dma_start3A_192, %dma_start3A_193] : memref<8x128xi32, #tpu.memory_space<vmem>> -> memref<1x128xi32, #tpu.memory_space<vmem>>
      %dma_start3A_195 = tpu.memref_squeeze %dma_start3A_194 : memref<1x128xi32, #tpu.memory_space<vmem>> -> memref<128xi32, #tpu.memory_space<vmem>>
      %dma_start3A_196 = arith.constant 0 : i32
      %dma_start3A_197 = arith.constant 0 : i32
      %dma_start3A_198 = tpu.memref_slice %arg12[%dma_start3A_196, %dma_start3A_197] : memref<10240x128xf32, #tpu.memory_space<vmem_shared>> -> memref<10240x128xf32, #tpu.memory_space<vmem_shared>>
      tpu.enqueue_indirect_dma source(%arg10 : memref<128x128xf32, #tpu.memory_space<vmem>>) target(%dma_start3A_198 : memref<10240x128xf32, #tpu.memory_space<vmem_shared>>) offsets(%dma_start3A_195 : memref<128xi32, #tpu.memory_space<vmem>>) semaphore(%arg15 : memref<!tpu.dma_semaphore, #tpu.memory_space<semaphore_mem>>) {add = true}
      %dma_wait3A_199 = arith.constant 2 : i32
      %dma_wait3A_200 = arith.constant 0 : i32
      %dma_wait3A_201 = tpu.memref_slice %arg7[%dma_wait3A_199, %dma_wait3A_200] : memref<8x128xi32, #tpu.memory_space<vmem>> -> memref<1x128xi32, #tpu.memory_space<vmem>>
      %dma_wait3A_202 = tpu.memref_squeeze %dma_wait3A_201 : memref<1x128xi32, #tpu.memory_space<vmem>> -> memref<128xi32, #tpu.memory_space<vmem>>
      %dma_wait3A_203 = arith.constant 0 : i32
      %dma_wait3A_204 = arith.constant 0 : i32
      %dma_wait3A_205 = tpu.memref_slice %arg12[%dma_wait3A_203, %dma_wait3A_204] : memref<10240x128xf32, #tpu.memory_space<vmem_shared>> -> memref<10240x128xf32, #tpu.memory_space<vmem_shared>>
      tpu.wait_indirect_dma semaphore(%arg15 : memref<!tpu.dma_semaphore, #tpu.memory_space<semaphore_mem>>) src(%arg10 : memref<128x128xf32, #tpu.memory_space<vmem>>) dst(%dma_wait3A_205 : memref<10240x128xf32, #tpu.memory_space<vmem_shared>>)
      %dma_start3A_206 = arith.constant 4 : i32
      %dma_start3A_207 = arith.constant 0 : i32
      %dma_start3A_208 = tpu.memref_slice %arg6[%dma_start3A_206, %dma_start3A_207] : memref<8x128xi32, #tpu.memory_space<vmem>> -> memref<1x128xi32, #tpu.memory_space<vmem>>
      %dma_start3A_209 = tpu.memref_squeeze %dma_start3A_208 : memref<1x128xi32, #tpu.memory_space<vmem>> -> memref<128xi32, #tpu.memory_space<vmem>>
      %dma_start3A_210 = arith.constant 0 : i32
      %dma_start3A_211 = arith.constant 0 : i32
      %dma_start3A_212 = tpu.memref_slice %arg2[%dma_start3A_210, %dma_start3A_211] : memref<10000x128xf32, #tpu.memory_space<hbm>> -> memref<10000x128xf32, #tpu.memory_space<hbm>>
      tpu.enqueue_indirect_dma source(%dma_start3A_212 : memref<10000x128xf32, #tpu.memory_space<hbm>>) target(%arg10 : memref<128x128xf32, #tpu.memory_space<vmem>>) offsets(%dma_start3A_209 : memref<128xi32, #tpu.memory_space<vmem>>) semaphore(%arg13 : memref<!tpu.dma_semaphore, #tpu.memory_space<semaphore_mem>>)
      %dma_wait3A_213 = arith.constant 3 : i32
      %dma_wait3A_214 = arith.constant 0 : i32
      %dma_wait3A_215 = tpu.memref_slice %arg6[%dma_wait3A_213, %dma_wait3A_214] : memref<8x128xi32, #tpu.memory_space<vmem>> -> memref<1x128xi32, #tpu.memory_space<vmem>>
      %dma_wait3A_216 = tpu.memref_squeeze %dma_wait3A_215 : memref<1x128xi32, #tpu.memory_space<vmem>> -> memref<128xi32, #tpu.memory_space<vmem>>
      %dma_wait3A_217 = arith.constant 0 : i32
      %dma_wait3A_218 = arith.constant 0 : i32
      %dma_wait3A_219 = tpu.memref_slice %arg2[%dma_wait3A_217, %dma_wait3A_218] : memref<10000x128xf32, #tpu.memory_space<hbm>> -> memref<10000x128xf32, #tpu.memory_space<hbm>>
      tpu.wait_indirect_dma semaphore(%arg14 : memref<!tpu.dma_semaphore, #tpu.memory_space<semaphore_mem>>) src(%dma_wait3A_219 : memref<10000x128xf32, #tpu.memory_space<hbm>>) dst(%arg11 : memref<128x128xf32, #tpu.memory_space<vmem>>)
      %dma_start3A_220 = arith.constant 3 : i32
      %dma_start3A_221 = arith.constant 0 : i32
      %dma_start3A_222 = tpu.memref_slice %arg7[%dma_start3A_220, %dma_start3A_221] : memref<8x128xi32, #tpu.memory_space<vmem>> -> memref<1x128xi32, #tpu.memory_space<vmem>>
      %dma_start3A_223 = tpu.memref_squeeze %dma_start3A_222 : memref<1x128xi32, #tpu.memory_space<vmem>> -> memref<128xi32, #tpu.memory_space<vmem>>
      %dma_start3A_224 = arith.constant 0 : i32
      %dma_start3A_225 = arith.constant 0 : i32
      %dma_start3A_226 = tpu.memref_slice %arg12[%dma_start3A_224, %dma_start3A_225] : memref<10240x128xf32, #tpu.memory_space<vmem_shared>> -> memref<10240x128xf32, #tpu.memory_space<vmem_shared>>
      tpu.enqueue_indirect_dma source(%arg11 : memref<128x128xf32, #tpu.memory_space<vmem>>) target(%dma_start3A_226 : memref<10240x128xf32, #tpu.memory_space<vmem_shared>>) offsets(%dma_start3A_223 : memref<128xi32, #tpu.memory_space<vmem>>) semaphore(%arg16 : memref<!tpu.dma_semaphore, #tpu.memory_space<semaphore_mem>>) {add = true}
      %dma_wait3A_227 = arith.constant 3 : i32
      %dma_wait3A_228 = arith.constant 0 : i32
      %dma_wait3A_229 = tpu.memref_slice %arg7[%dma_wait3A_227, %dma_wait3A_228] : memref<8x128xi32, #tpu.memory_space<vmem>> -> memref<1x128xi32, #tpu.memory_space<vmem>>
      %dma_wait3A_230 = tpu.memref_squeeze %dma_wait3A_229 : memref<1x128xi32, #tpu.memory_space<vmem>> -> memref<128xi32, #tpu.memory_space<vmem>>
      %dma_wait3A_231 = arith.constant 0 : i32
      %dma_wait3A_232 = arith.constant 0 : i32
      %dma_wait3A_233 = tpu.memref_slice %arg12[%dma_wait3A_231, %dma_wait3A_232] : memref<10240x128xf32, #tpu.memory_space<vmem_shared>> -> memref<10240x128xf32, #tpu.memory_space<vmem_shared>>
      tpu.wait_indirect_dma semaphore(%arg16 : memref<!tpu.dma_semaphore, #tpu.memory_space<semaphore_mem>>) src(%arg11 : memref<128x128xf32, #tpu.memory_space<vmem>>) dst(%dma_wait3A_233 : memref<10240x128xf32, #tpu.memory_space<vmem_shared>>)
      %dma_start3A_234 = arith.constant 5 : i32
      %dma_start3A_235 = arith.constant 0 : i32
      %dma_start3A_236 = tpu.memref_slice %arg6[%dma_start3A_234, %dma_start3A_235] : memref<8x128xi32, #tpu.memory_space<vmem>> -> memref<1x128xi32, #tpu.memory_space<vmem>>
      %dma_start3A_237 = tpu.memref_squeeze %dma_start3A_236 : memref<1x128xi32, #tpu.memory_space<vmem>> -> memref<128xi32, #tpu.memory_space<vmem>>
      %dma_start3A_238 = arith.constant 0 : i32
      %dma_start3A_239 = arith.constant 0 : i32
      %dma_start3A_240 = tpu.memref_slice %arg2[%dma_start3A_238, %dma_start3A_239] : memref<10000x128xf32, #tpu.memory_space<hbm>> -> memref<10000x128xf32, #tpu.memory_space<hbm>>
      tpu.enqueue_indirect_dma source(%dma_start3A_240 : memref<10000x128xf32, #tpu.memory_space<hbm>>) target(%arg11 : memref<128x128xf32, #tpu.memory_space<vmem>>) offsets(%dma_start3A_237 : memref<128xi32, #tpu.memory_space<vmem>>) semaphore(%arg14 : memref<!tpu.dma_semaphore, #tpu.memory_space<semaphore_mem>>)
      %dma_wait3A_241 = arith.constant 4 : i32
      %dma_wait3A_242 = arith.constant 0 : i32
      %dma_wait3A_243 = tpu.memref_slice %arg6[%dma_wait3A_241, %dma_wait3A_242] : memref<8x128xi32, #tpu.memory_space<vmem>> -> memref<1x128xi32, #tpu.memory_space<vmem>>
      %dma_wait3A_244 = tpu.memref_squeeze %dma_wait3A_243 : memref<1x128xi32, #tpu.memory_space<vmem>> -> memref<128xi32, #tpu.memory_space<vmem>>
      %dma_wait3A_245 = arith.constant 0 : i32
      %dma_wait3A_246 = arith.constant 0 : i32
      %dma_wait3A_247 = tpu.memref_slice %arg2[%dma_wait3A_245, %dma_wait3A_246] : memref<10000x128xf32, #tpu.memory_space<hbm>> -> memref<10000x128xf32, #tpu.memory_space<hbm>>
      tpu.wait_indirect_dma semaphore(%arg13 : memref<!tpu.dma_semaphore, #tpu.memory_space<semaphore_mem>>) src(%dma_wait3A_247 : memref<10000x128xf32, #tpu.memory_space<hbm>>) dst(%arg10 : memref<128x128xf32, #tpu.memory_space<vmem>>)
      %dma_start3A_248 = arith.constant 4 : i32
      %dma_start3A_249 = arith.constant 0 : i32
      %dma_start3A_250 = tpu.memref_slice %arg7[%dma_start3A_248, %dma_start3A_249] : memref<8x128xi32, #tpu.memory_space<vmem>> -> memref<1x128xi32, #tpu.memory_space<vmem>>
      %dma_start3A_251 = tpu.memref_squeeze %dma_start3A_250 : memref<1x128xi32, #tpu.memory_space<vmem>> -> memref<128xi32, #tpu.memory_space<vmem>>
      %dma_start3A_252 = arith.constant 0 : i32
      %dma_start3A_253 = arith.constant 0 : i32
      %dma_start3A_254 = tpu.memref_slice %arg12[%dma_start3A_252, %dma_start3A_253] : memref<10240x128xf32, #tpu.memory_space<vmem_shared>> -> memref<10240x128xf32, #tpu.memory_space<vmem_shared>>
      tpu.enqueue_indirect_dma source(%arg10 : memref<128x128xf32, #tpu.memory_space<vmem>>) target(%dma_start3A_254 : memref<10240x128xf32, #tpu.memory_space<vmem_shared>>) offsets(%dma_start3A_251 : memref<128xi32, #tpu.memory_space<vmem>>) semaphore(%arg15 : memref<!tpu.dma_semaphore, #tpu.memory_space<semaphore_mem>>) {add = true}
      %dma_wait3A_255 = arith.constant 4 : i32
      %dma_wait3A_256 = arith.constant 0 : i32
      %dma_wait3A_257 = tpu.memref_slice %arg7[%dma_wait3A_255, %dma_wait3A_256] : memref<8x128xi32, #tpu.memory_space<vmem>> -> memref<1x128xi32, #tpu.memory_space<vmem>>
      %dma_wait3A_258 = tpu.memref_squeeze %dma_wait3A_257 : memref<1x128xi32, #tpu.memory_space<vmem>> -> memref<128xi32, #tpu.memory_space<vmem>>
      %dma_wait3A_259 = arith.constant 0 : i32
      %dma_wait3A_260 = arith.constant 0 : i32
      %dma_wait3A_261 = tpu.memref_slice %arg12[%dma_wait3A_259, %dma_wait3A_260] : memref<10240x128xf32, #tpu.memory_space<vmem_shared>> -> memref<10240x128xf32, #tpu.memory_space<vmem_shared>>
      tpu.wait_indirect_dma semaphore(%arg15 : memref<!tpu.dma_semaphore, #tpu.memory_space<semaphore_mem>>) src(%arg10 : memref<128x128xf32, #tpu.memory_space<vmem>>) dst(%dma_wait3A_261 : memref<10240x128xf32, #tpu.memory_space<vmem_shared>>)
      %dma_start3A_262 = arith.constant 6 : i32
      %dma_start3A_263 = arith.constant 0 : i32
      %dma_start3A_264 = tpu.memref_slice %arg6[%dma_start3A_262, %dma_start3A_263] : memref<8x128xi32, #tpu.memory_space<vmem>> -> memref<1x128xi32, #tpu.memory_space<vmem>>
      %dma_start3A_265 = tpu.memref_squeeze %dma_start3A_264 : memref<1x128xi32, #tpu.memory_space<vmem>> -> memref<128xi32, #tpu.memory_space<vmem>>
      %dma_start3A_266 = arith.constant 0 : i32
      %dma_start3A_267 = arith.constant 0 : i32
      %dma_start3A_268 = tpu.memref_slice %arg2[%dma_start3A_266, %dma_start3A_267] : memref<10000x128xf32, #tpu.memory_space<hbm>> -> memref<10000x128xf32, #tpu.memory_space<hbm>>
      tpu.enqueue_indirect_dma source(%dma_start3A_268 : memref<10000x128xf32, #tpu.memory_space<hbm>>) target(%arg10 : memref<128x128xf32, #tpu.memory_space<vmem>>) offsets(%dma_start3A_265 : memref<128xi32, #tpu.memory_space<vmem>>) semaphore(%arg13 : memref<!tpu.dma_semaphore, #tpu.memory_space<semaphore_mem>>)
      %dma_wait3A_269 = arith.constant 5 : i32
      %dma_wait3A_270 = arith.constant 0 : i32
      %dma_wait3A_271 = tpu.memref_slice %arg6[%dma_wait3A_269, %dma_wait3A_270] : memref<8x128xi32, #tpu.memory_space<vmem>> -> memref<1x128xi32, #tpu.memory_space<vmem>>
      %dma_wait3A_272 = tpu.memref_squeeze %dma_wait3A_271 : memref<1x128xi32, #tpu.memory_space<vmem>> -> memref<128xi32, #tpu.memory_space<vmem>>
      %dma_wait3A_273 = arith.constant 0 : i32
      %dma_wait3A_274 = arith.constant 0 : i32
      %dma_wait3A_275 = tpu.memref_slice %arg2[%dma_wait3A_273, %dma_wait3A_274] : memref<10000x128xf32, #tpu.memory_space<hbm>> -> memref<10000x128xf32, #tpu.memory_space<hbm>>
      tpu.wait_indirect_dma semaphore(%arg14 : memref<!tpu.dma_semaphore, #tpu.memory_space<semaphore_mem>>) src(%dma_wait3A_275 : memref<10000x128xf32, #tpu.memory_space<hbm>>) dst(%arg11 : memref<128x128xf32, #tpu.memory_space<vmem>>)
      %dma_start3A_276 = arith.constant 5 : i32
      %dma_start3A_277 = arith.constant 0 : i32
      %dma_start3A_278 = tpu.memref_slice %arg7[%dma_start3A_276, %dma_start3A_277] : memref<8x128xi32, #tpu.memory_space<vmem>> -> memref<1x128xi32, #tpu.memory_space<vmem>>
      %dma_start3A_279 = tpu.memref_squeeze %dma_start3A_278 : memref<1x128xi32, #tpu.memory_space<vmem>> -> memref<128xi32, #tpu.memory_space<vmem>>
      %dma_start3A_280 = arith.constant 0 : i32
      %dma_start3A_281 = arith.constant 0 : i32
      %dma_start3A_282 = tpu.memref_slice %arg12[%dma_start3A_280, %dma_start3A_281] : memref<10240x128xf32, #tpu.memory_space<vmem_shared>> -> memref<10240x128xf32, #tpu.memory_space<vmem_shared>>
      tpu.enqueue_indirect_dma source(%arg11 : memref<128x128xf32, #tpu.memory_space<vmem>>) target(%dma_start3A_282 : memref<10240x128xf32, #tpu.memory_space<vmem_shared>>) offsets(%dma_start3A_279 : memref<128xi32, #tpu.memory_space<vmem>>) semaphore(%arg16 : memref<!tpu.dma_semaphore, #tpu.memory_space<semaphore_mem>>) {add = true}
      %dma_wait3A_283 = arith.constant 5 : i32
      %dma_wait3A_284 = arith.constant 0 : i32
      %dma_wait3A_285 = tpu.memref_slice %arg7[%dma_wait3A_283, %dma_wait3A_284] : memref<8x128xi32, #tpu.memory_space<vmem>> -> memref<1x128xi32, #tpu.memory_space<vmem>>
      %dma_wait3A_286 = tpu.memref_squeeze %dma_wait3A_285 : memref<1x128xi32, #tpu.memory_space<vmem>> -> memref<128xi32, #tpu.memory_space<vmem>>
      %dma_wait3A_287 = arith.constant 0 : i32
      %dma_wait3A_288 = arith.constant 0 : i32
      %dma_wait3A_289 = tpu.memref_slice %arg12[%dma_wait3A_287, %dma_wait3A_288] : memref<10240x128xf32, #tpu.memory_space<vmem_shared>> -> memref<10240x128xf32, #tpu.memory_space<vmem_shared>>
      tpu.wait_indirect_dma semaphore(%arg16 : memref<!tpu.dma_semaphore, #tpu.memory_space<semaphore_mem>>) src(%arg11 : memref<128x128xf32, #tpu.memory_space<vmem>>) dst(%dma_wait3A_289 : memref<10240x128xf32, #tpu.memory_space<vmem_shared>>)
      %dma_start3A_290 = arith.constant 7 : i32
      %dma_start3A_291 = arith.constant 0 : i32
      %dma_start3A_292 = tpu.memref_slice %arg6[%dma_start3A_290, %dma_start3A_291] : memref<8x128xi32, #tpu.memory_space<vmem>> -> memref<1x128xi32, #tpu.memory_space<vmem>>
      %dma_start3A_293 = tpu.memref_squeeze %dma_start3A_292 : memref<1x128xi32, #tpu.memory_space<vmem>> -> memref<128xi32, #tpu.memory_space<vmem>>
      %dma_start3A_294 = arith.constant 0 : i32
      %dma_start3A_295 = arith.constant 0 : i32
      %dma_start3A_296 = tpu.memref_slice %arg2[%dma_start3A_294, %dma_start3A_295] : memref<10000x128xf32, #tpu.memory_space<hbm>> -> memref<10000x128xf32, #tpu.memory_space<hbm>>
      tpu.enqueue_indirect_dma source(%dma_start3A_296 : memref<10000x128xf32, #tpu.memory_space<hbm>>) target(%arg11 : memref<128x128xf32, #tpu.memory_space<vmem>>) offsets(%dma_start3A_293 : memref<128xi32, #tpu.memory_space<vmem>>) semaphore(%arg14 : memref<!tpu.dma_semaphore, #tpu.memory_space<semaphore_mem>>)
      %dma_wait3A_297 = arith.constant 6 : i32
      %dma_wait3A_298 = arith.constant 0 : i32
      %dma_wait3A_299 = tpu.memref_slice %arg6[%dma_wait3A_297, %dma_wait3A_298] : memref<8x128xi32, #tpu.memory_space<vmem>> -> memref<1x128xi32, #tpu.memory_space<vmem>>
      %dma_wait3A_300 = tpu.memref_squeeze %dma_wait3A_299 : memref<1x128xi32, #tpu.memory_space<vmem>> -> memref<128xi32, #tpu.memory_space<vmem>>
      %dma_wait3A_301 = arith.constant 0 : i32
      %dma_wait3A_302 = arith.constant 0 : i32
      %dma_wait3A_303 = tpu.memref_slice %arg2[%dma_wait3A_301, %dma_wait3A_302] : memref<10000x128xf32, #tpu.memory_space<hbm>> -> memref<10000x128xf32, #tpu.memory_space<hbm>>
      tpu.wait_indirect_dma semaphore(%arg13 : memref<!tpu.dma_semaphore, #tpu.memory_space<semaphore_mem>>) src(%dma_wait3A_303 : memref<10000x128xf32, #tpu.memory_space<hbm>>) dst(%arg10 : memref<128x128xf32, #tpu.memory_space<vmem>>)
      %dma_start3A_304 = arith.constant 6 : i32
      %dma_start3A_305 = arith.constant 0 : i32
      %dma_start3A_306 = tpu.memref_slice %arg7[%dma_start3A_304, %dma_start3A_305] : memref<8x128xi32, #tpu.memory_space<vmem>> -> memref<1x128xi32, #tpu.memory_space<vmem>>
      %dma_start3A_307 = tpu.memref_squeeze %dma_start3A_306 : memref<1x128xi32, #tpu.memory_space<vmem>> -> memref<128xi32, #tpu.memory_space<vmem>>
      %dma_start3A_308 = arith.constant 0 : i32
      %dma_start3A_309 = arith.constant 0 : i32
      %dma_start3A_310 = tpu.memref_slice %arg12[%dma_start3A_308, %dma_start3A_309] : memref<10240x128xf32, #tpu.memory_space<vmem_shared>> -> memref<10240x128xf32, #tpu.memory_space<vmem_shared>>
      tpu.enqueue_indirect_dma source(%arg10 : memref<128x128xf32, #tpu.memory_space<vmem>>) target(%dma_start3A_310 : memref<10240x128xf32, #tpu.memory_space<vmem_shared>>) offsets(%dma_start3A_307 : memref<128xi32, #tpu.memory_space<vmem>>) semaphore(%arg15 : memref<!tpu.dma_semaphore, #tpu.memory_space<semaphore_mem>>) {add = true}
      %dma_wait3A_311 = arith.constant 6 : i32
      %dma_wait3A_312 = arith.constant 0 : i32
      %dma_wait3A_313 = tpu.memref_slice %arg7[%dma_wait3A_311, %dma_wait3A_312] : memref<8x128xi32, #tpu.memory_space<vmem>> -> memref<1x128xi32, #tpu.memory_space<vmem>>
      %dma_wait3A_314 = tpu.memref_squeeze %dma_wait3A_313 : memref<1x128xi32, #tpu.memory_space<vmem>> -> memref<128xi32, #tpu.memory_space<vmem>>
      %dma_wait3A_315 = arith.constant 0 : i32
      %dma_wait3A_316 = arith.constant 0 : i32
      %dma_wait3A_317 = tpu.memref_slice %arg12[%dma_wait3A_315, %dma_wait3A_316] : memref<10240x128xf32, #tpu.memory_space<vmem_shared>> -> memref<10240x128xf32, #tpu.memory_space<vmem_shared>>
      tpu.wait_indirect_dma semaphore(%arg15 : memref<!tpu.dma_semaphore, #tpu.memory_space<semaphore_mem>>) src(%arg10 : memref<128x128xf32, #tpu.memory_space<vmem>>) dst(%dma_wait3A_317 : memref<10240x128xf32, #tpu.memory_space<vmem_shared>>)
      %dma_wait3A_318 = arith.constant 0 : i32
      %dma_wait3A_319 = arith.constant 0 : i32
      %dma_wait3A_320 = tpu.memref_slice %arg3[%dma_wait3A_318, %dma_wait3A_319] : memref<2560x128xi32, #tpu.memory_space<hbm>> -> memref<8x128xi32, #tpu.memory_space<hbm>>
      %dma_wait3A_321 = arith.constant 0 : i32
      %dma_wait3A_322 = arith.constant 0 : i32
      %dma_wait3A_323 = tpu.memref_slice %arg3[%dma_wait3A_321, %dma_wait3A_322] : memref<2560x128xi32, #tpu.memory_space<hbm>> -> memref<8x128xi32, #tpu.memory_space<hbm>>
      tpu.wait_dma2 semaphore(%arg18 : memref<!tpu.dma_semaphore, #tpu.memory_space<semaphore_mem>>) src(%dma_wait3A_323 : memref<8x128xi32, #tpu.memory_space<hbm>>) dst(%arg8 : memref<8x128xi32, #tpu.memory_space<vmem>>)
      %dma_wait3A_324 = arith.constant 0 : i32
      %dma_wait3A_325 = arith.constant 0 : i32
      %dma_wait3A_326 = tpu.memref_slice %arg4[%dma_wait3A_324, %dma_wait3A_325] : memref<2560x128xi32, #tpu.memory_space<hbm>> -> memref<8x128xi32, #tpu.memory_space<hbm>>
      %dma_wait3A_327 = arith.constant 0 : i32
      %dma_wait3A_328 = arith.constant 0 : i32
      %dma_wait3A_329 = tpu.memref_slice %arg4[%dma_wait3A_327, %dma_wait3A_328] : memref<2560x128xi32, #tpu.memory_space<hbm>> -> memref<8x128xi32, #tpu.memory_space<hbm>>
      tpu.wait_dma2 semaphore(%arg18 : memref<!tpu.dma_semaphore, #tpu.memory_space<semaphore_mem>>) src(%dma_wait3A_329 : memref<8x128xi32, #tpu.memory_space<hbm>>) dst(%arg9 : memref<8x128xi32, #tpu.memory_space<vmem>>)
      %dma_start3A_330 = arith.constant 0 : i32
      %dma_start3A_331 = arith.constant 0 : i32
      %dma_start3A_332 = tpu.memref_slice %arg8[%dma_start3A_330, %dma_start3A_331] : memref<8x128xi32, #tpu.memory_space<vmem>> -> memref<1x128xi32, #tpu.memory_space<vmem>>
      %dma_start3A_333 = tpu.memref_squeeze %dma_start3A_332 : memref<1x128xi32, #tpu.memory_space<vmem>> -> memref<128xi32, #tpu.memory_space<vmem>>
      %dma_start3A_334 = arith.constant 0 : i32
      %dma_start3A_335 = arith.constant 0 : i32
      %dma_start3A_336 = tpu.memref_slice %arg2[%dma_start3A_334, %dma_start3A_335] : memref<10000x128xf32, #tpu.memory_space<hbm>> -> memref<10000x128xf32, #tpu.memory_space<hbm>>
      tpu.enqueue_indirect_dma source(%dma_start3A_336 : memref<10000x128xf32, #tpu.memory_space<hbm>>) target(%arg10 : memref<128x128xf32, #tpu.memory_space<vmem>>) offsets(%dma_start3A_333 : memref<128xi32, #tpu.memory_space<vmem>>) semaphore(%arg13 : memref<!tpu.dma_semaphore, #tpu.memory_space<semaphore_mem>>)
      %dma_wait3A_337 = arith.constant 7 : i32
      %dma_wait3A_338 = arith.constant 0 : i32
      %dma_wait3A_339 = tpu.memref_slice %arg6[%dma_wait3A_337, %dma_wait3A_338] : memref<8x128xi32, #tpu.memory_space<vmem>> -> memref<1x128xi32, #tpu.memory_space<vmem>>
      %dma_wait3A_340 = tpu.memref_squeeze %dma_wait3A_339 : memref<1x128xi32, #tpu.memory_space<vmem>> -> memref<128xi32, #tpu.memory_space<vmem>>
      %dma_wait3A_341 = arith.constant 0 : i32
      %dma_wait3A_342 = arith.constant 0 : i32
      %dma_wait3A_343 = tpu.memref_slice %arg2[%dma_wait3A_341, %dma_wait3A_342] : memref<10000x128xf32, #tpu.memory_space<hbm>> -> memref<10000x128xf32, #tpu.memory_space<hbm>>
      tpu.wait_indirect_dma semaphore(%arg14 : memref<!tpu.dma_semaphore, #tpu.memory_space<semaphore_mem>>) src(%dma_wait3A_343 : memref<10000x128xf32, #tpu.memory_space<hbm>>) dst(%arg11 : memref<128x128xf32, #tpu.memory_space<vmem>>)
      %dma_start3A_344 = arith.constant 7 : i32
      %dma_start3A_345 = arith.constant 0 : i32
      %dma_start3A_346 = tpu.memref_slice %arg7[%dma_start3A_344, %dma_start3A_345] : memref<8x128xi32, #tpu.memory_space<vmem>> -> memref<1x128xi32, #tpu.memory_space<vmem>>
      %dma_start3A_347 = tpu.memref_squeeze %dma_start3A_346 : memref<1x128xi32, #tpu.memory_space<vmem>> -> memref<128xi32, #tpu.memory_space<vmem>>
      %dma_start3A_348 = arith.constant 0 : i32
      %dma_start3A_349 = arith.constant 0 : i32
      %dma_start3A_350 = tpu.memref_slice %arg12[%dma_start3A_348, %dma_start3A_349] : memref<10240x128xf32, #tpu.memory_space<vmem_shared>> -> memref<10240x128xf32, #tpu.memory_space<vmem_shared>>
      tpu.enqueue_indirect_dma source(%arg11 : memref<128x128xf32, #tpu.memory_space<vmem>>) target(%dma_start3A_350 : memref<10240x128xf32, #tpu.memory_space<vmem_shared>>) offsets(%dma_start3A_347 : memref<128xi32, #tpu.memory_space<vmem>>) semaphore(%arg16 : memref<!tpu.dma_semaphore, #tpu.memory_space<semaphore_mem>>) {add = true}
      %lt3A = arith.constant 4 : i32
      %lt3A_351 = arith.cmpi slt, %scan3A_116, %lt3A : i32
      %convert_element_type3A_352 = arith.extui %lt3A_351 : i1 to i32
      %cond3A_353 = arith.constant 0 : i32
      %cond3A_354 = arith.cmpi ne, %convert_element_type3A_352, %cond3A_353 : i32
      scf.if %cond3A_354 {
        %mul3A_584 = arith.constant 80 : i32
        %mul3A_585 = arith.muli %add3A, %mul3A_584 : i32
        %add3A_586 = arith.constant 2 : i32
        %add3A_587 = arith.addi %add3A_120, %add3A_586 : i32
        %mul3A_588 = arith.constant 8 : i32
        %mul3A_589 = arith.muli %add3A_587, %mul3A_588 : i32
        %add3A_590 = arith.addi %mul3A_585, %mul3A_589 : i32
        %dma_start3A_591 = arith.constant 0 : i32
        %dma_start3A_592 = tpu.memref_slice %arg3[%add3A_590, %dma_start3A_591] : memref<2560x128xi32, #tpu.memory_space<hbm>> -> memref<8x128xi32, #tpu.memory_space<hbm>>
        %dma_start3A_593 = arith.constant 0 : i32
        %dma_start3A_594 = tpu.memref_slice %arg3[%add3A_590, %dma_start3A_593] : memref<2560x128xi32, #tpu.memory_space<hbm>> -> memref<8x128xi32, #tpu.memory_space<hbm>>
        tpu.enqueue_dma source(%dma_start3A_594 : memref<8x128xi32, #tpu.memory_space<hbm>>) target(%arg6 : memref<8x128xi32, #tpu.memory_space<vmem>>) target_semaphore(%arg17 : memref<!tpu.dma_semaphore, #tpu.memory_space<semaphore_mem>>)
        %dma_start3A_595 = arith.constant 0 : i32
        %dma_start3A_596 = tpu.memref_slice %arg4[%add3A_590, %dma_start3A_595] : memref<2560x128xi32, #tpu.memory_space<hbm>> -> memref<8x128xi32, #tpu.memory_space<hbm>>
        %dma_start3A_597 = arith.constant 0 : i32
        %dma_start3A_598 = tpu.memref_slice %arg4[%add3A_590, %dma_start3A_597] : memref<2560x128xi32, #tpu.memory_space<hbm>> -> memref<8x128xi32, #tpu.memory_space<hbm>>
        tpu.enqueue_dma source(%dma_start3A_598 : memref<8x128xi32, #tpu.memory_space<hbm>>) target(%arg7 : memref<8x128xi32, #tpu.memory_space<vmem>>) target_semaphore(%arg17 : memref<!tpu.dma_semaphore, #tpu.memory_space<semaphore_mem>>)
      } else {
      }
      %mul3A_355 = arith.constant 2 : i32
      %mul3A_356 = arith.muli %scan3A_116, %mul3A_355 : i32
      %add3A_357 = arith.constant 1 : i32
      %add3A_358 = arith.addi %mul3A_356, %add3A_357 : i32
      %dma_wait3A_359 = arith.constant 0 : i32
      %dma_wait3A_360 = arith.constant 0 : i32
      %dma_wait3A_361 = tpu.memref_slice %arg2[%dma_wait3A_359, %dma_wait3A_360] : memref<10000x128xf32, #tpu.memory_space<hbm>> -> memref<128x128xf32, #tpu.memory_space<hbm>>
      %dma_wait3A_362 = arith.constant 0 : i32
      %dma_wait3A_363 = arith.constant 0 : i32
      %dma_wait3A_364 = tpu.memref_slice %arg2[%dma_wait3A_362, %dma_wait3A_363] : memref<10000x128xf32, #tpu.memory_space<hbm>> -> memref<128x128xf32, #tpu.memory_space<hbm>>
      tpu.wait_dma2 semaphore(%arg16 : memref<!tpu.dma_semaphore, #tpu.memory_space<semaphore_mem>>) src(%dma_wait3A_364 : memref<128x128xf32, #tpu.memory_space<hbm>>) dst(%arg11 : memref<128x128xf32, #tpu.memory_space<vmem>>)
      %dma_start3A_365 = arith.constant 1 : i32
      %dma_start3A_366 = arith.constant 0 : i32
      %dma_start3A_367 = tpu.memref_slice %arg8[%dma_start3A_365, %dma_start3A_366] : memref<8x128xi32, #tpu.memory_space<vmem>> -> memref<1x128xi32, #tpu.memory_space<vmem>>
      %dma_start3A_368 = tpu.memref_squeeze %dma_start3A_367 : memref<1x128xi32, #tpu.memory_space<vmem>> -> memref<128xi32, #tpu.memory_space<vmem>>
      %dma_start3A_369 = arith.constant 0 : i32
      %dma_start3A_370 = arith.constant 0 : i32
      %dma_start3A_371 = tpu.memref_slice %arg2[%dma_start3A_369, %dma_start3A_370] : memref<10000x128xf32, #tpu.memory_space<hbm>> -> memref<10000x128xf32, #tpu.memory_space<hbm>>
      tpu.enqueue_indirect_dma source(%dma_start3A_371 : memref<10000x128xf32, #tpu.memory_space<hbm>>) target(%arg11 : memref<128x128xf32, #tpu.memory_space<vmem>>) offsets(%dma_start3A_368 : memref<128xi32, #tpu.memory_space<vmem>>) semaphore(%arg14 : memref<!tpu.dma_semaphore, #tpu.memory_space<semaphore_mem>>)
      %dma_wait3A_372 = arith.constant 0 : i32
      %dma_wait3A_373 = arith.constant 0 : i32
      %dma_wait3A_374 = tpu.memref_slice %arg2[%dma_wait3A_372, %dma_wait3A_373] : memref<10000x128xf32, #tpu.memory_space<hbm>> -> memref<128x128xf32, #tpu.memory_space<hbm>>
      %dma_wait3A_375 = arith.constant 0 : i32
      %dma_wait3A_376 = arith.constant 0 : i32
      %dma_wait3A_377 = tpu.memref_slice %arg2[%dma_wait3A_375, %dma_wait3A_376] : memref<10000x128xf32, #tpu.memory_space<hbm>> -> memref<128x128xf32, #tpu.memory_space<hbm>>
      tpu.wait_dma2 semaphore(%arg13 : memref<!tpu.dma_semaphore, #tpu.memory_space<semaphore_mem>>) src(%dma_wait3A_377 : memref<128x128xf32, #tpu.memory_space<hbm>>) dst(%arg10 : memref<128x128xf32, #tpu.memory_space<vmem>>)
      %dma_start3A_378 = arith.constant 0 : i32
      %dma_start3A_379 = arith.constant 0 : i32
      %dma_start3A_380 = tpu.memref_slice %arg9[%dma_start3A_378, %dma_start3A_379] : memref<8x128xi32, #tpu.memory_space<vmem>> -> memref<1x128xi32, #tpu.memory_space<vmem>>
      %dma_start3A_381 = tpu.memref_squeeze %dma_start3A_380 : memref<1x128xi32, #tpu.memory_space<vmem>> -> memref<128xi32, #tpu.memory_space<vmem>>
      %dma_start3A_382 = arith.constant 0 : i32
      %dma_start3A_383 = arith.constant 0 : i32
      %dma_start3A_384 = tpu.memref_slice %arg12[%dma_start3A_382, %dma_start3A_383] : memref<10240x128xf32, #tpu.memory_space<vmem_shared>> -> memref<10240x128xf32, #tpu.memory_space<vmem_shared>>
      tpu.enqueue_indirect_dma source(%arg10 : memref<128x128xf32, #tpu.memory_space<vmem>>) target(%dma_start3A_384 : memref<10240x128xf32, #tpu.memory_space<vmem_shared>>) offsets(%dma_start3A_381 : memref<128xi32, #tpu.memory_space<vmem>>) semaphore(%arg15 : memref<!tpu.dma_semaphore, #tpu.memory_space<semaphore_mem>>) {add = true}
      %dma_wait3A_385 = arith.constant 0 : i32
      %dma_wait3A_386 = arith.constant 0 : i32
      %dma_wait3A_387 = tpu.memref_slice %arg9[%dma_wait3A_385, %dma_wait3A_386] : memref<8x128xi32, #tpu.memory_space<vmem>> -> memref<1x128xi32, #tpu.memory_space<vmem>>
      %dma_wait3A_388 = tpu.memref_squeeze %dma_wait3A_387 : memref<1x128xi32, #tpu.memory_space<vmem>> -> memref<128xi32, #tpu.memory_space<vmem>>
      %dma_wait3A_389 = arith.constant 0 : i32
      %dma_wait3A_390 = arith.constant 0 : i32
      %dma_wait3A_391 = tpu.memref_slice %arg12[%dma_wait3A_389, %dma_wait3A_390] : memref<10240x128xf32, #tpu.memory_space<vmem_shared>> -> memref<10240x128xf32, #tpu.memory_space<vmem_shared>>
      tpu.wait_indirect_dma semaphore(%arg15 : memref<!tpu.dma_semaphore, #tpu.memory_space<semaphore_mem>>) src(%arg10 : memref<128x128xf32, #tpu.memory_space<vmem>>) dst(%dma_wait3A_391 : memref<10240x128xf32, #tpu.memory_space<vmem_shared>>)
      %dma_start3A_392 = arith.constant 2 : i32
      %dma_start3A_393 = arith.constant 0 : i32
      %dma_start3A_394 = tpu.memref_slice %arg8[%dma_start3A_392, %dma_start3A_393] : memref<8x128xi32, #tpu.memory_space<vmem>> -> memref<1x128xi32, #tpu.memory_space<vmem>>
      %dma_start3A_395 = tpu.memref_squeeze %dma_start3A_394 : memref<1x128xi32, #tpu.memory_space<vmem>> -> memref<128xi32, #tpu.memory_space<vmem>>
      %dma_start3A_396 = arith.constant 0 : i32
      %dma_start3A_397 = arith.constant 0 : i32
      %dma_start3A_398 = tpu.memref_slice %arg2[%dma_start3A_396, %dma_start3A_397] : memref<10000x128xf32, #tpu.memory_space<hbm>> -> memref<10000x128xf32, #tpu.memory_space<hbm>>
      tpu.enqueue_indirect_dma source(%dma_start3A_398 : memref<10000x128xf32, #tpu.memory_space<hbm>>) target(%arg10 : memref<128x128xf32, #tpu.memory_space<vmem>>) offsets(%dma_start3A_395 : memref<128xi32, #tpu.memory_space<vmem>>) semaphore(%arg13 : memref<!tpu.dma_semaphore, #tpu.memory_space<semaphore_mem>>)
      %dma_wait3A_399 = arith.constant 1 : i32
      %dma_wait3A_400 = arith.constant 0 : i32
      %dma_wait3A_401 = tpu.memref_slice %arg8[%dma_wait3A_399, %dma_wait3A_400] : memref<8x128xi32, #tpu.memory_space<vmem>> -> memref<1x128xi32, #tpu.memory_space<vmem>>
      %dma_wait3A_402 = tpu.memref_squeeze %dma_wait3A_401 : memref<1x128xi32, #tpu.memory_space<vmem>> -> memref<128xi32, #tpu.memory_space<vmem>>
      %dma_wait3A_403 = arith.constant 0 : i32
      %dma_wait3A_404 = arith.constant 0 : i32
      %dma_wait3A_405 = tpu.memref_slice %arg2[%dma_wait3A_403, %dma_wait3A_404] : memref<10000x128xf32, #tpu.memory_space<hbm>> -> memref<10000x128xf32, #tpu.memory_space<hbm>>
      tpu.wait_indirect_dma semaphore(%arg14 : memref<!tpu.dma_semaphore, #tpu.memory_space<semaphore_mem>>) src(%dma_wait3A_405 : memref<10000x128xf32, #tpu.memory_space<hbm>>) dst(%arg11 : memref<128x128xf32, #tpu.memory_space<vmem>>)
      %dma_start3A_406 = arith.constant 1 : i32
      %dma_start3A_407 = arith.constant 0 : i32
      %dma_start3A_408 = tpu.memref_slice %arg9[%dma_start3A_406, %dma_start3A_407] : memref<8x128xi32, #tpu.memory_space<vmem>> -> memref<1x128xi32, #tpu.memory_space<vmem>>
      %dma_start3A_409 = tpu.memref_squeeze %dma_start3A_408 : memref<1x128xi32, #tpu.memory_space<vmem>> -> memref<128xi32, #tpu.memory_space<vmem>>
      %dma_start3A_410 = arith.constant 0 : i32
      %dma_start3A_411 = arith.constant 0 : i32
      %dma_start3A_412 = tpu.memref_slice %arg12[%dma_start3A_410, %dma_start3A_411] : memref<10240x128xf32, #tpu.memory_space<vmem_shared>> -> memref<10240x128xf32, #tpu.memory_space<vmem_shared>>
      tpu.enqueue_indirect_dma source(%arg11 : memref<128x128xf32, #tpu.memory_space<vmem>>) target(%dma_start3A_412 : memref<10240x128xf32, #tpu.memory_space<vmem_shared>>) offsets(%dma_start3A_409 : memref<128xi32, #tpu.memory_space<vmem>>) semaphore(%arg16 : memref<!tpu.dma_semaphore, #tpu.memory_space<semaphore_mem>>) {add = true}
      %dma_wait3A_413 = arith.constant 1 : i32
      %dma_wait3A_414 = arith.constant 0 : i32
      %dma_wait3A_415 = tpu.memref_slice %arg9[%dma_wait3A_413, %dma_wait3A_414] : memref<8x128xi32, #tpu.memory_space<vmem>> -> memref<1x128xi32, #tpu.memory_space<vmem>>
      %dma_wait3A_416 = tpu.memref_squeeze %dma_wait3A_415 : memref<1x128xi32, #tpu.memory_space<vmem>> -> memref<128xi32, #tpu.memory_space<vmem>>
      %dma_wait3A_417 = arith.constant 0 : i32
      %dma_wait3A_418 = arith.constant 0 : i32
      %dma_wait3A_419 = tpu.memref_slice %arg12[%dma_wait3A_417, %dma_wait3A_418] : memref<10240x128xf32, #tpu.memory_space<vmem_shared>> -> memref<10240x128xf32, #tpu.memory_space<vmem_shared>>
      tpu.wait_indirect_dma semaphore(%arg16 : memref<!tpu.dma_semaphore, #tpu.memory_space<semaphore_mem>>) src(%arg11 : memref<128x128xf32, #tpu.memory_space<vmem>>) dst(%dma_wait3A_419 : memref<10240x128xf32, #tpu.memory_space<vmem_shared>>)
      %dma_start3A_420 = arith.constant 3 : i32
      %dma_start3A_421 = arith.constant 0 : i32
      %dma_start3A_422 = tpu.memref_slice %arg8[%dma_start3A_420, %dma_start3A_421] : memref<8x128xi32, #tpu.memory_space<vmem>> -> memref<1x128xi32, #tpu.memory_space<vmem>>
      %dma_start3A_423 = tpu.memref_squeeze %dma_start3A_422 : memref<1x128xi32, #tpu.memory_space<vmem>> -> memref<128xi32, #tpu.memory_space<vmem>>
      %dma_start3A_424 = arith.constant 0 : i32
      %dma_start3A_425 = arith.constant 0 : i32
      %dma_start3A_426 = tpu.memref_slice %arg2[%dma_start3A_424, %dma_start3A_425] : memref<10000x128xf32, #tpu.memory_space<hbm>> -> memref<10000x128xf32, #tpu.memory_space<hbm>>
      tpu.enqueue_indirect_dma source(%dma_start3A_426 : memref<10000x128xf32, #tpu.memory_space<hbm>>) target(%arg11 : memref<128x128xf32, #tpu.memory_space<vmem>>) offsets(%dma_start3A_423 : memref<128xi32, #tpu.memory_space<vmem>>) semaphore(%arg14 : memref<!tpu.dma_semaphore, #tpu.memory_space<semaphore_mem>>)
      %dma_wait3A_427 = arith.constant 2 : i32
      %dma_wait3A_428 = arith.constant 0 : i32
      %dma_wait3A_429 = tpu.memref_slice %arg8[%dma_wait3A_427, %dma_wait3A_428] : memref<8x128xi32, #tpu.memory_space<vmem>> -> memref<1x128xi32, #tpu.memory_space<vmem>>
      %dma_wait3A_430 = tpu.memref_squeeze %dma_wait3A_429 : memref<1x128xi32, #tpu.memory_space<vmem>> -> memref<128xi32, #tpu.memory_space<vmem>>
      %dma_wait3A_431 = arith.constant 0 : i32
      %dma_wait3A_432 = arith.constant 0 : i32
      %dma_wait3A_433 = tpu.memref_slice %arg2[%dma_wait3A_431, %dma_wait3A_432] : memref<10000x128xf32, #tpu.memory_space<hbm>> -> memref<10000x128xf32, #tpu.memory_space<hbm>>
      tpu.wait_indirect_dma semaphore(%arg13 : memref<!tpu.dma_semaphore, #tpu.memory_space<semaphore_mem>>) src(%dma_wait3A_433 : memref<10000x128xf32, #tpu.memory_space<hbm>>) dst(%arg10 : memref<128x128xf32, #tpu.memory_space<vmem>>)
      %dma_start3A_434 = arith.constant 2 : i32
      %dma_start3A_435 = arith.constant 0 : i32
      %dma_start3A_436 = tpu.memref_slice %arg9[%dma_start3A_434, %dma_start3A_435] : memref<8x128xi32, #tpu.memory_space<vmem>> -> memref<1x128xi32, #tpu.memory_space<vmem>>
      %dma_start3A_437 = tpu.memref_squeeze %dma_start3A_436 : memref<1x128xi32, #tpu.memory_space<vmem>> -> memref<128xi32, #tpu.memory_space<vmem>>
      %dma_start3A_438 = arith.constant 0 : i32
      %dma_start3A_439 = arith.constant 0 : i32
      %dma_start3A_440 = tpu.memref_slice %arg12[%dma_start3A_438, %dma_start3A_439] : memref<10240x128xf32, #tpu.memory_space<vmem_shared>> -> memref<10240x128xf32, #tpu.memory_space<vmem_shared>>
      tpu.enqueue_indirect_dma source(%arg10 : memref<128x128xf32, #tpu.memory_space<vmem>>) target(%dma_start3A_440 : memref<10240x128xf32, #tpu.memory_space<vmem_shared>>) offsets(%dma_start3A_437 : memref<128xi32, #tpu.memory_space<vmem>>) semaphore(%arg15 : memref<!tpu.dma_semaphore, #tpu.memory_space<semaphore_mem>>) {add = true}
      %dma_wait3A_441 = arith.constant 2 : i32
      %dma_wait3A_442 = arith.constant 0 : i32
      %dma_wait3A_443 = tpu.memref_slice %arg9[%dma_wait3A_441, %dma_wait3A_442] : memref<8x128xi32, #tpu.memory_space<vmem>> -> memref<1x128xi32, #tpu.memory_space<vmem>>
      %dma_wait3A_444 = tpu.memref_squeeze %dma_wait3A_443 : memref<1x128xi32, #tpu.memory_space<vmem>> -> memref<128xi32, #tpu.memory_space<vmem>>
      %dma_wait3A_445 = arith.constant 0 : i32
      %dma_wait3A_446 = arith.constant 0 : i32
      %dma_wait3A_447 = tpu.memref_slice %arg12[%dma_wait3A_445, %dma_wait3A_446] : memref<10240x128xf32, #tpu.memory_space<vmem_shared>> -> memref<10240x128xf32, #tpu.memory_space<vmem_shared>>
      tpu.wait_indirect_dma semaphore(%arg15 : memref<!tpu.dma_semaphore, #tpu.memory_space<semaphore_mem>>) src(%arg10 : memref<128x128xf32, #tpu.memory_space<vmem>>) dst(%dma_wait3A_447 : memref<10240x128xf32, #tpu.memory_space<vmem_shared>>)
      %dma_start3A_448 = arith.constant 4 : i32
      %dma_start3A_449 = arith.constant 0 : i32
      %dma_start3A_450 = tpu.memref_slice %arg8[%dma_start3A_448, %dma_start3A_449] : memref<8x128xi32, #tpu.memory_space<vmem>> -> memref<1x128xi32, #tpu.memory_space<vmem>>
      %dma_start3A_451 = tpu.memref_squeeze %dma_start3A_450 : memref<1x128xi32, #tpu.memory_space<vmem>> -> memref<128xi32, #tpu.memory_space<vmem>>
      %dma_start3A_452 = arith.constant 0 : i32
      %dma_start3A_453 = arith.constant 0 : i32
      %dma_start3A_454 = tpu.memref_slice %arg2[%dma_start3A_452, %dma_start3A_453] : memref<10000x128xf32, #tpu.memory_space<hbm>> -> memref<10000x128xf32, #tpu.memory_space<hbm>>
      tpu.enqueue_indirect_dma source(%dma_start3A_454 : memref<10000x128xf32, #tpu.memory_space<hbm>>) target(%arg10 : memref<128x128xf32, #tpu.memory_space<vmem>>) offsets(%dma_start3A_451 : memref<128xi32, #tpu.memory_space<vmem>>) semaphore(%arg13 : memref<!tpu.dma_semaphore, #tpu.memory_space<semaphore_mem>>)
      %dma_wait3A_455 = arith.constant 3 : i32
      %dma_wait3A_456 = arith.constant 0 : i32
      %dma_wait3A_457 = tpu.memref_slice %arg8[%dma_wait3A_455, %dma_wait3A_456] : memref<8x128xi32, #tpu.memory_space<vmem>> -> memref<1x128xi32, #tpu.memory_space<vmem>>
      %dma_wait3A_458 = tpu.memref_squeeze %dma_wait3A_457 : memref<1x128xi32, #tpu.memory_space<vmem>> -> memref<128xi32, #tpu.memory_space<vmem>>
      %dma_wait3A_459 = arith.constant 0 : i32
      %dma_wait3A_460 = arith.constant 0 : i32
      %dma_wait3A_461 = tpu.memref_slice %arg2[%dma_wait3A_459, %dma_wait3A_460] : memref<10000x128xf32, #tpu.memory_space<hbm>> -> memref<10000x128xf32, #tpu.memory_space<hbm>>
      tpu.wait_indirect_dma semaphore(%arg14 : memref<!tpu.dma_semaphore, #tpu.memory_space<semaphore_mem>>) src(%dma_wait3A_461 : memref<10000x128xf32, #tpu.memory_space<hbm>>) dst(%arg11 : memref<128x128xf32, #tpu.memory_space<vmem>>)
      %dma_start3A_462 = arith.constant 3 : i32
      %dma_start3A_463 = arith.constant 0 : i32
      %dma_start3A_464 = tpu.memref_slice %arg9[%dma_start3A_462, %dma_start3A_463] : memref<8x128xi32, #tpu.memory_space<vmem>> -> memref<1x128xi32, #tpu.memory_space<vmem>>
      %dma_start3A_465 = tpu.memref_squeeze %dma_start3A_464 : memref<1x128xi32, #tpu.memory_space<vmem>> -> memref<128xi32, #tpu.memory_space<vmem>>
      %dma_start3A_466 = arith.constant 0 : i32
      %dma_start3A_467 = arith.constant 0 : i32
      %dma_start3A_468 = tpu.memref_slice %arg12[%dma_start3A_466, %dma_start3A_467] : memref<10240x128xf32, #tpu.memory_space<vmem_shared>> -> memref<10240x128xf32, #tpu.memory_space<vmem_shared>>
      tpu.enqueue_indirect_dma source(%arg11 : memref<128x128xf32, #tpu.memory_space<vmem>>) target(%dma_start3A_468 : memref<10240x128xf32, #tpu.memory_space<vmem_shared>>) offsets(%dma_start3A_465 : memref<128xi32, #tpu.memory_space<vmem>>) semaphore(%arg16 : memref<!tpu.dma_semaphore, #tpu.memory_space<semaphore_mem>>) {add = true}
      %dma_wait3A_469 = arith.constant 3 : i32
      %dma_wait3A_470 = arith.constant 0 : i32
      %dma_wait3A_471 = tpu.memref_slice %arg9[%dma_wait3A_469, %dma_wait3A_470] : memref<8x128xi32, #tpu.memory_space<vmem>> -> memref<1x128xi32, #tpu.memory_space<vmem>>
      %dma_wait3A_472 = tpu.memref_squeeze %dma_wait3A_471 : memref<1x128xi32, #tpu.memory_space<vmem>> -> memref<128xi32, #tpu.memory_space<vmem>>
      %dma_wait3A_473 = arith.constant 0 : i32
      %dma_wait3A_474 = arith.constant 0 : i32
      %dma_wait3A_475 = tpu.memref_slice %arg12[%dma_wait3A_473, %dma_wait3A_474] : memref<10240x128xf32, #tpu.memory_space<vmem_shared>> -> memref<10240x128xf32, #tpu.memory_space<vmem_shared>>
      tpu.wait_indirect_dma semaphore(%arg16 : memref<!tpu.dma_semaphore, #tpu.memory_space<semaphore_mem>>) src(%arg11 : memref<128x128xf32, #tpu.memory_space<vmem>>) dst(%dma_wait3A_475 : memref<10240x128xf32, #tpu.memory_space<vmem_shared>>)
      %dma_start3A_476 = arith.constant 5 : i32
      %dma_start3A_477 = arith.constant 0 : i32
      %dma_start3A_478 = tpu.memref_slice %arg8[%dma_start3A_476, %dma_start3A_477] : memref<8x128xi32, #tpu.memory_space<vmem>> -> memref<1x128xi32, #tpu.memory_space<vmem>>
      %dma_start3A_479 = tpu.memref_squeeze %dma_start3A_478 : memref<1x128xi32, #tpu.memory_space<vmem>> -> memref<128xi32, #tpu.memory_space<vmem>>
      %dma_start3A_480 = arith.constant 0 : i32
      %dma_start3A_481 = arith.constant 0 : i32
      %dma_start3A_482 = tpu.memref_slice %arg2[%dma_start3A_480, %dma_start3A_481] : memref<10000x128xf32, #tpu.memory_space<hbm>> -> memref<10000x128xf32, #tpu.memory_space<hbm>>
      tpu.enqueue_indirect_dma source(%dma_start3A_482 : memref<10000x128xf32, #tpu.memory_space<hbm>>) target(%arg11 : memref<128x128xf32, #tpu.memory_space<vmem>>) offsets(%dma_start3A_479 : memref<128xi32, #tpu.memory_space<vmem>>) semaphore(%arg14 : memref<!tpu.dma_semaphore, #tpu.memory_space<semaphore_mem>>)
      %dma_wait3A_483 = arith.constant 4 : i32
      %dma_wait3A_484 = arith.constant 0 : i32
      %dma_wait3A_485 = tpu.memref_slice %arg8[%dma_wait3A_483, %dma_wait3A_484] : memref<8x128xi32, #tpu.memory_space<vmem>> -> memref<1x128xi32, #tpu.memory_space<vmem>>
      %dma_wait3A_486 = tpu.memref_squeeze %dma_wait3A_485 : memref<1x128xi32, #tpu.memory_space<vmem>> -> memref<128xi32, #tpu.memory_space<vmem>>
      %dma_wait3A_487 = arith.constant 0 : i32
      %dma_wait3A_488 = arith.constant 0 : i32
      %dma_wait3A_489 = tpu.memref_slice %arg2[%dma_wait3A_487, %dma_wait3A_488] : memref<10000x128xf32, #tpu.memory_space<hbm>> -> memref<10000x128xf32, #tpu.memory_space<hbm>>
      tpu.wait_indirect_dma semaphore(%arg13 : memref<!tpu.dma_semaphore, #tpu.memory_space<semaphore_mem>>) src(%dma_wait3A_489 : memref<10000x128xf32, #tpu.memory_space<hbm>>) dst(%arg10 : memref<128x128xf32, #tpu.memory_space<vmem>>)
      %dma_start3A_490 = arith.constant 4 : i32
      %dma_start3A_491 = arith.constant 0 : i32
      %dma_start3A_492 = tpu.memref_slice %arg9[%dma_start3A_490, %dma_start3A_491] : memref<8x128xi32, #tpu.memory_space<vmem>> -> memref<1x128xi32, #tpu.memory_space<vmem>>
      %dma_start3A_493 = tpu.memref_squeeze %dma_start3A_492 : memref<1x128xi32, #tpu.memory_space<vmem>> -> memref<128xi32, #tpu.memory_space<vmem>>
      %dma_start3A_494 = arith.constant 0 : i32
      %dma_start3A_495 = arith.constant 0 : i32
      %dma_start3A_496 = tpu.memref_slice %arg12[%dma_start3A_494, %dma_start3A_495] : memref<10240x128xf32, #tpu.memory_space<vmem_shared>> -> memref<10240x128xf32, #tpu.memory_space<vmem_shared>>
      tpu.enqueue_indirect_dma source(%arg10 : memref<128x128xf32, #tpu.memory_space<vmem>>) target(%dma_start3A_496 : memref<10240x128xf32, #tpu.memory_space<vmem_shared>>) offsets(%dma_start3A_493 : memref<128xi32, #tpu.memory_space<vmem>>) semaphore(%arg15 : memref<!tpu.dma_semaphore, #tpu.memory_space<semaphore_mem>>) {add = true}
      %dma_wait3A_497 = arith.constant 4 : i32
      %dma_wait3A_498 = arith.constant 0 : i32
      %dma_wait3A_499 = tpu.memref_slice %arg9[%dma_wait3A_497, %dma_wait3A_498] : memref<8x128xi32, #tpu.memory_space<vmem>> -> memref<1x128xi32, #tpu.memory_space<vmem>>
      %dma_wait3A_500 = tpu.memref_squeeze %dma_wait3A_499 : memref<1x128xi32, #tpu.memory_space<vmem>> -> memref<128xi32, #tpu.memory_space<vmem>>
      %dma_wait3A_501 = arith.constant 0 : i32
      %dma_wait3A_502 = arith.constant 0 : i32
      %dma_wait3A_503 = tpu.memref_slice %arg12[%dma_wait3A_501, %dma_wait3A_502] : memref<10240x128xf32, #tpu.memory_space<vmem_shared>> -> memref<10240x128xf32, #tpu.memory_space<vmem_shared>>
      tpu.wait_indirect_dma semaphore(%arg15 : memref<!tpu.dma_semaphore, #tpu.memory_space<semaphore_mem>>) src(%arg10 : memref<128x128xf32, #tpu.memory_space<vmem>>) dst(%dma_wait3A_503 : memref<10240x128xf32, #tpu.memory_space<vmem_shared>>)
      %dma_start3A_504 = arith.constant 6 : i32
      %dma_start3A_505 = arith.constant 0 : i32
      %dma_start3A_506 = tpu.memref_slice %arg8[%dma_start3A_504, %dma_start3A_505] : memref<8x128xi32, #tpu.memory_space<vmem>> -> memref<1x128xi32, #tpu.memory_space<vmem>>
      %dma_start3A_507 = tpu.memref_squeeze %dma_start3A_506 : memref<1x128xi32, #tpu.memory_space<vmem>> -> memref<128xi32, #tpu.memory_space<vmem>>
      %dma_start3A_508 = arith.constant 0 : i32
      %dma_start3A_509 = arith.constant 0 : i32
      %dma_start3A_510 = tpu.memref_slice %arg2[%dma_start3A_508, %dma_start3A_509] : memref<10000x128xf32, #tpu.memory_space<hbm>> -> memref<10000x128xf32, #tpu.memory_space<hbm>>
      tpu.enqueue_indirect_dma source(%dma_start3A_510 : memref<10000x128xf32, #tpu.memory_space<hbm>>) target(%arg10 : memref<128x128xf32, #tpu.memory_space<vmem>>) offsets(%dma_start3A_507 : memref<128xi32, #tpu.memory_space<vmem>>) semaphore(%arg13 : memref<!tpu.dma_semaphore, #tpu.memory_space<semaphore_mem>>)
      %dma_wait3A_511 = arith.constant 5 : i32
      %dma_wait3A_512 = arith.constant 0 : i32
      %dma_wait3A_513 = tpu.memref_slice %arg8[%dma_wait3A_511, %dma_wait3A_512] : memref<8x128xi32, #tpu.memory_space<vmem>> -> memref<1x128xi32, #tpu.memory_space<vmem>>
      %dma_wait3A_514 = tpu.memref_squeeze %dma_wait3A_513 : memref<1x128xi32, #tpu.memory_space<vmem>> -> memref<128xi32, #tpu.memory_space<vmem>>
      %dma_wait3A_515 = arith.constant 0 : i32
      %dma_wait3A_516 = arith.constant 0 : i32
      %dma_wait3A_517 = tpu.memref_slice %arg2[%dma_wait3A_515, %dma_wait3A_516] : memref<10000x128xf32, #tpu.memory_space<hbm>> -> memref<10000x128xf32, #tpu.memory_space<hbm>>
      tpu.wait_indirect_dma semaphore(%arg14 : memref<!tpu.dma_semaphore, #tpu.memory_space<semaphore_mem>>) src(%dma_wait3A_517 : memref<10000x128xf32, #tpu.memory_space<hbm>>) dst(%arg11 : memref<128x128xf32, #tpu.memory_space<vmem>>)
      %dma_start3A_518 = arith.constant 5 : i32
      %dma_start3A_519 = arith.constant 0 : i32
      %dma_start3A_520 = tpu.memref_slice %arg9[%dma_start3A_518, %dma_start3A_519] : memref<8x128xi32, #tpu.memory_space<vmem>> -> memref<1x128xi32, #tpu.memory_space<vmem>>
      %dma_start3A_521 = tpu.memref_squeeze %dma_start3A_520 : memref<1x128xi32, #tpu.memory_space<vmem>> -> memref<128xi32, #tpu.memory_space<vmem>>
      %dma_start3A_522 = arith.constant 0 : i32
      %dma_start3A_523 = arith.constant 0 : i32
      %dma_start3A_524 = tpu.memref_slice %arg12[%dma_start3A_522, %dma_start3A_523] : memref<10240x128xf32, #tpu.memory_space<vmem_shared>> -> memref<10240x128xf32, #tpu.memory_space<vmem_shared>>
      tpu.enqueue_indirect_dma source(%arg11 : memref<128x128xf32, #tpu.memory_space<vmem>>) target(%dma_start3A_524 : memref<10240x128xf32, #tpu.memory_space<vmem_shared>>) offsets(%dma_start3A_521 : memref<128xi32, #tpu.memory_space<vmem>>) semaphore(%arg16 : memref<!tpu.dma_semaphore, #tpu.memory_space<semaphore_mem>>) {add = true}
      %dma_wait3A_525 = arith.constant 5 : i32
      %dma_wait3A_526 = arith.constant 0 : i32
      %dma_wait3A_527 = tpu.memref_slice %arg9[%dma_wait3A_525, %dma_wait3A_526] : memref<8x128xi32, #tpu.memory_space<vmem>> -> memref<1x128xi32, #tpu.memory_space<vmem>>
      %dma_wait3A_528 = tpu.memref_squeeze %dma_wait3A_527 : memref<1x128xi32, #tpu.memory_space<vmem>> -> memref<128xi32, #tpu.memory_space<vmem>>
      %dma_wait3A_529 = arith.constant 0 : i32
      %dma_wait3A_530 = arith.constant 0 : i32
      %dma_wait3A_531 = tpu.memref_slice %arg12[%dma_wait3A_529, %dma_wait3A_530] : memref<10240x128xf32, #tpu.memory_space<vmem_shared>> -> memref<10240x128xf32, #tpu.memory_space<vmem_shared>>
      tpu.wait_indirect_dma semaphore(%arg16 : memref<!tpu.dma_semaphore, #tpu.memory_space<semaphore_mem>>) src(%arg11 : memref<128x128xf32, #tpu.memory_space<vmem>>) dst(%dma_wait3A_531 : memref<10240x128xf32, #tpu.memory_space<vmem_shared>>)
      %dma_start3A_532 = arith.constant 7 : i32
      %dma_start3A_533 = arith.constant 0 : i32
      %dma_start3A_534 = tpu.memref_slice %arg8[%dma_start3A_532, %dma_start3A_533] : memref<8x128xi32, #tpu.memory_space<vmem>> -> memref<1x128xi32, #tpu.memory_space<vmem>>
      %dma_start3A_535 = tpu.memref_squeeze %dma_start3A_534 : memref<1x128xi32, #tpu.memory_space<vmem>> -> memref<128xi32, #tpu.memory_space<vmem>>
      %dma_start3A_536 = arith.constant 0 : i32
      %dma_start3A_537 = arith.constant 0 : i32
      %dma_start3A_538 = tpu.memref_slice %arg2[%dma_start3A_536, %dma_start3A_537] : memref<10000x128xf32, #tpu.memory_space<hbm>> -> memref<10000x128xf32, #tpu.memory_space<hbm>>
      tpu.enqueue_indirect_dma source(%dma_start3A_538 : memref<10000x128xf32, #tpu.memory_space<hbm>>) target(%arg11 : memref<128x128xf32, #tpu.memory_space<vmem>>) offsets(%dma_start3A_535 : memref<128xi32, #tpu.memory_space<vmem>>) semaphore(%arg14 : memref<!tpu.dma_semaphore, #tpu.memory_space<semaphore_mem>>)
      %dma_wait3A_539 = arith.constant 6 : i32
      %dma_wait3A_540 = arith.constant 0 : i32
      %dma_wait3A_541 = tpu.memref_slice %arg8[%dma_wait3A_539, %dma_wait3A_540] : memref<8x128xi32, #tpu.memory_space<vmem>> -> memref<1x128xi32, #tpu.memory_space<vmem>>
      %dma_wait3A_542 = tpu.memref_squeeze %dma_wait3A_541 : memref<1x128xi32, #tpu.memory_space<vmem>> -> memref<128xi32, #tpu.memory_space<vmem>>
      %dma_wait3A_543 = arith.constant 0 : i32
      %dma_wait3A_544 = arith.constant 0 : i32
      %dma_wait3A_545 = tpu.memref_slice %arg2[%dma_wait3A_543, %dma_wait3A_544] : memref<10000x128xf32, #tpu.memory_space<hbm>> -> memref<10000x128xf32, #tpu.memory_space<hbm>>
      tpu.wait_indirect_dma semaphore(%arg13 : memref<!tpu.dma_semaphore, #tpu.memory_space<semaphore_mem>>) src(%dma_wait3A_545 : memref<10000x128xf32, #tpu.memory_space<hbm>>) dst(%arg10 : memref<128x128xf32, #tpu.memory_space<vmem>>)
      %dma_start3A_546 = arith.constant 6 : i32
      %dma_start3A_547 = arith.constant 0 : i32
      %dma_start3A_548 = tpu.memref_slice %arg9[%dma_start3A_546, %dma_start3A_547] : memref<8x128xi32, #tpu.memory_space<vmem>> -> memref<1x128xi32, #tpu.memory_space<vmem>>
      %dma_start3A_549 = tpu.memref_squeeze %dma_start3A_548 : memref<1x128xi32, #tpu.memory_space<vmem>> -> memref<128xi32, #tpu.memory_space<vmem>>
      %dma_start3A_550 = arith.constant 0 : i32
      %dma_start3A_551 = arith.constant 0 : i32
      %dma_start3A_552 = tpu.memref_slice %arg12[%dma_start3A_550, %dma_start3A_551] : memref<10240x128xf32, #tpu.memory_space<vmem_shared>> -> memref<10240x128xf32, #tpu.memory_space<vmem_shared>>
      tpu.enqueue_indirect_dma source(%arg10 : memref<128x128xf32, #tpu.memory_space<vmem>>) target(%dma_start3A_552 : memref<10240x128xf32, #tpu.memory_space<vmem_shared>>) offsets(%dma_start3A_549 : memref<128xi32, #tpu.memory_space<vmem>>) semaphore(%arg15 : memref<!tpu.dma_semaphore, #tpu.memory_space<semaphore_mem>>) {add = true}
      %dma_wait3A_553 = arith.constant 6 : i32
      %dma_wait3A_554 = arith.constant 0 : i32
      %dma_wait3A_555 = tpu.memref_slice %arg9[%dma_wait3A_553, %dma_wait3A_554] : memref<8x128xi32, #tpu.memory_space<vmem>> -> memref<1x128xi32, #tpu.memory_space<vmem>>
      %dma_wait3A_556 = tpu.memref_squeeze %dma_wait3A_555 : memref<1x128xi32, #tpu.memory_space<vmem>> -> memref<128xi32, #tpu.memory_space<vmem>>
      %dma_wait3A_557 = arith.constant 0 : i32
      %dma_wait3A_558 = arith.constant 0 : i32
      %dma_wait3A_559 = tpu.memref_slice %arg12[%dma_wait3A_557, %dma_wait3A_558] : memref<10240x128xf32, #tpu.memory_space<vmem_shared>> -> memref<10240x128xf32, #tpu.memory_space<vmem_shared>>
      tpu.wait_indirect_dma semaphore(%arg15 : memref<!tpu.dma_semaphore, #tpu.memory_space<semaphore_mem>>) src(%arg10 : memref<128x128xf32, #tpu.memory_space<vmem>>) dst(%dma_wait3A_559 : memref<10240x128xf32, #tpu.memory_space<vmem_shared>>)
      %lt3A_560 = arith.constant 4 : i32
      %lt3A_561 = arith.cmpi slt, %scan3A_116, %lt3A_560 : i32
      %convert_element_type3A_562 = arith.extui %lt3A_561 : i1 to i32
      %cond3A_563 = arith.constant 0 : i32
      %cond3A_564 = arith.cmpi ne, %convert_element_type3A_562, %cond3A_563 : i32
      scf.if %cond3A_564 {
        %dma_wait3A_584 = arith.constant 0 : i32
        %dma_wait3A_585 = arith.constant 0 : i32
        %dma_wait3A_586 = tpu.memref_slice %arg3[%dma_wait3A_584, %dma_wait3A_585] : memref<2560x128xi32, #tpu.memory_space<hbm>> -> memref<8x128xi32, #tpu.memory_space<hbm>>
        %dma_wait3A_587 = arith.constant 0 : i32
        %dma_wait3A_588 = arith.constant 0 : i32
        %dma_wait3A_589 = tpu.memref_slice %arg3[%dma_wait3A_587, %dma_wait3A_588] : memref<2560x128xi32, #tpu.memory_space<hbm>> -> memref<8x128xi32, #tpu.memory_space<hbm>>
        tpu.wait_dma2 semaphore(%arg17 : memref<!tpu.dma_semaphore, #tpu.memory_space<semaphore_mem>>) src(%dma_wait3A_589 : memref<8x128xi32, #tpu.memory_space<hbm>>) dst(%arg6 : memref<8x128xi32, #tpu.memory_space<vmem>>)
        %dma_wait3A_590 = arith.constant 0 : i32
        %dma_wait3A_591 = arith.constant 0 : i32
        %dma_wait3A_592 = tpu.memref_slice %arg4[%dma_wait3A_590, %dma_wait3A_591] : memref<2560x128xi32, #tpu.memory_space<hbm>> -> memref<8x128xi32, #tpu.memory_space<hbm>>
        %dma_wait3A_593 = arith.constant 0 : i32
        %dma_wait3A_594 = arith.constant 0 : i32
        %dma_wait3A_595 = tpu.memref_slice %arg4[%dma_wait3A_593, %dma_wait3A_594] : memref<2560x128xi32, #tpu.memory_space<hbm>> -> memref<8x128xi32, #tpu.memory_space<hbm>>
        tpu.wait_dma2 semaphore(%arg17 : memref<!tpu.dma_semaphore, #tpu.memory_space<semaphore_mem>>) src(%dma_wait3A_595 : memref<8x128xi32, #tpu.memory_space<hbm>>) dst(%arg7 : memref<8x128xi32, #tpu.memory_space<vmem>>)
        %dma_start3A_596 = arith.constant 0 : i32
        %dma_start3A_597 = arith.constant 0 : i32
        %dma_start3A_598 = tpu.memref_slice %arg6[%dma_start3A_596, %dma_start3A_597] : memref<8x128xi32, #tpu.memory_space<vmem>> -> memref<1x128xi32, #tpu.memory_space<vmem>>
        %dma_start3A_599 = tpu.memref_squeeze %dma_start3A_598 : memref<1x128xi32, #tpu.memory_space<vmem>> -> memref<128xi32, #tpu.memory_space<vmem>>
        %dma_start3A_600 = arith.constant 0 : i32
        %dma_start3A_601 = arith.constant 0 : i32
        %dma_start3A_602 = tpu.memref_slice %arg2[%dma_start3A_600, %dma_start3A_601] : memref<10000x128xf32, #tpu.memory_space<hbm>> -> memref<10000x128xf32, #tpu.memory_space<hbm>>
        tpu.enqueue_indirect_dma source(%dma_start3A_602 : memref<10000x128xf32, #tpu.memory_space<hbm>>) target(%arg10 : memref<128x128xf32, #tpu.memory_space<vmem>>) offsets(%dma_start3A_599 : memref<128xi32, #tpu.memory_space<vmem>>) semaphore(%arg13 : memref<!tpu.dma_semaphore, #tpu.memory_space<semaphore_mem>>)
      } else {
      }
      %dma_wait3A_565 = arith.constant 7 : i32
      %dma_wait3A_566 = arith.constant 0 : i32
      %dma_wait3A_567 = tpu.memref_slice %arg8[%dma_wait3A_565, %dma_wait3A_566] : memref<8x128xi32, #tpu.memory_space<vmem>> -> memref<1x128xi32, #tpu.memory_space<vmem>>
      %dma_wait3A_568 = tpu.memref_squeeze %dma_wait3A_567 : memref<1x128xi32, #tpu.memory_space<vmem>> -> memref<128xi32, #tpu.memory_space<vmem>>
      %dma_wait3A_569 = arith.constant 0 : i32
      %dma_wait3A_570 = arith.constant 0 : i32
      %dma_wait3A_571 = tpu.memref_slice %arg2[%dma_wait3A_569, %dma_wait3A_570] : memref<10000x128xf32, #tpu.memory_space<hbm>> -> memref<10000x128xf32, #tpu.memory_space<hbm>>
      tpu.wait_indirect_dma semaphore(%arg14 : memref<!tpu.dma_semaphore, #tpu.memory_space<semaphore_mem>>) src(%dma_wait3A_571 : memref<10000x128xf32, #tpu.memory_space<hbm>>) dst(%arg11 : memref<128x128xf32, #tpu.memory_space<vmem>>)
      %dma_start3A_572 = arith.constant 7 : i32
      %dma_start3A_573 = arith.constant 0 : i32
      %dma_start3A_574 = tpu.memref_slice %arg9[%dma_start3A_572, %dma_start3A_573] : memref<8x128xi32, #tpu.memory_space<vmem>> -> memref<1x128xi32, #tpu.memory_space<vmem>>
      %dma_start3A_575 = tpu.memref_squeeze %dma_start3A_574 : memref<1x128xi32, #tpu.memory_space<vmem>> -> memref<128xi32, #tpu.memory_space<vmem>>
      %dma_start3A_576 = arith.constant 0 : i32
      %dma_start3A_577 = arith.constant 0 : i32
      %dma_start3A_578 = tpu.memref_slice %arg12[%dma_start3A_576, %dma_start3A_577] : memref<10240x128xf32, #tpu.memory_space<vmem_shared>> -> memref<10240x128xf32, #tpu.memory_space<vmem_shared>>
      tpu.enqueue_indirect_dma source(%arg11 : memref<128x128xf32, #tpu.memory_space<vmem>>) target(%dma_start3A_578 : memref<10240x128xf32, #tpu.memory_space<vmem_shared>>) offsets(%dma_start3A_575 : memref<128xi32, #tpu.memory_space<vmem>>) semaphore(%arg16 : memref<!tpu.dma_semaphore, #tpu.memory_space<semaphore_mem>>) {add = true}
      %lt3A_579 = arith.constant 4 : i32
      %lt3A_580 = arith.cmpi slt, %scan3A_116, %lt3A_579 : i32
      %convert_element_type3A_581 = arith.extui %lt3A_580 : i1 to i32
      %cond3A_582 = arith.constant 0 : i32
      %cond3A_583 = arith.cmpi ne, %convert_element_type3A_581, %cond3A_582 : i32
      scf.if %cond3A_583 {
        %mul3A_584 = arith.constant 80 : i32
        %mul3A_585 = arith.muli %add3A, %mul3A_584 : i32
        %add3A_586 = arith.constant 2 : i32
        %add3A_587 = arith.addi %add3A_358, %add3A_586 : i32
        %mul3A_588 = arith.constant 8 : i32
        %mul3A_589 = arith.muli %add3A_587, %mul3A_588 : i32
        %add3A_590 = arith.addi %mul3A_585, %mul3A_589 : i32
        %dma_start3A_591 = arith.constant 0 : i32
        %dma_start3A_592 = tpu.memref_slice %arg3[%add3A_590, %dma_start3A_591] : memref<2560x128xi32, #tpu.memory_space<hbm>> -> memref<8x128xi32, #tpu.memory_space<hbm>>
        %dma_start3A_593 = arith.constant 0 : i32
        %dma_start3A_594 = tpu.memref_slice %arg3[%add3A_590, %dma_start3A_593] : memref<2560x128xi32, #tpu.memory_space<hbm>> -> memref<8x128xi32, #tpu.memory_space<hbm>>
        tpu.enqueue_dma source(%dma_start3A_594 : memref<8x128xi32, #tpu.memory_space<hbm>>) target(%arg8 : memref<8x128xi32, #tpu.memory_space<vmem>>) target_semaphore(%arg18 : memref<!tpu.dma_semaphore, #tpu.memory_space<semaphore_mem>>)
        %dma_start3A_595 = arith.constant 0 : i32
        %dma_start3A_596 = tpu.memref_slice %arg4[%add3A_590, %dma_start3A_595] : memref<2560x128xi32, #tpu.memory_space<hbm>> -> memref<8x128xi32, #tpu.memory_space<hbm>>
        %dma_start3A_597 = arith.constant 0 : i32
        %dma_start3A_598 = tpu.memref_slice %arg4[%add3A_590, %dma_start3A_597] : memref<2560x128xi32, #tpu.memory_space<hbm>> -> memref<8x128xi32, #tpu.memory_space<hbm>>
        tpu.enqueue_dma source(%dma_start3A_598 : memref<8x128xi32, #tpu.memory_space<hbm>>) target(%arg9 : memref<8x128xi32, #tpu.memory_space<vmem>>) target_semaphore(%arg18 : memref<!tpu.dma_semaphore, #tpu.memory_space<semaphore_mem>>)
      } else {
      }
    }
    %scan3A_104 = arith.constant 5 : i32
    %dma_wait3A_105 = arith.constant 0 : i32
    %dma_wait3A_106 = arith.constant 0 : i32
    %dma_wait3A_107 = tpu.memref_slice %arg2[%dma_wait3A_105, %dma_wait3A_106] : memref<10000x128xf32, #tpu.memory_space<hbm>> -> memref<128x128xf32, #tpu.memory_space<hbm>>
    %dma_wait3A_108 = arith.constant 0 : i32
    %dma_wait3A_109 = arith.constant 0 : i32
    %dma_wait3A_110 = tpu.memref_slice %arg2[%dma_wait3A_108, %dma_wait3A_109] : memref<10000x128xf32, #tpu.memory_space<hbm>> -> memref<128x128xf32, #tpu.memory_space<hbm>>
    tpu.wait_dma2 semaphore(%arg16 : memref<!tpu.dma_semaphore, #tpu.memory_space<semaphore_mem>>) src(%dma_wait3A_110 : memref<128x128xf32, #tpu.memory_space<hbm>>) dst(%arg11 : memref<128x128xf32, #tpu.memory_space<vmem>>)
    %barrier3A_111 = arith.constant 0 : index
    tpu.barrier barrier_id(%barrier3A_111)
    %mul3A_112 = arith.constant 640 : i32
    %mul3A_113 = arith.muli %arg1, %mul3A_112 : i32
    %mul3A_114 = arith.constant 640 : i32
    %mul3A_115 = arith.muli %arg1, %mul3A_114 : i32
    "tpu.region"() ({
      %run_scoped3A = tpu.sem_alloc : memref<!tpu.dma_semaphore, #tpu.memory_space<semaphore_mem>>
      %dma_start3A_116 = arith.constant 0 : i32
      %dma_start3A_117 = tpu.memref_slice %arg5[%arg0, %mul3A_115, %dma_start3A_116] : memref<2x10240x128xf32, #tpu.memory_space<hbm>> -> memref<1x640x128xf32, #tpu.memory_space<hbm>>
      %dma_start3A_118 = tpu.memref_squeeze %dma_start3A_117 : memref<1x640x128xf32, #tpu.memory_space<hbm>> -> memref<640x128xf32, #tpu.memory_space<hbm>>
      %dma_start3A_119 = arith.constant 0 : i32
      %dma_start3A_120 = tpu.memref_slice %arg12[%mul3A_113, %dma_start3A_119] : memref<10240x128xf32, #tpu.memory_space<vmem_shared>> -> memref<640x128xf32, #tpu.memory_space<vmem_shared>>
      tpu.enqueue_dma source(%dma_start3A_120 : memref<640x128xf32, #tpu.memory_space<vmem_shared>>) target(%dma_start3A_118 : memref<640x128xf32, #tpu.memory_space<hbm>>) target_semaphore(%run_scoped3A : memref<!tpu.dma_semaphore, #tpu.memory_space<semaphore_mem>>)
      %dma_wait3A_121 = arith.constant 0 : i32
      %dma_wait3A_122 = tpu.memref_slice %arg5[%arg0, %mul3A_115, %dma_wait3A_121] : memref<2x10240x128xf32, #tpu.memory_space<hbm>> -> memref<1x640x128xf32, #tpu.memory_space<hbm>>
      %dma_wait3A_123 = tpu.memref_squeeze %dma_wait3A_122 : memref<1x640x128xf32, #tpu.memory_space<hbm>> -> memref<640x128xf32, #tpu.memory_space<hbm>>
      %dma_wait3A_124 = arith.constant 0 : i32
      %dma_wait3A_125 = tpu.memref_slice %arg12[%mul3A_113, %dma_wait3A_124] : memref<10240x128xf32, #tpu.memory_space<vmem_shared>> -> memref<640x128xf32, #tpu.memory_space<vmem_shared>>
      tpu.wait_dma2 semaphore(%run_scoped3A : memref<!tpu.dma_semaphore, #tpu.memory_space<semaphore_mem>>) src(%dma_wait3A_125 : memref<640x128xf32, #tpu.memory_space<vmem_shared>>) dst(%dma_wait3A_123 : memref<640x128xf32, #tpu.memory_space<hbm>>)
      tpu.yield
    }) : () -> ()
    return
  }
}

module attributes {stable_mosaic.version = 14 : i64} {
  func.func @_prep_body(%arg0: i32, %arg1: memref<1x256x128xi32, #tpu.memory_space<vmem>>, %arg2: memref<1x256x128xi32, #tpu.memory_space<vmem>>, %arg3: memref<256x128xi32, #tpu.memory_space<vmem>>, %arg4: memref<256x128xi32, #tpu.memory_space<vmem>>) attributes {dimension_semantics = [#tpu.dimension_semantics<arbitrary>], iteration_bounds = array<i64: 10>, scalar_prefetch = 0 : i64, scratch_operands = 0 : i64, tpu.core_type = #tpu.core_type<tc>, window_params = [{transform_indices = @transform_0, window_bounds = array<i64: 1, 256, 128>}, {transform_indices = @transform_1, window_bounds = array<i64: 1, 256, 128>}, {transform_indices = @transform_2, window_bounds = array<i64: 256, 128>}, {transform_indices = @transform_3, window_bounds = array<i64: 256, 128>}]} {
    %iota3A = tpu.iota {dimensions = array<i32: 0>} : vector<256x128xi32>
    %iota3A_0 = tpu.iota {dimensions = array<i32: 1>} : vector<256x128xi32>
    %mul3A = arith.constant 256 : i32
    %mul3A_1 = arith.muli %arg0, %mul3A : i32
    %add3A = vector.broadcast %mul3A_1 : i32 to vector<256x128xi32>
    %add3A_2 = arith.addi %add3A, %iota3A : vector<256x128xi32>
    %mul3A_3 = arith.constant 128 : i32
    %mul3A_4 = vector.broadcast %mul3A_3 : i32 to vector<256x128xi32>
    %mul3A_5 = arith.muli %add3A_2, %mul3A_4 : vector<256x128xi32>
    %add3A_6 = arith.addi %mul3A_5, %iota3A_0 : vector<256x128xi32>
    %sub3A = arith.constant 320000 : i32
    %sub3A_7 = vector.broadcast %sub3A : i32 to vector<256x128xi32>
    %sub3A_8 = arith.subi %add3A_6, %sub3A_7 : vector<256x128xi32>
    %lt3A = arith.constant 320000 : i32
    %lt3A_9 = vector.broadcast %lt3A : i32 to vector<256x128xi32>
    %lt3A_10 = arith.cmpi slt, %add3A_6, %lt3A_9 : vector<256x128xi32>
    %get3A = arith.constant 0 : index
    %get3A_11 = arith.constant 0 : index
    %get3A_12 = arith.constant 0 : index
    %get3A_13 = vector.load %arg1[%get3A, %get3A_11, %get3A_12] : memref<1x256x128xi32, #tpu.memory_space<vmem>>, vector<1x256x128xi32>
    %get3A_14 = vector.shape_cast %get3A_13 : vector<1x256x128xi32> to vector<256x128xi32>
    %jit3A = arith.constant 10000 : i32
    %eq3A = arith.constant 0 : i32
    %eq3A_15 = arith.cmpi eq, %jit3A, %eq3A : i32
    %jit3A_16 = arith.constant 1 : i32
    %select_n3A = arith.select %eq3A_15, %jit3A_16, %jit3A : i32
    %rem3A = vector.broadcast %select_n3A : i32 to vector<256x128xi32>
    %rem3A_17 = arith.remsi %sub3A_8, %rem3A : vector<256x128xi32>
    %ne3A = arith.constant 0 : i32
    %ne3A_18 = vector.broadcast %ne3A : i32 to vector<256x128xi32>
    %ne3A_19 = arith.cmpi ne, %rem3A_17, %ne3A_18 : vector<256x128xi32>
    %lt3A_20 = arith.constant 0 : i32
    %lt3A_21 = vector.broadcast %lt3A_20 : i32 to vector<256x128xi32>
    %lt3A_22 = arith.cmpi slt, %rem3A_17, %lt3A_21 : vector<256x128xi32>
    %lt3A_23 = arith.constant 0 : i32
    %lt3A_24 = arith.cmpi slt, %select_n3A, %lt3A_23 : i32
    %ne3A_25 = vector.broadcast %lt3A_24 : i1 to vector<256x128xi1>
    %ne3A_26 = vector.broadcast %ne3A_25 : vector<256x128xi1> to vector<256x128xi1>
    %ne3A_27 = arith.xori %lt3A_22, %ne3A_26 : vector<256x128xi1>
    %and3A = arith.andi %ne3A_27, %ne3A_19 : vector<256x128xi1>
    %add3A_28 = vector.broadcast %select_n3A : i32 to vector<256x128xi32>
    %add3A_29 = arith.addi %rem3A_17, %add3A_28 : vector<256x128xi32>
    %select_n3A_30 = arith.select %and3A, %add3A_29, %rem3A_17 : vector<256x128xi1>, vector<256x128xi32>
    %select_n3A_31 = arith.select %lt3A_10, %get3A_14, %select_n3A_30 : vector<256x128xi1>, vector<256x128xi32>
    %swap3A = arith.constant 0 : index
    %swap3A_32 = arith.constant 0 : index
    %swap3A_33 = vector.load %arg3[%swap3A, %swap3A_32] : memref<256x128xi32, #tpu.memory_space<vmem>>, vector<256x128xi32>
    tpu.vector_store %arg3[%swap3A, %swap3A_32], %select_n3A_31 {strides = array<i32>} : memref<256x128xi32, #tpu.memory_space<vmem>>, vector<256x128xi32>,
    %lt3A_34 = arith.constant 320000 : i32
    %lt3A_35 = vector.broadcast %lt3A_34 : i32 to vector<256x128xi32>
    %lt3A_36 = arith.cmpi slt, %add3A_6, %lt3A_35 : vector<256x128xi32>
    %get3A_37 = arith.constant 0 : index
    %get3A_38 = arith.constant 0 : index
    %get3A_39 = arith.constant 0 : index
    %get3A_40 = vector.load %arg2[%get3A_37, %get3A_38, %get3A_39] : memref<1x256x128xi32, #tpu.memory_space<vmem>>, vector<1x256x128xi32>
    %get3A_41 = vector.shape_cast %get3A_40 : vector<1x256x128xi32> to vector<256x128xi32>
    %jit3A_42 = arith.constant 240 : i32
    %eq3A_43 = arith.constant 0 : i32
    %eq3A_44 = arith.cmpi eq, %jit3A_42, %eq3A_43 : i32
    %jit3A_45 = arith.constant 1 : i32
    %select_n3A_46 = arith.select %eq3A_44, %jit3A_45, %jit3A_42 : i32
    %rem3A_47 = vector.broadcast %select_n3A_46 : i32 to vector<256x128xi32>
    %rem3A_48 = arith.remsi %sub3A_8, %rem3A_47 : vector<256x128xi32>
    %ne3A_49 = arith.constant 0 : i32
    %ne3A_50 = vector.broadcast %ne3A_49 : i32 to vector<256x128xi32>
    %ne3A_51 = arith.cmpi ne, %rem3A_48, %ne3A_50 : vector<256x128xi32>
    %lt3A_52 = arith.constant 0 : i32
    %lt3A_53 = vector.broadcast %lt3A_52 : i32 to vector<256x128xi32>
    %lt3A_54 = arith.cmpi slt, %rem3A_48, %lt3A_53 : vector<256x128xi32>
    %lt3A_55 = arith.constant 0 : i32
    %lt3A_56 = arith.cmpi slt, %select_n3A_46, %lt3A_55 : i32
    %ne3A_57 = vector.broadcast %lt3A_56 : i1 to vector<256x128xi1>
    %ne3A_58 = vector.broadcast %ne3A_57 : vector<256x128xi1> to vector<256x128xi1>
    %ne3A_59 = arith.xori %lt3A_54, %ne3A_58 : vector<256x128xi1>
    %and3A_60 = arith.andi %ne3A_59, %ne3A_51 : vector<256x128xi1>
    %add3A_61 = vector.broadcast %select_n3A_46 : i32 to vector<256x128xi32>
    %add3A_62 = arith.addi %rem3A_48, %add3A_61 : vector<256x128xi32>
    %select_n3A_63 = arith.select %and3A_60, %add3A_62, %rem3A_48 : vector<256x128xi1>, vector<256x128xi32>
    %add3A_64 = arith.constant 10000 : i32
    %add3A_65 = vector.broadcast %add3A_64 : i32 to vector<256x128xi32>
    %add3A_66 = arith.addi %add3A_65, %select_n3A_63 : vector<256x128xi32>
    %select_n3A_67 = arith.select %lt3A_36, %get3A_41, %add3A_66 : vector<256x128xi1>, vector<256x128xi32>
    %swap3A_68 = arith.constant 0 : index
    %swap3A_69 = arith.constant 0 : index
    %swap3A_70 = vector.load %arg4[%swap3A_68, %swap3A_69] : memref<256x128xi32, #tpu.memory_space<vmem>>, vector<256x128xi32>
    tpu.vector_store %arg4[%swap3A_68, %swap3A_69], %select_n3A_67 {strides = array<i32>} : memref<256x128xi32, #tpu.memory_space<vmem>>, vector<256x128xi32>,
    return
  }
  func.func @transform_0(%arg0: i32) -> (i32, i32, i32) {
    %c0_i32 = arith.constant 0 : i32
    %c0_i32_0 = arith.constant 0 : i32
    %c0_i32_1 = arith.constant 0 : i32
    return %c0_i32, %arg0, %c0_i32_0 : i32, i32, i32
  }
  func.func @transform_1(%arg0: i32) -> (i32, i32, i32) {
    %c1_i32 = arith.constant 1 : i32
    %c0_i32 = arith.constant 0 : i32
    %c0_i32_0 = arith.constant 0 : i32
    return %c1_i32, %arg0, %c0_i32 : i32, i32, i32
  }
  func.func @transform_2(%arg0: i32) -> (i32, i32) {
    %c0_i32 = arith.constant 0 : i32
    %c0_i32_0 = arith.constant 0 : i32
    return %arg0, %c0_i32 : i32, i32
  }
  func.func @transform_3(%arg0: i32) -> (i32, i32) {
    %c0_i32 = arith.constant 0 : i32
    %c0_i32_0 = arith.constant 0 : i32
    return %arg0, %c0_i32 : i32, i32
  }
}

module attributes {stable_mosaic.version = 14 : i64} {
  func.func @_mm_body(%arg0: i32, %arg1: memref<1000x128xf32, #tpu.memory_space<vmem>>, %arg2: memref<128x128xf32, #tpu.memory_space<vmem>>, %arg3: memref<1000x128xf32, #tpu.memory_space<vmem>>) attributes {dimension_semantics = [#tpu.dimension_semantics<arbitrary>], iteration_bounds = array<i64: 10>, scalar_prefetch = 0 : i64, scratch_operands = 0 : i64, tpu.core_type = #tpu.core_type<tc>, window_params = [{transform_indices = @transform_0, window_bounds = array<i64: 1000, 128>}, {pipeline_mode = #tpu.pipeline_mode<synchronous>, transform_indices = @transform_1, window_bounds = array<i64: 128, 128>}, {transform_indices = @transform_2, window_bounds = array<i64: 1000, 128>}]} {
    %get3A = arith.constant 0 : index
    %get3A_0 = arith.constant 0 : index
    %get3A_1 = vector.load %arg1[%get3A, %get3A_0] : memref<1000x128xf32, #tpu.memory_space<vmem>>, vector<1000x128xf32>
    %get3A_2 = arith.constant 0 : index
    %get3A_3 = arith.constant 0 : index
    %get3A_4 = vector.load %arg2[%get3A_2, %get3A_3] : memref<128x128xf32, #tpu.memory_space<vmem>>, vector<128x128xf32>
    %dot_general3A = arith.constant dense<0.000000e+00> : vector<1000x128xf32>
    %dot_general3A_5 = tpu.matmul %get3A_1, %get3A_4, %dot_general3A {dimension_numbers = #tpu.dot_dimension_numbers<[1], [0], [0], [1], [0, 0, 1, 1], [], []>, transpose_lhs_hint = false} : vector<1000x128xf32>, vector<128x128xf32>, vector<1000x128xf32> -> vector<1000x128xf32>
    %swap3A = arith.constant 0 : index
    %swap3A_6 = arith.constant 0 : index
    %swap3A_7 = vector.load %arg3[%swap3A, %swap3A_6] : memref<1000x128xf32, #tpu.memory_space<vmem>>, vector<1000x128xf32>
    tpu.vector_store %arg3[%swap3A, %swap3A_6], %dot_general3A_5 {strides = array<i32>} : memref<1000x128xf32, #tpu.memory_space<vmem>>, vector<1000x128xf32>,
    return
  }
  func.func @transform_0(%arg0: i32) -> (i32, i32) {
    %c0_i32 = arith.constant 0 : i32
    %c0_i32_0 = arith.constant 0 : i32
    return %arg0, %c0_i32 : i32, i32
  }
  func.func @transform_1(%arg0: i32) -> (i32, i32) {
    %c0_i32 = arith.constant 0 : i32
    %c0_i32_0 = arith.constant 0 : i32
    %c0_i32_1 = arith.constant 0 : i32
    return %c0_i32, %c0_i32_0 : i32, i32
  }
  func.func @transform_2(%arg0: i32) -> (i32, i32) {
    %c0_i32 = arith.constant 0 : i32
    %c0_i32_0 = arith.constant 0 : i32
    return %arg0, %c0_i32 : i32, i32
  }
}

module attributes {stable_mosaic.version = 14 : i64} {
  func.func @_combine_mm_body(%arg0: i32, %arg1: memref<1x1000x128xf32, #tpu.memory_space<vmem>>, %arg2: memref<1x1000x128xf32, #tpu.memory_space<vmem>>, %arg3: memref<1000x128xf32, #tpu.memory_space<vmem>>, %arg4: memref<1x128xf32, #tpu.memory_space<vmem>>, %arg5: memref<128x128xf32, #tpu.memory_space<vmem>>, %arg6: memref<1000x128xf32, #tpu.memory_space<vmem>>) attributes {dimension_semantics = [#tpu.dimension_semantics<arbitrary>], iteration_bounds = array<i64: 10>, scalar_prefetch = 0 : i64, scratch_operands = 0 : i64, tpu.core_type = #tpu.core_type<tc>, window_params = [{transform_indices = @transform_0, window_bounds = array<i64: 1, 1000, 128>}, {transform_indices = @transform_1, window_bounds = array<i64: 1, 1000, 128>}, {transform_indices = @transform_2, window_bounds = array<i64: 1000, 128>}, {pipeline_mode = #tpu.pipeline_mode<synchronous>, transform_indices = @transform_3, window_bounds = array<i64: 1, 128>}, {pipeline_mode = #tpu.pipeline_mode<synchronous>, transform_indices = @transform_4, window_bounds = array<i64: 128, 128>}, {transform_indices = @transform_5, window_bounds = array<i64: 1000, 128>}]} {
    %get3A = arith.constant 0 : index
    %get3A_0 = arith.constant 0 : index
    %get3A_1 = arith.constant 0 : index
    %get3A_2 = vector.load %arg1[%get3A, %get3A_0, %get3A_1] : memref<1x1000x128xf32, #tpu.memory_space<vmem>>, vector<1x1000x128xf32>
    %get3A_3 = vector.shape_cast %get3A_2 : vector<1x1000x128xf32> to vector<1000x128xf32>
    %get3A_4 = arith.constant 0 : index
    %get3A_5 = arith.constant 0 : index
    %get3A_6 = arith.constant 0 : index
    %get3A_7 = vector.load %arg2[%get3A_4, %get3A_5, %get3A_6] : memref<1x1000x128xf32, #tpu.memory_space<vmem>>, vector<1x1000x128xf32>
    %get3A_8 = vector.shape_cast %get3A_7 : vector<1x1000x128xf32> to vector<1000x128xf32>
    %add3A = arith.addf %get3A_3, %get3A_8 : vector<1000x128xf32>
    %get3A_9 = arith.constant 0 : index
    %get3A_10 = arith.constant 0 : index
    %get3A_11 = vector.load %arg3[%get3A_9, %get3A_10] : memref<1000x128xf32, #tpu.memory_space<vmem>>, vector<1000x128xf32>
    %add3A_12 = arith.addf %add3A, %get3A_11 : vector<1000x128xf32>
    %get3A_13 = arith.constant 0 : index
    %get3A_14 = arith.constant 0 : index
    %get3A_15 = vector.load %arg4[%get3A_13, %get3A_14] : memref<1x128xf32, #tpu.memory_space<vmem>>, vector<1x128xf32>
    %add3A_16 = vector.broadcast %get3A_15 : vector<1x128xf32> to vector<1000x128xf32>
    %add3A_17 = arith.addf %add3A_12, %add3A_16 : vector<1000x128xf32>
    %max3A = arith.constant 0.000000e+00 : f32
    %max3A_18 = vector.broadcast %max3A : f32 to vector<1000x128xf32>
    %max3A_19 = arith.maximumf %add3A_17, %max3A_18 : vector<1000x128xf32>
    %get3A_20 = arith.constant 0 : index
    %get3A_21 = arith.constant 0 : index
    %get3A_22 = vector.load %arg5[%get3A_20, %get3A_21] : memref<128x128xf32, #tpu.memory_space<vmem>>, vector<128x128xf32>
    %dot_general3A = arith.constant dense<0.000000e+00> : vector<1000x128xf32>
    %dot_general3A_23 = tpu.matmul %max3A_19, %get3A_22, %dot_general3A {dimension_numbers = #tpu.dot_dimension_numbers<[1], [0], [0], [1], [0, 0, 1, 1], [], []>, transpose_lhs_hint = false} : vector<1000x128xf32>, vector<128x128xf32>, vector<1000x128xf32> -> vector<1000x128xf32>
    %swap3A = arith.constant 0 : index
    %swap3A_24 = arith.constant 0 : index
    %swap3A_25 = vector.load %arg6[%swap3A, %swap3A_24] : memref<1000x128xf32, #tpu.memory_space<vmem>>, vector<1000x128xf32>
    tpu.vector_store %arg6[%swap3A, %swap3A_24], %dot_general3A_23 {strides = array<i32>} : memref<1000x128xf32, #tpu.memory_space<vmem>>, vector<1000x128xf32>,
    return
  }
  func.func @transform_0(%arg0: i32) -> (i32, i32, i32) {
    %c0_i32 = arith.constant 0 : i32
    %c0_i32_0 = arith.constant 0 : i32
    %c0_i32_1 = arith.constant 0 : i32
    return %c0_i32, %arg0, %c0_i32_0 : i32, i32, i32
  }
  func.func @transform_1(%arg0: i32) -> (i32, i32, i32) {
    %c1_i32 = arith.constant 1 : i32
    %c0_i32 = arith.constant 0 : i32
    %c0_i32_0 = arith.constant 0 : i32
    return %c1_i32, %arg0, %c0_i32 : i32, i32, i32
  }
  func.func @transform_2(%arg0: i32) -> (i32, i32) {
    %c0_i32 = arith.constant 0 : i32
    %c0_i32_0 = arith.constant 0 : i32
    return %arg0, %c0_i32 : i32, i32
  }
  func.func @transform_3(%arg0: i32) -> (i32, i32) {
    %c0_i32 = arith.constant 0 : i32
    %c0_i32_0 = arith.constant 0 : i32
    %c0_i32_1 = arith.constant 0 : i32
    return %c0_i32, %c0_i32_0 : i32, i32
  }
  func.func @transform_4(%arg0: i32) -> (i32, i32) {
    %c0_i32 = arith.constant 0 : i32
    %c0_i32_0 = arith.constant 0 : i32
    %c0_i32_1 = arith.constant 0 : i32
    return %c0_i32, %c0_i32_0 : i32, i32
  }
  func.func @transform_5(%arg0: i32) -> (i32, i32) {
    %c0_i32 = arith.constant 0 : i32
    %c0_i32_0 = arith.constant 0 : i32
    return %arg0, %c0_i32 : i32, i32
  }
}

module attributes {stable_mosaic.version = 14 : i64} {
  func.func @_head_body(%arg0: i32, %arg1: memref<1x1000x128xf32, #tpu.memory_space<vmem>>, %arg2: memref<1x1000x128xf32, #tpu.memory_space<vmem>>, %arg3: memref<1000x128xf32, #tpu.memory_space<vmem>>, %arg4: memref<1x128xf32, #tpu.memory_space<vmem>>, %arg5: memref<128x128xf32, #tpu.memory_space<vmem>>, %arg6: memref<1x128xf32, #tpu.memory_space<vmem>>, %arg7: memref<128x128xf32, #tpu.memory_space<vmem>>, %arg8: memref<1x128xf32, #tpu.memory_space<vmem>>, %arg9: memref<1000x128xf32, #tpu.memory_space<vmem>>) attributes {dimension_semantics = [#tpu.dimension_semantics<arbitrary>], iteration_bounds = array<i64: 10>, scalar_prefetch = 0 : i64, scratch_operands = 0 : i64, tpu.core_type = #tpu.core_type<tc>, window_params = [{transform_indices = @transform_0, window_bounds = array<i64: 1, 1000, 128>}, {transform_indices = @transform_1, window_bounds = array<i64: 1, 1000, 128>}, {transform_indices = @transform_2, window_bounds = array<i64: 1000, 128>}, {pipeline_mode = #tpu.pipeline_mode<synchronous>, transform_indices = @transform_3, window_bounds = array<i64: 1, 128>}, {pipeline_mode = #tpu.pipeline_mode<synchronous>, transform_indices = @transform_4, window_bounds = array<i64: 128, 128>}, {pipeline_mode = #tpu.pipeline_mode<synchronous>, transform_indices = @transform_5, window_bounds = array<i64: 1, 128>}, {pipeline_mode = #tpu.pipeline_mode<synchronous>, transform_indices = @transform_6, window_bounds = array<i64: 128, 128>}, {pipeline_mode = #tpu.pipeline_mode<synchronous>, transform_indices = @transform_7, window_bounds = array<i64: 1, 128>}, {transform_indices = @transform_8, window_bounds = array<i64: 1000, 128>}]} {
    %get3A = arith.constant 0 : index
    %get3A_0 = arith.constant 0 : index
    %get3A_1 = arith.constant 0 : index
    %get3A_2 = vector.load %arg1[%get3A, %get3A_0, %get3A_1] : memref<1x1000x128xf32, #tpu.memory_space<vmem>>, vector<1x1000x128xf32>
    %get3A_3 = vector.shape_cast %get3A_2 : vector<1x1000x128xf32> to vector<1000x128xf32>
    %get3A_4 = arith.constant 0 : index
    %get3A_5 = arith.constant 0 : index
    %get3A_6 = arith.constant 0 : index
    %get3A_7 = vector.load %arg2[%get3A_4, %get3A_5, %get3A_6] : memref<1x1000x128xf32, #tpu.memory_space<vmem>>, vector<1x1000x128xf32>
    %get3A_8 = vector.shape_cast %get3A_7 : vector<1x1000x128xf32> to vector<1000x128xf32>
    %add3A = arith.addf %get3A_3, %get3A_8 : vector<1000x128xf32>
    %get3A_9 = arith.constant 0 : index
    %get3A_10 = arith.constant 0 : index
    %get3A_11 = vector.load %arg3[%get3A_9, %get3A_10] : memref<1000x128xf32, #tpu.memory_space<vmem>>, vector<1000x128xf32>
    %add3A_12 = arith.addf %add3A, %get3A_11 : vector<1000x128xf32>
    %get3A_13 = arith.constant 0 : index
    %get3A_14 = arith.constant 0 : index
    %get3A_15 = vector.load %arg4[%get3A_13, %get3A_14] : memref<1x128xf32, #tpu.memory_space<vmem>>, vector<1x128xf32>
    %add3A_16 = vector.broadcast %get3A_15 : vector<1x128xf32> to vector<1000x128xf32>
    %add3A_17 = arith.addf %add3A_12, %add3A_16 : vector<1000x128xf32>
    %max3A = arith.constant 0.000000e+00 : f32
    %max3A_18 = vector.broadcast %max3A : f32 to vector<1000x128xf32>
    %max3A_19 = arith.maximumf %add3A_17, %max3A_18 : vector<1000x128xf32>
    %get3A_20 = arith.constant 0 : index
    %get3A_21 = arith.constant 0 : index
    %get3A_22 = vector.load %arg5[%get3A_20, %get3A_21] : memref<128x128xf32, #tpu.memory_space<vmem>>, vector<128x128xf32>
    %dot_general3A = arith.constant dense<0.000000e+00> : vector<1000x128xf32>
    %dot_general3A_23 = tpu.matmul %max3A_19, %get3A_22, %dot_general3A {dimension_numbers = #tpu.dot_dimension_numbers<[1], [0], [0], [1], [0, 0, 1, 1], [], []>, transpose_lhs_hint = false} : vector<1000x128xf32>, vector<128x128xf32>, vector<1000x128xf32> -> vector<1000x128xf32>
    %get3A_24 = arith.constant 0 : index
    %get3A_25 = arith.constant 0 : index
    %get3A_26 = vector.load %arg6[%get3A_24, %get3A_25] : memref<1x128xf32, #tpu.memory_space<vmem>>, vector<1x128xf32>
    %add3A_27 = vector.broadcast %get3A_26 : vector<1x128xf32> to vector<1000x128xf32>
    %add3A_28 = arith.addf %dot_general3A_23, %add3A_27 : vector<1000x128xf32>
    %max3A_29 = arith.constant 0.000000e+00 : f32
    %max3A_30 = vector.broadcast %max3A_29 : f32 to vector<1000x128xf32>
    %max3A_31 = arith.maximumf %add3A_28, %max3A_30 : vector<1000x128xf32>
    %get3A_32 = arith.constant 0 : index
    %get3A_33 = arith.constant 0 : index
    %get3A_34 = vector.load %arg7[%get3A_32, %get3A_33] : memref<128x128xf32, #tpu.memory_space<vmem>>, vector<128x128xf32>
    %dot_general3A_35 = arith.constant dense<0.000000e+00> : vector<1000x128xf32>
    %dot_general3A_36 = tpu.matmul %max3A_31, %get3A_34, %dot_general3A_35 {dimension_numbers = #tpu.dot_dimension_numbers<[1], [0], [0], [1], [0, 0, 1, 1], [], []>, transpose_lhs_hint = false} : vector<1000x128xf32>, vector<128x128xf32>, vector<1000x128xf32> -> vector<1000x128xf32>
    %get3A_37 = arith.constant 0 : index
    %get3A_38 = arith.constant 0 : index
    %get3A_39 = vector.load %arg8[%get3A_37, %get3A_38] : memref<1x128xf32, #tpu.memory_space<vmem>>, vector<1x128xf32>
    %add3A_40 = vector.broadcast %get3A_39 : vector<1x128xf32> to vector<1000x128xf32>
    %add3A_41 = arith.addf %dot_general3A_36, %add3A_40 : vector<1000x128xf32>
    %swap3A = arith.constant 0 : index
    %swap3A_42 = arith.constant 0 : index
    %swap3A_43 = vector.load %arg9[%swap3A, %swap3A_42] : memref<1000x128xf32, #tpu.memory_space<vmem>>, vector<1000x128xf32>
    tpu.vector_store %arg9[%swap3A, %swap3A_42], %add3A_41 {strides = array<i32>} : memref<1000x128xf32, #tpu.memory_space<vmem>>, vector<1000x128xf32>,
    return
  }
  func.func @transform_0(%arg0: i32) -> (i32, i32, i32) {
    %c0_i32 = arith.constant 0 : i32
    %c0_i32_0 = arith.constant 0 : i32
    %c0_i32_1 = arith.constant 0 : i32
    return %c0_i32, %arg0, %c0_i32_0 : i32, i32, i32
  }
  func.func @transform_1(%arg0: i32) -> (i32, i32, i32) {
    %c1_i32 = arith.constant 1 : i32
    %c0_i32 = arith.constant 0 : i32
    %c0_i32_0 = arith.constant 0 : i32
    return %c1_i32, %arg0, %c0_i32 : i32, i32, i32
  }
  func.func @transform_2(%arg0: i32) -> (i32, i32) {
    %c0_i32 = arith.constant 0 : i32
    %c0_i32_0 = arith.constant 0 : i32
    return %arg0, %c0_i32 : i32, i32
  }
  func.func @transform_3(%arg0: i32) -> (i32, i32) {
    %c0_i32 = arith.constant 0 : i32
    %c0_i32_0 = arith.constant 0 : i32
    %c0_i32_1 = arith.constant 0 : i32
    return %c0_i32, %c0_i32_0 : i32, i32
  }
  func.func @transform_4(%arg0: i32) -> (i32, i32) {
    %c0_i32 = arith.constant 0 : i32
    %c0_i32_0 = arith.constant 0 : i32
    %c0_i32_1 = arith.constant 0 : i32
    return %c0_i32, %c0_i32_0 : i32, i32
  }
  func.func @transform_5(%arg0: i32) -> (i32, i32) {
    %c0_i32 = arith.constant 0 : i32
    %c0_i32_0 = arith.constant 0 : i32
    %c0_i32_1 = arith.constant 0 : i32
    return %c0_i32, %c0_i32_0 : i32, i32
  }
  func.func @transform_6(%arg0: i32) -> (i32, i32) {
    %c0_i32 = arith.constant 0 : i32
    %c0_i32_0 = arith.constant 0 : i32
    %c0_i32_1 = arith.constant 0 : i32
    return %c0_i32, %c0_i32_0 : i32, i32
  }
  func.func @transform_7(%arg0: i32) -> (i32, i32) {
    %c0_i32 = arith.constant 0 : i32
    %c0_i32_0 = arith.constant 0 : i32
    %c0_i32_1 = arith.constant 0 : i32
    return %c0_i32, %c0_i32_0 : i32, i32
  }
  func.func @transform_8(%arg0: i32) -> (i32, i32) {
    %c0_i32 = arith.constant 0 : i32
    %c0_i32_0 = arith.constant 0 : i32
    return %arg0, %c0_i32 : i32, i32
  }
}

</mosaic_0001>

<sc_bundles>
// kernel: kernel.11.cloned.1.call-start
scs
__scs_entry_jumppad:
0x0: {  	(pc) =	sbr.rel $0x88, $3  }
0x1: {  	(tag) =	ssettag $0x0;
	lr =	simm.s32 $0x1  }
0x2: {  	[smem:$0x3F97] =	sst lr;
	_ =	strace $0xD0000000  }
0x3: {  	_ = 	snop  }
0x4: {  	_ = 	snop  }
0x5: {  	_ = 	snop  }
0x6: {  	_ = 	snop  }
0x7: {  	_ = 	snop  }
__scs_overlays_trampoline_lowered:
0x8: {  	[smem:$0x3FA6] =	sst s0  }
0x9: {  	[smem:$0x3FA7] =	sst s1  }
0xa: {  	[smem:$0x3FA8] =	sst s2  }
0xb: {  	[smem:$0x3FA9] =	sst s3  }
0xc: {  	[smem:$0x3FAA] =	sst s4  }
0xd: {  	[smem:$0x3FAB] =	sst s5  }
0xe: {  	[smem:$0x3FAC] =	sst s6  }
0xf: {  	[smem:$0x3FAD] =	sst s7  }
0x10: {  	[smem:$0x3FAE] =	sst s8  }
0x11: {  	[smem:$0x3FAF] =	sst s9;
	s0 =	simm.s32 @!p0 $0x0  }
0x12: {  	s1 =	sld [smem:$0x3F95];
	s0 =	simm.s32 @p0 $0x1  }
0x13: {  	[smem:$0x3FB0] =	sst s0;
	s0 =	simm.s32 @!p1 $0x0  }
0x14: {  	s2 =	sld [smem:$0x3F94];
	s0 =	simm.s32 @p1 $0x1  }
0x15: {  	[smem:$0x3FB1] =	sst s0;
	s0 =	simm.s32 @!p2 $0x0  }
0x16: {  	s3 =	sld [smem:$0x3FDB];
	s0 =	simm.s32 @p2 $0x1  }
0x17: {  	s4 =	simm.s32 $0x1BF5;
	[smem:$0x3FB3] =	sst s0  }
0x18: {  	s0 =	sld [smem:$0x3F96];
	_ =	swait.ge [sflag:s4], $0x0  }
0x19: {  	s7 =	sld [smem:$0x3F97]  }
0x1a: {  	s8 =	sadd.s32 $0xFFFFE003, lr  }
0x1b: {  	s9 =	sadd.s32 $0xFFFFFEF7, lr;
	s5 =	simm.s32 $0xFFFFFFFF;
	p2 =	slt.u32 s8, $0xFFFFF086  }
0x1c: {  	p1 =	slt.u32 s9, $0xF7A;
	s5 =	simm.s32 @!p2 $0x0  }
0x1d: {  	s5 =	simm.s32 @p1 $0x1;
	p0 =	seq.s32 s7, s2  }
0x1e: {  	s7 =	smul.u32 @!p0 $0xF7A, s2;
	p2 =	seq.s32 @!p0 s5, $0x0  }
0x1f: {  	s9 =	smul.u32 $0xF7A, s1;
	s8 =	simm.s32 @!p0 $0x1BF5;
	p2 =	por !p2, p0  }
0x20: {  	[sflag:s8] =	ssyncset.s32 @!p0 $0xFFFFF086;
	s6 =	sadd.s32 @!p0 s3, s7;
	s7 =	simm.s32 @!p0 $0x108  }
0x21: {  	s3 =	sadd.s32 s3, s9;
	s6 =	sadd.s32 @!p0 $0x88, s6;
	s7 =	simm.s32 @p2 $0x1082  }
0x22: {  	[simem:s7], [sflag:s8] =	dma.local @!p0 [hbm:s6], $0xF7A  }
0x23: {  	s9 =	sor.u32 $0xD0000000, s2;
	s6 =	simm.s32 $0x108;
	_ =	swait.ge @!p0 [sflag:s8], $0x0  }
0x24: {  	s3 =	sadd.s32 $0x88, s3;
	s6 =	simm.s32 @!p1 $0x1082;
	[sflag:s4] =	ssyncset.s32 $0xFFFFF086  }
0x25: {  	[simem:s6], [sflag:s4] =	dma.local [hbm:s3], $0xF7A  }
0x26: {  	[smem:$0x3F97] =	sst s1;
	(tag) =	ssettag s2;
	_ =	strace s9  }
0x27: {  	s1 =	sld [smem:$0x3FA7]  }
0x28: {  	s2 =	sld [smem:$0x3FA8]  }
0x29: {  	s4 =	sld [smem:$0x3FAA]  }
0x2a: {  	p0 =	seq.s32 s5, $0x0;
	s5 =	sld [smem:$0x3FAB]  }
0x2b: {  	s6 =	sld [smem:$0x3FAC]  }
0x2c: {  	s7 =	sld [smem:$0x3FAD]  }
0x2d: {  	s3 =	simm.s32 $0x108;
	s8 =	sld [smem:$0x3FAE]  }
0x2e: {  	s3 =	simm.s32 @!p0 $0x1082;
	s9 =	sld [smem:$0x3FAF]  }
0x2f: {  	lr =	sadd.s32 s0, s3;
	s0 =	sld [smem:$0x3FA6]  }
0x30: {  	s3 =	sld [smem:$0x3FA9]  }
0x31: {  	[smem:$0x3FB2] =	sst s10  }
0x32: {  	s10 =	sld [smem:$0x3FB0];
	_ =	sdelay $0x3  }
0x33: {  	p0 =	seq.s32 s10, $0x1;
	s10 =	sld [smem:$0x3FB2];
	_ =	sdelay $0x3  }
0x34: {  	[smem:$0x3FB2] =	sst s10  }
0x35: {  	s10 =	sld [smem:$0x3FB1];
	_ =	sdelay $0x3  }
0x36: {  	p1 =	seq.s32 s10, $0x1;
	s10 =	sld [smem:$0x3FB2];
	_ =	sdelay $0x3  }
0x37: {  	[smem:$0x3FB2] =	sst s10  }
0x38: {  	s10 =	sld [smem:$0x3FB3]  }
0x39: {  	_ = 	snop;
	(pc) =	sbr.ind lr, $3  }
0x3a: {  	_ = 	snop  }
0x3b: {  	_ = 	snop  }
0x3c: {  	p2 =	seq.s32 s10, $0x1;
	s10 =	sld [smem:$0x3FB2]  }
0x3d: {  	_ =	shalt  }
0x3e: {  	_ =	shalt  }
0x3f: {  	_ =	shalt  }
0x40: {  	_ =	shalt  }
0x41: {  	_ =	shalt  }
0x42: {  	_ =	shalt  }
0x43: {  	_ =	shalt  }
0x44: {  	_ =	shalt  }
0x45: {  	_ =	shalt  }
0x46: {  	_ =	shalt  }
0x47: {  	_ =	shalt  }
0x48: {  	_ =	shalt  }
0x49: {  	_ =	shalt  }
0x4a: {  	_ =	shalt  }
0x4b: {  	_ =	shalt  }
0x4c: {  	_ =	shalt  }
0x4d: {  	_ =	shalt  }
0x4e: {  	_ =	shalt  }
0x4f: {  	_ =	shalt  }
0x50: {  	_ =	shalt  }
0x51: {  	_ =	shalt  }
0x52: {  	_ =	shalt  }
0x53: {  	_ =	shalt  }
0x54: {  	_ =	shalt  }
0x55: {  	_ =	shalt  }
0x56: {  	_ =	shalt  }
0x57: {  	_ =	shalt  }
0x58: {  	_ =	shalt  }
0x59: {  	_ =	shalt  }
0x5a: {  	_ =	shalt  }
0x5b: {  	_ =	shalt  }
0x5c: {  	_ =	shalt  }
0x5d: {  	_ =	shalt  }
0x5e: {  	_ =	shalt  }
0x5f: {  	_ =	shalt  }
0x60: {  	_ =	shalt  }
0x61: {  	_ =	shalt  }
0x62: {  	_ =	shalt  }
0x63: {  	_ =	shalt  }
0x64: {  	_ =	shalt  }
0x65: {  	_ =	shalt  }
0x66: {  	_ =	shalt  }
0x67: {  	_ =	shalt  }
0x68: {  	_ =	shalt  }
0x69: {  	_ =	shalt  }
0x6a: {  	_ =	shalt  }
0x6b: {  	_ =	shalt  }
0x6c: {  	_ =	shalt  }
0x6d: {  	_ =	shalt  }
0x6e: {  	_ =	shalt  }
0x6f: {  	_ =	shalt  }
0x70: {  	_ =	shalt  }
0x71: {  	_ =	shalt  }
0x72: {  	_ =	shalt  }
0x73: {  	_ =	shalt  }
0x74: {  	_ =	shalt  }
0x75: {  	_ =	shalt  }
0x76: {  	_ =	shalt  }
0x77: {  	_ =	shalt  }
0x78: {  	_ =	shalt  }
0x79: {  	_ =	shalt  }
0x7a: {  	_ =	shalt  }
0x7b: {  	_ =	shalt  }
0x7c: {  	_ =	shalt  }
0x7d: {  	_ =	shalt  }
0x7e: {  	_ =	shalt  }
0x7f: {  	_ =	shalt  }
0x80: {  	_ =	shalt  }
0x81: {  	_ =	shalt  }
0x82: {  	_ =	shalt  }
0x83: {  	_ =	shalt  }
0x84: {  	_ =	shalt  }
0x85: {  	_ =	shalt  }
0x86: {  	_ =	shalt  }
0x87: {  	_ =	shalt  }
.Lfunc_end0:
.L_simem_size_0:
called_computation.1_lowered:
.L_overlay_start_0:
0x88: {  	s2 =	sld [smem:$0x3FD9]  }
0x89: {  	s3 =	sld [smem:$0x3FFE];
	_ =	sdelay $0x1  }
0x8a: {  	s1 =	srdreg.scid  }
0x8b: {  	s0 =	sand.u32 $0x1, s1  }
0x8c: {  	s17 =	sshll.u32 s0, $0xA;
	s2 =	sadd.s32 s3, s2  }
0x8d: {  	s2 =	sadd.s32 s2, s17  }
0x8e: {  	[smem:$0x3FBE] =	sst s2  }
0x8f: {  	_ = 	snop  }
0x90: {  	s2 =	sld [smem:$0x3FD0];
	(tm) =	ssettm $0x1  }
0x91: {  	s18 =	sld [smem:$0x3FFB];
	_ =	sdelay $0x3  }
0x92: {  	_ =	strace s18  }
0x93: {  	s3 =	sld [smem:$0x3FFC];
	_ =	sdelay $0x3  }
0x94: {  	_ =	strace s3  }
0x95: {  	s3 =	sld [smem:$0x3FFD];
	_ =	sdelay $0x3  }
0x96: {  	_ =	strace s3  }
0x97: {  	_ =	strace $0x8FFFFFFF  }
0x98: {  	s19 =	sld [smem:$0x3FDB];
	_ =	sdelay $0x1  }
0x99: {  	s4 =	simm.s32 $_scs_section_size  }
0x9a: {  	s5 =	simm.s32 $_size__tile_overlayer_lowered;
	s6 =	simm.s32 $_tile_overlayer_lowered  }
0x9b: {  	s22 =	simm.s32 $0x1BFF;
	s21 =	sshll.u32 s6, $0x1;
	s3 =	sadd.s32 s4, s19  }
0x9c: {  	s7 =	simm.s32 $0x0;
	s20 =	sshll.u32 s5, $0x1;
	s5 =	sadd.s32 s21, s3  }
0x9d: {  	[timem:s7], [sflag:s22] =	dma.local [hbm:s5], s20  }
0x9e: {  	_ =	swait.ge [sflag:s22], s20  }
0x9f: {  	s4 =	ssub.s32 $0x0, s20;
	[sflag:s22] =	ssyncset.done $0x0  }
0xa0: {  	[sflag:s22] =	ssyncadd.s32 s4;
	_ =	sdelay $0x1  }
0xa1: {  	s23 =	simm.s32 $0x1B8B  }
0xa2: {  	_ =	swait.ge [sflag:s23], $0x1  }
0xa3: {  	[sflag:s23] =	ssyncset.done $0x0  }
0xa4: {  	s25 =	simm.s32 $0x1B8E;
	s24 =	sld [smem:$0x3FFE];
	[sflag:s23] =	ssyncadd.s32 $0xFFFFFFFF  }
0xa5: {  	s26 =	simm.s32 $execute0_lowered;
	[smem:$0x3FD2] =	sst s25  }
0xa6: {  	s5 =	sshll.u32 s26, $0x1;
	_ =	strace $0x80000049;
	[dreg:$0x1] =	wrdreg $0xFFFFFFFF  }
0xa7: {  	s28 =	simm.s32 $_size_execute0_lowered;
	s3 =	sadd.s32 s3, s5;
	[dreg:$0x0] =	wrdreg $0x0  }
0xa8: {  	s5 =	sshll.u32 s28, $0x1;
	[dreg:$0x2] =	wrdreg s3  }
0xa9: {  	[dreg:$0x3] =	wrdreg s5  }
0xaa: {  	[dreg:$0x4] =	wrdreg $0xC0  }
0xab: {  	_ =	task [dreg:s7], $0x5FFFF  }
0xac: {  	[dreg:$0x1] =	wrdreg $0xFFFFFFFF  }
0xad: {  	[dreg:$0x0] =	wrdreg $0x60  }
0xae: {  	[dreg:$0x2] =	wrdreg s2  }
0xaf: {  	[dreg:$0x3] =	wrdreg s24  }
0xb0: {  	[dreg:$0x4] =	wrdreg $0x90000  }
0xb1: {  	[dreg:$0x5] =	wrdreg $0x9  }
0xb2: {  	_ =	task.clear_ibuf [dreg:s7], $0x6FFFF;
	_ =	strace $0x90000049  }
0xb3: {  	s29 =	simm.s32 $0x9;
	_ =	strace $0x8000004B  }
0xb4: {  	_ =	swait.ge [sflag:s29], $0x1  }
0xb5: {  	[sflag:s29] =	ssyncadd.s32 $0xFFFFFFFF  }
0xb6: {  	_ =	strace $0x9000004B  }
0xb7: {  	_ =	sfence  }
0xb8: {  	s30 =	sld [smem:$0x0];
	_ =	sdelay $0x2  }
0xb9: {  	s31 =	sshll.u32 s1, $0xD;
	s1 =	sshrl.u32 s1, $0x2  }
0xba: {  	s3 =	sand.u32 $0x4000, s31;
	s1 =	sadd.s32 s1, s30  }
0xbb: {  	s0 =	sor.u32 s3, s0;
	s1 =	sshll.u32 s1, $0x11  }
0xbc: {  	s0 =	sor.u32 s1, s0  }
0xbd: {  	s0 =	sadd.s32 $0x8F2B, s0  }
0xbe: {  	[sflag:s0] =	ssyncadd.remote.s32 $0x1  }
0xbf: {  	_ =	sfence.sel $0xFFFF  }
0xc0: {  	[dreg:$0x0] =	wrdreg $0xFFFFFFFF;
	(pc) =	sbr.abs _section_cstart, $3  }
0xc1: {  	[dreg:$0x1] =	wrdreg $0xFFFFFFFF  }
0xc2: {  	_ =	task.clear_ibuf [dreg:s7], $0x2FFFF;
	_ =	strace $0x9FFFFFFF  }
0xc3: {  	(tm) =	ssettm $0x7FFFFFFF  }
tec
execute0_lowered:
.L_overlay_start_1:
0x0: {  	(tag) =	ssettag $0x1  }
0x1: {  	s1 =	rddreg [dreg:$0x0]  }
0x2: {  	s0 =	srdreg.scid;
	s2 =	rddreg [dreg:$0x1]  }
0x3: {  	s11 =	stileid.u32;
	s3 =	rddreg [dreg:$0x2]  }
0x4: {  	s4 =	simm.s32 $0x0;
	s29 =	simm.s32 $0x2;
	s31 =	simm.s32 $0x4  }
0x5: {  	s14 =	simm.s32 $0x6;
	s12 =	simm.s32 $0xF00;
	s6 =	smul.u32 $0x14000, s11  }
0x6: {  	s13 =	simm.s32 $0xF80;
	s30 =	simm.s32 $0x0;
	s16 =	smul.u32 $0x50000, s11  }
0x7: {  	s0 =	sand.u32 $0x1, s0;
	[smem:$0x7FF] =	sst s4;
	s25 =	smul.u32 $0x500, s11  }
0x8: {  	s7 =	sadd.s32 $0x2C00, s2;
	s8 =	sadd.s32 $0xCC00, s2;
	s5 =	smul.u32 $0x140000, s0  }
0x9: {  	_ =	strace $0x8000004A;
	s17 =	ssub.s32 $0x2, s0;
	s9 =	sshll.u32 s0, $0x4  }
0xa: {  	s0 =	smul.u32 $0x5000, s0;
	s10 =	sshrl.u32 s17, $0x1;
	s9 =	sor.u32 s11, s9  }
0xb: {  	s11 =	simm.s32 $0xB80;
	s5 =	sadd.s32 s6, s5;
	s6 =	sshrl.u32 s16, $0x2  }
0xc: {  	s18 =	smul.u32 $0x500, s9;
	s26 =	sadd.s32 s0, s7;
	s0 =	sadd.s32 s0, s8  }
0xd: {  	s5 =	sshrl.u32 s5, $0x3;
	s28 =	sadd.s32 s6, s3;
	s16 =	sadd.s32 s25, s26  }
0xe: {  	s26 =	simm.s32 $0x3;
	s2 =	sadd.s32 s5, s2;
	s5 =	ssub.s32 s17, s10  }
0xf: {  	s6 =	sadd.s32 $0x4000, s28;
	s19 =	sadd.s32 $0x8000, s28;
	[dreg:$0x4] =	wrdreg s28  }
0x10: {  	s20 =	sadd.s32 $0xC000, s28;
	s21 =	sadd.s32 $0x10000, s28;
	[dreg:$0x5] =	wrdreg s6  }
0x11: {  	s22 =	sadd.s32 s7, s18;
	s23 =	sor.u32 $0x80, s18;
	[dreg:$0x6] =	wrdreg s19  }
0x12: {  	s17 =	sadd.s32 s25, s0;
	s25 =	simm.s32 $0x5000;
	[dreg:$0x7] =	wrdreg s20  }
0x13: {  	s0 =	simm.s32 $0xA00;
	s10 =	simm.s32 $0xE80;
	[dreg:$0x8] =	wrdreg s21  }
0x14: {  	[dreg:$0x9] =	wrdreg s22;
	s6 =	sadd.s32 s8, s18;
	s24 =	sadd.s32 s7, s23  }
0x15: {  	s9 =	sadd.s32 s8, s23;
	s2 =	sadd.s32 $0x16C00, s2;
	s5 =	smax.u32 s5, $0x1  }
0x16: {  	s18 =	simm.s32 $0x1000;
	s19 =	simm.s32 $0x1;
	[dreg:$0xa] =	wrdreg s6  }
.Ltmp0:
0x17: {  	s21 =	simm.s32 $0x800;
	[dreg:$0xb] =	wrdreg s24;
	(pc) =	sbr.rel .LBB2_1-.Ltmp0, $4  }
0x18: {  	s22 =	simm.s32 $0xC00;
	s23 =	simm.s32 $0x5;
	[dreg:$0xc] =	wrdreg s9  }
0x19: {  	s20 =	simm.s32 $0x980;
	s7 =	simm.s32 $0xA80;
	[dreg:$0xd] =	wrdreg s2  }
0x1a: {  	s8 =	simm.s32 $0xE00;
	[dreg:$0xe] =	wrdreg s5;
	s24 =	simm.s32 $0x80  }
0x1b: {  	v0 =	vimm.f32 $0.0e+00;
	s2 =	simm.s32 $0xD00;
	s6 =	simm.s32 $0xD80;
	s9 =	simm.s32 $0xB00  }
.LBB2_6:
0x1c: {  	_ =	swait.ge [sflag:s29], $0x4000  }
0x1d: {  	[sflag:s29] =	ssyncset.done $0x0  }
0x1e: {  	[sflag:s29] =	ssyncadd.s32 $0xFFFFC000  }
0x1f: {  	[spmem:s3] =	stream.indirect.scatter.add.f32 [tilespmem:s25], [sflag:$0x4], $0x80, s13, s24, $0xb8;
	[tilespmem:$0x1D000] =	vst v63  }
0x20: {  	_ =	swait.ge [sflag:s31], $0x4000  }
0x21: {  	[sflag:s31] =	ssyncset.done $0x0  }
0x22: {  	[sflag:s31] =	ssyncadd.s32 $0xFFFFC000  }
0x23: {  	s5 =	stileid.u32;
	[bflag:$0x0] =	sbarrier.arrive $0xFFFF  }
0x24: {  	s5 =	sshll.u32 s5, $0x6;
	s28 =	rddreg [dreg:$0x4]  }
0x25: {  	s5 =	sor.u32 $0x1C07, s5;
	s30 =	rddreg [dreg:$0xd];
	s15 =	sshrl.u32 s28, $0x3  }
0x26: {  	[hbm:s30], [sflag:s5] =	dma.local [spmem:s15], $0x2800  }
0x27: {  	s15 =	simm.s32 $0x7  }
0x28: {  	_ =	swait.ge [sflag:s15], $0x2800  }
0x29: {  	s30 =	rddreg [dreg:$0xf]  }
0x2a: {  	s5 =	rddreg [dreg:$0xe];
	s30 =	sadd.s32 $0x1, s30  }
0x2b: {  	p0 =	sne.s32 s30, s5  }
.Ltmp1:
0x2c: {  	_ = 	snop;
	(pc) =	sbr.rel @!p0 .LBB2_7-.Ltmp1, $3  }
0x2d: {  	_ =	sdelay $0x1  }
0x2e: {  	[sflag:s15] =	ssyncset.done $0x0  }
0x2f: {  	[sflag:s15] =	ssyncadd.s32 $0xFFFFD800  }
.LBB2_1:
0x30: {  	[dreg:$0xf] =	wrdreg s30;
	s15 =	simm.s32 $0x0;
	s5 =	simm.s32 $0x200  }
.LBB2_2:
0x31: {  	p0 =	sne.s32 s5, $0xFE00;
	[tilespmem:s15+$0x1070] =	vst v0  }
0x32: {  	[tilespmem:s15+$0x1000] =	vst v0  }
0x33: {  	[tilespmem:s15+$0x1010] =	vst v0  }
.Ltmp2:
0x34: {  	[tilespmem:s15+$0x1020] =	vst v0;
	(pc) =	sbr.rel @p0 .LBB2_2-.Ltmp2, $4  }
0x35: {  	[tilespmem:s15+$0x1030] =	vst v0  }
0x36: {  	[tilespmem:s15+$0x1040] =	vst v0  }
0x37: {  	[tilespmem:s15+$0x1050] =	vst v0  }
0x38: {  	[tilespmem:s15+$0x1060] =	vst v0;
	s15 =	sshra.s32 s5, $0x2;
	s5 =	sadd.s32 $0x200, s5  }
0x39: {  	[tilespmem:s15+$0x1070] =	vst v0  }
0x3a: {  	[tilespmem:s15+$0x1000] =	vst v0  }
0x3b: {  	[tilespmem:s15+$0x1010] =	vst v0  }
0x3c: {  	[tilespmem:s15+$0x1020] =	vst v0  }
0x3d: {  	[tilespmem:s15+$0x1030] =	vst v0  }
0x3e: {  	[tilespmem:s15+$0x1040] =	vst v0  }
0x3f: {  	[tilespmem:s15+$0x1050] =	vst v0  }
0x40: {  	[tilespmem:s15+$0x1060] =	vst v0  }
0x41: {  	[spmem:s28] =	stream.linear.scatter [tilespmem:s18], [sflag:$0x1], $0x4000, $0x38;
	[tilespmem:$0x1D000] =	vst v63  }
0x42: {  	s5 =	rddreg [dreg:$0x5]  }
0x43: {  	[spmem:s5] =	stream.linear.scatter [tilespmem:s18], [sflag:$0x1], $0x4000, $0x38;
	[tilespmem:$0x1D000] =	vst v63  }
0x44: {  	s28 =	rddreg [dreg:$0x6]  }
0x45: {  	[spmem:s28] =	stream.linear.scatter [tilespmem:s18], [sflag:$0x1], $0x4000, $0x38;
	[tilespmem:$0x1D000] =	vst v63  }
0x46: {  	s30 =	rddreg [dreg:$0x7]  }
0x47: {  	[spmem:s30] =	stream.linear.scatter [tilespmem:s18], [sflag:$0x1], $0x4000, $0x38;
	[tilespmem:$0x1D000] =	vst v63  }
0x48: {  	s15 =	rddreg [dreg:$0x8]  }
0x49: {  	[spmem:s15] =	stream.linear.scatter [tilespmem:s18], [sflag:$0x1], $0x4000, $0x38;
	[tilespmem:$0x1D000] =	vst v63  }
0x4a: {  	_ =	swait.ge [sflag:s19], $0x4000  }
0x4b: {  	[sflag:s19] =	ssyncset.done $0x0  }
0x4c: {  	[sflag:s19] =	ssyncadd.s32 $0xFFFFC000  }
0x4d: {  	_ =	swait.ge [sflag:s19], $0x4000  }
0x4e: {  	[sflag:s19] =	ssyncset.done $0x0  }
0x4f: {  	[sflag:s19] =	ssyncadd.s32 $0xFFFFC000  }
0x50: {  	_ =	swait.ge [sflag:s19], $0x4000  }
0x51: {  	[sflag:s19] =	ssyncset.done $0x0  }
0x52: {  	[sflag:s19] =	ssyncadd.s32 $0xFFFFC000  }
0x53: {  	_ =	swait.ge [sflag:s19], $0x4000  }
0x54: {  	[sflag:s19] =	ssyncset.done $0x0  }
0x55: {  	[sflag:s19] =	ssyncadd.s32 $0xFFFFC000  }
0x56: {  	_ =	swait.ge [sflag:s19], $0x4000  }
0x57: {  	[sflag:s19] =	ssyncset.done $0x0  }
0x58: {  	s15 =	simm.s32 $0x0;
	s28 =	rddreg [dreg:$0x9];
	[sflag:s19] =	ssyncadd.s32 $0xFFFFC000  }
0x59: {  	[tilespmem:s15], [sflag:$0x5] =	stream.linear.gather [hbm4b:s28+s15], $0x400, $0x38;
	[tilespmem:$0x1D000] =	vst v63  }
0x5a: {  	s30 =	simm.s32 $0x400;
	s5 =	rddreg [dreg:$0xa]  }
0x5b: {  	[tilespmem:s30], [sflag:$0x5] =	stream.linear.gather [hbm4b:s5+s15], $0x400, $0x38;
	[tilespmem:$0x1D000] =	vst v63  }
0x5c: {  	s28 =	rddreg [dreg:$0xb]  }
0x5d: {  	[tilespmem:s21], [sflag:$0x6] =	stream.linear.gather [hbm4b:s28+s15], $0x400, $0x38;
	[tilespmem:$0x1D000] =	vst v63  }
0x5e: {  	s30 =	rddreg [dreg:$0xc]  }
0x5f: {  	[tilespmem:s22], [sflag:$0x6] =	stream.linear.gather [hbm4b:s30+s15], $0x400, $0x38;
	[tilespmem:$0x1D000] =	vst v63  }
0x60: {  	_ =	swait.ge [sflag:s23], $0x400  }
0x61: {  	[sflag:s23] =	ssyncset.done $0x0  }
0x62: {  	[sflag:s23] =	ssyncadd.s32 $0xFFFFFC00  }
0x63: {  	_ =	swait.ge [sflag:s23], $0x400  }
0x64: {  	[sflag:s23] =	ssyncset.done $0x0  }
0x65: {  	[sflag:s23] =	ssyncadd.s32 $0xFFFFFC00  }
0x66: {  	[bflag:$0x0] =	sbarrier.arrive $0xFFFF  }
0x67: {  	[tilespmem:s18], [sflag:$0x1] =	stream.indirect.gather [hbm4b:s1+s24], $0x80, s15, s24, $0xb8;
	[tilespmem:$0x1D000] =	vst v63  }
.LBB2_4:
0x68: {  	p0 =	seq.s32 s15, $0x0  }
0x69: {  	s5 =	simm.s32 @!p0 $0x4  }
0x6a: {  	_ =	swait.ge @!p0 [sflag:s5], $0x4000  }
0x6b: {  	[sflag:s5] =	ssyncset.done @!p0 $0x0  }
0x6c: {  	[sflag:s5] =	ssyncadd.s32 @!p0 $0xFFFFC000  }
0x6d: {  	[tilespmem:s25], [sflag:$0x2] =	stream.indirect.gather [hbm4b:s1+s24], $0x80, s24, s24, $0xb8;
	[tilespmem:$0x1D000] =	vst v63  }
0x6e: {  	_ =	swait.ge [sflag:s19], $0x4000  }
0x6f: {  	[sflag:s19] =	ssyncset.done $0x0  }
0x70: {  	s30 =	simm.s32 $0x400;
	[sflag:s19] =	ssyncadd.s32 $0xFFFFC000  }
0x71: {  	[spmem:s3] =	stream.indirect.scatter.add.f32 [tilespmem:s18], [sflag:$0x3], $0x80, s30, s24, $0xb8;
	[tilespmem:$0x1D000] =	vst v63  }
0x72: {  	_ =	swait.ge [sflag:s26], $0x4000  }
0x73: {  	[sflag:s26] =	ssyncset.done $0x0  }
0x74: {  	s28 =	simm.s32 $0x100;
	[sflag:s26] =	ssyncadd.s32 $0xFFFFC000  }
0x75: {  	[tilespmem:s18], [sflag:$0x1] =	stream.indirect.gather [hbm4b:s1+s24], $0x80, s28, s24, $0xb8;
	[tilespmem:$0x1D000] =	vst v63  }
0x76: {  	_ =	swait.ge [sflag:s29], $0x4000  }
0x77: {  	[sflag:s29] =	ssyncset.done $0x0  }
0x78: {  	s30 =	simm.s32 $0x480;
	[sflag:s29] =	ssyncadd.s32 $0xFFFFC000  }
0x79: {  	[spmem:s3] =	stream.indirect.scatter.add.f32 [tilespmem:s25], [sflag:$0x4], $0x80, s30, s24, $0xb8;
	[tilespmem:$0x1D000] =	vst v63  }
0x7a: {  	_ =	swait.ge [sflag:s31], $0x4000  }
0x7b: {  	[sflag:s31] =	ssyncset.done $0x0  }
0x7c: {  	s28 =	simm.s32 $0x180;
	[sflag:s31] =	ssyncadd.s32 $0xFFFFC000  }
0x7d: {  	[tilespmem:s25], [sflag:$0x2] =	stream.indirect.gather [hbm4b:s1+s24], $0x80, s28, s24, $0xb8;
	[tilespmem:$0x1D000] =	vst v63  }
0x7e: {  	_ =	swait.ge [sflag:s19], $0x4000  }
0x7f: {  	[sflag:s19] =	ssyncset.done $0x0  }
0x80: {  	s30 =	simm.s32 $0x500;
	[sflag:s19] =	ssyncadd.s32 $0xFFFFC000  }
0x81: {  	[spmem:s3] =	stream.indirect.scatter.add.f32 [tilespmem:s18], [sflag:$0x3], $0x80, s30, s24, $0xb8;
	[tilespmem:$0x1D000] =	vst v63  }
0x82: {  	_ =	swait.ge [sflag:s26], $0x4000  }
0x83: {  	[sflag:s26] =	ssyncset.done $0x0  }
0x84: {  	s28 =	simm.s32 $0x200;
	[sflag:s26] =	ssyncadd.s32 $0xFFFFC000  }
0x85: {  	[tilespmem:s18], [sflag:$0x1] =	stream.indirect.gather [hbm4b:s1+s24], $0x80, s28, s24, $0xb8;
	[tilespmem:$0x1D000] =	vst v63  }
0x86: {  	_ =	swait.ge [sflag:s29], $0x4000  }
0x87: {  	[sflag:s29] =	ssyncset.done $0x0  }
0x88: {  	s30 =	simm.s32 $0x580;
	[sflag:s29] =	ssyncadd.s32 $0xFFFFC000  }
0x89: {  	[spmem:s3] =	stream.indirect.scatter.add.f32 [tilespmem:s25], [sflag:$0x4], $0x80, s30, s24, $0xb8;
	[tilespmem:$0x1D000] =	vst v63  }
0x8a: {  	_ =	swait.ge [sflag:s31], $0x4000  }
0x8b: {  	[sflag:s31] =	ssyncset.done $0x0  }
0x8c: {  	s28 =	simm.s32 $0x280;
	[sflag:s31] =	ssyncadd.s32 $0xFFFFC000  }
0x8d: {  	[tilespmem:s25], [sflag:$0x2] =	stream.indirect.gather [hbm4b:s1+s24], $0x80, s28, s24, $0xb8;
	[tilespmem:$0x1D000] =	vst v63  }
0x8e: {  	_ =	swait.ge [sflag:s19], $0x4000  }
0x8f: {  	[sflag:s19] =	ssyncset.done $0x0  }
0x90: {  	s30 =	simm.s32 $0x600;
	[sflag:s19] =	ssyncadd.s32 $0xFFFFC000  }
0x91: {  	[spmem:s3] =	stream.indirect.scatter.add.f32 [tilespmem:s18], [sflag:$0x3], $0x80, s30, s24, $0xb8;
	[tilespmem:$0x1D000] =	vst v63  }
0x92: {  	_ =	swait.ge [sflag:s26], $0x4000  }
0x93: {  	[sflag:s26] =	ssyncset.done $0x0  }
0x94: {  	s28 =	simm.s32 $0x300;
	[sflag:s26] =	ssyncadd.s32 $0xFFFFC000  }
0x95: {  	[tilespmem:s18], [sflag:$0x1] =	stream.indirect.gather [hbm4b:s1+s24], $0x80, s28, s24, $0xb8;
	[tilespmem:$0x1D000] =	vst v63  }
0x96: {  	_ =	swait.ge [sflag:s29], $0x4000  }
0x97: {  	[sflag:s29] =	ssyncset.done $0x0  }
0x98: {  	s30 =	simm.s32 $0x680;
	[sflag:s29] =	ssyncadd.s32 $0xFFFFC000  }
0x99: {  	[spmem:s3] =	stream.indirect.scatter.add.f32 [tilespmem:s25], [sflag:$0x4], $0x80, s30, s24, $0xb8;
	[tilespmem:$0x1D000] =	vst v63  }
0x9a: {  	_ =	swait.ge [sflag:s31], $0x4000  }
0x9b: {  	[sflag:s31] =	ssyncset.done $0x0  }
0x9c: {  	s28 =	simm.s32 $0x380;
	[sflag:s31] =	ssyncadd.s32 $0xFFFFC000  }
0x9d: {  	[tilespmem:s25], [sflag:$0x2] =	stream.indirect.gather [hbm4b:s1+s24], $0x80, s28, s24, $0xb8;
	[tilespmem:$0x1D000] =	vst v63  }
0x9e: {  	_ =	swait.ge [sflag:s19], $0x4000  }
0x9f: {  	[sflag:s19] =	ssyncset.done $0x0  }
0xa0: {  	s30 =	simm.s32 $0x700;
	[sflag:s19] =	ssyncadd.s32 $0xFFFFC000  }
0xa1: {  	[spmem:s3] =	stream.indirect.scatter.add.f32 [tilespmem:s18], [sflag:$0x3], $0x80, s30, s24, $0xb8;
	[tilespmem:$0x1D000] =	vst v63  }
0xa2: {  	_ =	swait.ge [sflag:s26], $0x4000  }
0xa3: {  	[sflag:s26] =	ssyncset.done $0x0  }
0xa4: {  	[sflag:s26] =	ssyncadd.s32 $0xFFFFC000  }
0xa5: {  	_ =	swait.ge [sflag:s14], $0x400  }
0xa6: {  	[sflag:s14] =	ssyncset.done $0x0  }
0xa7: {  	[sflag:s14] =	ssyncadd.s32 $0xFFFFFC00  }
0xa8: {  	_ =	swait.ge [sflag:s14], $0x400  }
0xa9: {  	[sflag:s14] =	ssyncset.done $0x0  }
0xaa: {  	[sflag:s14] =	ssyncadd.s32 $0xFFFFFC00  }
0xab: {  	[tilespmem:s18], [sflag:$0x1] =	stream.indirect.gather [hbm4b:s1+s24], $0x80, s21, s24, $0xb8;
	[tilespmem:$0x1D000] =	vst v63  }
0xac: {  	_ =	swait.ge [sflag:s29], $0x4000  }
0xad: {  	p0 =	seq.s32 s15, $0x400;
	[sflag:s29] =	ssyncset.done $0x0  }
0xae: {  	s5 =	sadd.s32 @!p0 s15, s16;
	s28 =	simm.s32 $0x780;
	[sflag:s29] =	ssyncadd.s32 $0xFFFFC000  }
0xaf: {  	[spmem:s3] =	stream.indirect.scatter.add.f32 [tilespmem:s25], [sflag:$0x4], $0x80, s28, s24, $0xb8;
	[tilespmem:$0x1D000] =	vst v63  }
0xb0: {  	s5 =	sadd.s32 @!p0 $0x100, s5;
	s28 =	simm.s32 @!p0 $0x0  }
0xb1: {  	[tilespmem:s28], [sflag:$0x5] =	stream.linear.gather @!p0 [hbm4b:s5+s28], $0x400, $0x38;
	[tilespmem:$0x1D000] =	vst v63  }
0xb2: {  	s5 =	sadd.s32 @!p0 s15, s17  }
0xb3: {  	s30 =	simm.s32 @!p0 $0x400;
	s5 =	sadd.s32 @!p0 $0x100, s5  }
0xb4: {  	[tilespmem:s30], [sflag:$0x5] =	stream.linear.gather @!p0 [hbm4b:s5+s28], $0x400, $0x38;
	[tilespmem:$0x1D000] =	vst v63  }
0xb5: {  	_ =	swait.ge [sflag:s31], $0x4000  }
0xb6: {  	[sflag:s31] =	ssyncset.done $0x0  }
0xb7: {  	s30 =	simm.s32 $0x880;
	[sflag:s31] =	ssyncadd.s32 $0xFFFFC000  }
0xb8: {  	[tilespmem:s25], [sflag:$0x2] =	stream.indirect.gather [hbm4b:s1+s24], $0x80, s30, s24, $0xb8;
	[tilespmem:$0x1D000] =	vst v63  }
0xb9: {  	_ =	swait.ge [sflag:s19], $0x4000  }
0xba: {  	[sflag:s19] =	ssyncset.done $0x0  }
0xbb: {  	[sflag:s19] =	ssyncadd.s32 $0xFFFFC000  }
0xbc: {  	[spmem:s3] =	stream.indirect.scatter.add.f32 [tilespmem:s18], [sflag:$0x3], $0x80, s22, s24, $0xb8;
	[tilespmem:$0x1D000] =	vst v63  }
0xbd: {  	_ =	swait.ge [sflag:s26], $0x4000  }
0xbe: {  	[sflag:s26] =	ssyncset.done $0x0  }
0xbf: {  	s28 =	simm.s32 $0x900;
	[sflag:s26] =	ssyncadd.s32 $0xFFFFC000  }
0xc0: {  	[tilespmem:s18], [sflag:$0x1] =	stream.indirect.gather [hbm4b:s1+s24], $0x80, s28, s24, $0xb8;
	[tilespmem:$0x1D000] =	vst v63  }
0xc1: {  	_ =	swait.ge [sflag:s29], $0x4000  }
0xc2: {  	[sflag:s29] =	ssyncset.done $0x0  }
0xc3: {  	s30 =	simm.s32 $0xC80;
	[sflag:s29] =	ssyncadd.s32 $0xFFFFC000  }
0xc4: {  	[spmem:s3] =	stream.indirect.scatter.add.f32 [tilespmem:s25], [sflag:$0x4], $0x80, s30, s24, $0xb8;
	[tilespmem:$0x1D000] =	vst v63  }
0xc5: {  	_ =	swait.ge [sflag:s31], $0x4000  }
0xc6: {  	[sflag:s31] =	ssyncset.done $0x0  }
0xc7: {  	[sflag:s31] =	ssyncadd.s32 $0xFFFFC000  }
0xc8: {  	[tilespmem:s25], [sflag:$0x2] =	stream.indirect.gather [hbm4b:s1+s24], $0x80, s20, s24, $0xb8;
	[tilespmem:$0x1D000] =	vst v63  }
0xc9: {  	_ =	swait.ge [sflag:s19], $0x4000  }
0xca: {  	[sflag:s19] =	ssyncset.done $0x0  }
0xcb: {  	[sflag:s19] =	ssyncadd.s32 $0xFFFFC000  }
0xcc: {  	[spmem:s3] =	stream.indirect.scatter.add.f32 [tilespmem:s18], [sflag:$0x3], $0x80, s2, s24, $0xb8;
	[tilespmem:$0x1D000] =	vst v63  }
0xcd: {  	_ =	swait.ge [sflag:s26], $0x4000  }
0xce: {  	[sflag:s26] =	ssyncset.done $0x0  }
0xcf: {  	[sflag:s26] =	ssyncadd.s32 $0xFFFFC000  }
0xd0: {  	[tilespmem:s18], [sflag:$0x1] =	stream.indirect.gather [hbm4b:s1+s24], $0x80, s0, s24, $0xb8;
	[tilespmem:$0x1D000] =	vst v63  }
0xd1: {  	_ =	swait.ge [sflag:s29], $0x4000  }
0xd2: {  	[sflag:s29] =	ssyncset.done $0x0  }
0xd3: {  	[sflag:s29] =	ssyncadd.s32 $0xFFFFC000  }
0xd4: {  	[spmem:s3] =	stream.indirect.scatter.add.f32 [tilespmem:s25], [sflag:$0x4], $0x80, s6, s24, $0xb8;
	[tilespmem:$0x1D000] =	vst v63  }
0xd5: {  	_ =	swait.ge [sflag:s31], $0x4000  }
0xd6: {  	[sflag:s31] =	ssyncset.done $0x0  }
0xd7: {  	[sflag:s31] =	ssyncadd.s32 $0xFFFFC000  }
0xd8: {  	[tilespmem:s25], [sflag:$0x2] =	stream.indirect.gather [hbm4b:s1+s24], $0x80, s7, s24, $0xb8;
	[tilespmem:$0x1D000] =	vst v63  }
0xd9: {  	_ =	swait.ge [sflag:s19], $0x4000  }
0xda: {  	[sflag:s19] =	ssyncset.done $0x0  }
0xdb: {  	[sflag:s19] =	ssyncadd.s32 $0xFFFFC000  }
0xdc: {  	[spmem:s3] =	stream.indirect.scatter.add.f32 [tilespmem:s18], [sflag:$0x3], $0x80, s8, s24, $0xb8;
	[tilespmem:$0x1D000] =	vst v63  }
0xdd: {  	_ =	swait.ge [sflag:s26], $0x4000  }
0xde: {  	[sflag:s26] =	ssyncset.done $0x0  }
0xdf: {  	[sflag:s26] =	ssyncadd.s32 $0xFFFFC000  }
0xe0: {  	[tilespmem:s18], [sflag:$0x1] =	stream.indirect.gather [hbm4b:s1+s24], $0x80, s9, s24, $0xb8;
	[tilespmem:$0x1D000] =	vst v63  }
0xe1: {  	_ =	swait.ge [sflag:s29], $0x4000  }
0xe2: {  	[sflag:s29] =	ssyncset.done $0x0  }
0xe3: {  	[sflag:s29] =	ssyncadd.s32 $0xFFFFC000  }
0xe4: {  	[spmem:s3] =	stream.indirect.scatter.add.f32 [tilespmem:s25], [sflag:$0x4], $0x80, s10, s24, $0xb8;
	[tilespmem:$0x1D000] =	vst v63  }
0xe5: {  	_ =	swait.ge [sflag:s31], $0x4000  }
0xe6: {  	[sflag:s31] =	ssyncset.done $0x0  }
0xe7: {  	[sflag:s31] =	ssyncadd.s32 $0xFFFFC000  }
0xe8: {  	[tilespmem:s25], [sflag:$0x2] =	stream.indirect.gather [hbm4b:s1+s24], $0x80, s11, s24, $0xb8;
	[tilespmem:$0x1D000] =	vst v63  }
0xe9: {  	_ =	swait.ge [sflag:s19], $0x4000  }
0xea: {  	[sflag:s19] =	ssyncset.done $0x0  }
.Ltmp3:
0xeb: {  	[sflag:s19] =	ssyncadd.s32 $0xFFFFC000;
	(pc) =	sbr.rel @p0 .LBB2_6-.Ltmp3, $4  }
0xec: {  	[spmem:s3] =	stream.indirect.scatter.add.f32 [tilespmem:s18], [sflag:$0x3], $0x80, s12, s24, $0xb8;
	[tilespmem:$0x1D000] =	vst v63  }
0xed: {  	_ =	swait.ge [sflag:s26], $0x4000  }
0xee: {  	[sflag:s26] =	ssyncset.done $0x0  }
0xef: {  	[sflag:s26] =	ssyncadd.s32 $0xFFFFC000  }
0xf0: {  	_ =	swait.ge [sflag:s23], $0x400  }
0xf1: {  	[sflag:s23] =	ssyncset.done $0x0  }
0xf2: {  	[sflag:s23] =	ssyncadd.s32 $0xFFFFFC00  }
0xf3: {  	_ =	swait.ge [sflag:s23], $0x400  }
0xf4: {  	[sflag:s23] =	ssyncset.done $0x0  }
0xf5: {  	[sflag:s23] =	ssyncadd.s32 $0xFFFFFC00  }
0xf6: {  	[tilespmem:s18], [sflag:$0x1] =	stream.indirect.gather [hbm4b:s1+s24], $0x80, s4, s24, $0xb8;
	[tilespmem:$0x1D000] =	vst v63  }
0xf7: {  	_ =	swait.ge [sflag:s29], $0x4000  }
0xf8: {  	[sflag:s29] =	ssyncset.done $0x0  }
0xf9: {  	[sflag:s29] =	ssyncadd.s32 $0xFFFFC000  }
0xfa: {  	[spmem:s3] =	stream.indirect.scatter.add.f32 [tilespmem:s25], [sflag:$0x4], $0x80, s13, s24, $0xb8;
	[tilespmem:$0x1D000] =	vst v63  }
.Ltmp4:
0xfb: {  	s5 =	sadd.s32 s15, s16;
	(pc) =	sbr.rel .LBB2_4-.Ltmp4, $4  }
0xfc: {  	s30 =	sadd.s32 s15, s17;
	s5 =	sadd.s32 $0x180, s5  }
0xfd: {  	[tilespmem:s21], [sflag:$0x6] =	stream.linear.gather [hbm4b:s5+s4], $0x400, $0x38;
	[tilespmem:$0x1D000] =	vst v63  }
0xfe: {  	s15 =	sadd.s32 $0x100, s15;
	s5 =	sadd.s32 $0x180, s30  }
0xff: {  	[tilespmem:s22], [sflag:$0x6] =	stream.linear.gather [hbm4b:s5+s4], $0x400, $0x38;
	[tilespmem:$0x1D000] =	vst v63  }
.LBB2_7:
0x100: {  	_ =	sfence.sel $0x180000  }
0x101: {  	[bflag:$0x0] =	sbarrier.arrive $0xFFFF  }
0x102: {  	_ =	strace $0x9000004A  }
0x103: {  	s0 =	stileid.u32;
	[bflag:$0x2] =	sbarrier.arrive $0xFFFF  }
0x104: {  	p0 =	sne.s32 s0, $0x0;
	s0 =	rddreg [dreg:$0x3]  }
0x105: {  	s0 =	sadd.s32 @!p0 $0x100000, s0  }
0x106: {  	[sflag:s0] =	ssyncadd.tile.s32 @!p0 $0x1;
	_ =	shalt  }
.Lfunc_end2:
_tile_overlayer_lowered:
.L_overlay_start_2:
0x107: {  	(tag) =	ssettag $0x2  }
0x108: {  	s0 =	rddreg [dreg:$0x0];
	s2 =	stileid.u32  }
0x109: {  	s1 =	rddreg [dreg:$0x1];
	p0 =	sne.s32 s2, $0x0  }
0x10a: {  	s3 =	rddreg [dreg:$0x2];
	[bflag:$0x3] =	sbarrier.arrive $0xFFFF;
	s2 =	simm.s32 @!p0 $0x1C07  }
0x10b: {  	[timem:s3], [sflag:s2] =	dma.local @!p0 [hbm:s0], s1  }
0x10c: {  	s0 =	simm.s32 @!p0 $0x7  }
0x10d: {  	_ =	swait.ge @!p0 [sflag:s0], s1  }
0x10e: {  	s1 =	ssub.s32 @!p0 $0x0, s1;
	[sflag:s0] =	ssyncset.done @!p0 $0x0  }
0x10f: {  	[sflag:s0] =	ssyncadd.s32 @!p0 s1  }
0x110: {  	[bflag:$0x3] =	sbarrier.arrive $0xFFFF  }
0x111: {  	_ =	shalt  }

// kernel: kernel.8.cloned.1.call-start
scs
__scs_entry_jumppad:
0x0: {  	(pc) =	sbr.rel $0x88, $3  }
0x1: {  	(tag) =	ssettag $0x0;
	lr =	simm.s32 $0x1  }
0x2: {  	[smem:$0x3F97] =	sst lr;
	_ =	strace $0xD0000000  }
0x3: {  	_ = 	snop  }
0x4: {  	_ = 	snop  }
0x5: {  	_ = 	snop  }
0x6: {  	_ = 	snop  }
0x7: {  	_ = 	snop  }
__scs_overlays_trampoline_lowered:
0x8: {  	[smem:$0x3FA6] =	sst s0  }
0x9: {  	[smem:$0x3FA7] =	sst s1  }
0xa: {  	[smem:$0x3FA8] =	sst s2  }
0xb: {  	[smem:$0x3FA9] =	sst s3  }
0xc: {  	[smem:$0x3FAA] =	sst s4  }
0xd: {  	[smem:$0x3FAB] =	sst s5  }
0xe: {  	[smem:$0x3FAC] =	sst s6  }
0xf: {  	[smem:$0x3FAD] =	sst s7  }
0x10: {  	[smem:$0x3FAE] =	sst s8  }
0x11: {  	[smem:$0x3FAF] =	sst s9;
	s0 =	simm.s32 @!p0 $0x0  }
0x12: {  	s1 =	sld [smem:$0x3F95];
	s0 =	simm.s32 @p0 $0x1  }
0x13: {  	[smem:$0x3FB0] =	sst s0;
	s0 =	simm.s32 @!p1 $0x0  }
0x14: {  	s2 =	sld [smem:$0x3F94];
	s0 =	simm.s32 @p1 $0x1  }
0x15: {  	[smem:$0x3FB1] =	sst s0;
	s0 =	simm.s32 @!p2 $0x0  }
0x16: {  	s3 =	sld [smem:$0x3FDB];
	s0 =	simm.s32 @p2 $0x1  }
0x17: {  	s4 =	simm.s32 $0x1BF5;
	[smem:$0x3FB3] =	sst s0  }
0x18: {  	s0 =	sld [smem:$0x3F96];
	_ =	swait.ge [sflag:s4], $0x0  }
0x19: {  	s7 =	sld [smem:$0x3F97]  }
0x1a: {  	s8 =	sadd.s32 $0xFFFFE003, lr  }
0x1b: {  	s9 =	sadd.s32 $0xFFFFFEF7, lr;
	s5 =	simm.s32 $0xFFFFFFFF;
	p2 =	slt.u32 s8, $0xFFFFF086  }
0x1c: {  	p1 =	slt.u32 s9, $0xF7A;
	s5 =	simm.s32 @!p2 $0x0  }
0x1d: {  	s5 =	simm.s32 @p1 $0x1;
	p0 =	seq.s32 s7, s2  }
0x1e: {  	s7 =	smul.u32 @!p0 $0xF7A, s2;
	p2 =	seq.s32 @!p0 s5, $0x0  }
0x1f: {  	s9 =	smul.u32 $0xF7A, s1;
	s8 =	simm.s32 @!p0 $0x1BF5;
	p2 =	por !p2, p0  }
0x20: {  	[sflag:s8] =	ssyncset.s32 @!p0 $0xFFFFF086;
	s6 =	sadd.s32 @!p0 s3, s7;
	s7 =	simm.s32 @!p0 $0x108  }
0x21: {  	s3 =	sadd.s32 s3, s9;
	s6 =	sadd.s32 @!p0 $0x88, s6;
	s7 =	simm.s32 @p2 $0x1082  }
0x22: {  	[simem:s7], [sflag:s8] =	dma.local @!p0 [hbm:s6], $0xF7A  }
0x23: {  	s9 =	sor.u32 $0xD0000000, s2;
	s6 =	simm.s32 $0x108;
	_ =	swait.ge @!p0 [sflag:s8], $0x0  }
0x24: {  	s3 =	sadd.s32 $0x88, s3;
	s6 =	simm.s32 @!p1 $0x1082;
	[sflag:s4] =	ssyncset.s32 $0xFFFFF086  }
0x25: {  	[simem:s6], [sflag:s4] =	dma.local [hbm:s3], $0xF7A  }
0x26: {  	[smem:$0x3F97] =	sst s1;
	(tag) =	ssettag s2;
	_ =	strace s9  }
0x27: {  	s1 =	sld [smem:$0x3FA7]  }
0x28: {  	s2 =	sld [smem:$0x3FA8]  }
0x29: {  	s4 =	sld [smem:$0x3FAA]  }
0x2a: {  	p0 =	seq.s32 s5, $0x0;
	s5 =	sld [smem:$0x3FAB]  }
0x2b: {  	s6 =	sld [smem:$0x3FAC]  }
0x2c: {  	s7 =	sld [smem:$0x3FAD]  }
0x2d: {  	s3 =	simm.s32 $0x108;
	s8 =	sld [smem:$0x3FAE]  }
0x2e: {  	s3 =	simm.s32 @!p0 $0x1082;
	s9 =	sld [smem:$0x3FAF]  }
0x2f: {  	lr =	sadd.s32 s0, s3;
	s0 =	sld [smem:$0x3FA6]  }
0x30: {  	s3 =	sld [smem:$0x3FA9]  }
0x31: {  	[smem:$0x3FB2] =	sst s10  }
0x32: {  	s10 =	sld [smem:$0x3FB0];
	_ =	sdelay $0x3  }
0x33: {  	p0 =	seq.s32 s10, $0x1;
	s10 =	sld [smem:$0x3FB2];
	_ =	sdelay $0x3  }
0x34: {  	[smem:$0x3FB2] =	sst s10  }
0x35: {  	s10 =	sld [smem:$0x3FB1];
	_ =	sdelay $0x3  }
0x36: {  	p1 =	seq.s32 s10, $0x1;
	s10 =	sld [smem:$0x3FB2];
	_ =	sdelay $0x3  }
0x37: {  	[smem:$0x3FB2] =	sst s10  }
0x38: {  	s10 =	sld [smem:$0x3FB3]  }
0x39: {  	_ = 	snop;
	(pc) =	sbr.ind lr, $3  }
0x3a: {  	_ = 	snop  }
0x3b: {  	_ = 	snop  }
0x3c: {  	p2 =	seq.s32 s10, $0x1;
	s10 =	sld [smem:$0x3FB2]  }
0x3d: {  	_ =	shalt  }
0x3e: {  	_ =	shalt  }
0x3f: {  	_ =	shalt  }
0x40: {  	_ =	shalt  }
0x41: {  	_ =	shalt  }
0x42: {  	_ =	shalt  }
0x43: {  	_ =	shalt  }
0x44: {  	_ =	shalt  }
0x45: {  	_ =	shalt  }
0x46: {  	_ =	shalt  }
0x47: {  	_ =	shalt  }
0x48: {  	_ =	shalt  }
0x49: {  	_ =	shalt  }
0x4a: {  	_ =	shalt  }
0x4b: {  	_ =	shalt  }
0x4c: {  	_ =	shalt  }
0x4d: {  	_ =	shalt  }
0x4e: {  	_ =	shalt  }
0x4f: {  	_ =	shalt  }
0x50: {  	_ =	shalt  }
0x51: {  	_ =	shalt  }
0x52: {  	_ =	shalt  }
0x53: {  	_ =	shalt  }
0x54: {  	_ =	shalt  }
0x55: {  	_ =	shalt  }
0x56: {  	_ =	shalt  }
0x57: {  	_ =	shalt  }
0x58: {  	_ =	shalt  }
0x59: {  	_ =	shalt  }
0x5a: {  	_ =	shalt  }
0x5b: {  	_ =	shalt  }
0x5c: {  	_ =	shalt  }
0x5d: {  	_ =	shalt  }
0x5e: {  	_ =	shalt  }
0x5f: {  	_ =	shalt  }
0x60: {  	_ =	shalt  }
0x61: {  	_ =	shalt  }
0x62: {  	_ =	shalt  }
0x63: {  	_ =	shalt  }
0x64: {  	_ =	shalt  }
0x65: {  	_ =	shalt  }
0x66: {  	_ =	shalt  }
0x67: {  	_ =	shalt  }
0x68: {  	_ =	shalt  }
0x69: {  	_ =	shalt  }
0x6a: {  	_ =	shalt  }
0x6b: {  	_ =	shalt  }
0x6c: {  	_ =	shalt  }
0x6d: {  	_ =	shalt  }
0x6e: {  	_ =	shalt  }
0x6f: {  	_ =	shalt  }
0x70: {  	_ =	shalt  }
0x71: {  	_ =	shalt  }
0x72: {  	_ =	shalt  }
0x73: {  	_ =	shalt  }
0x74: {  	_ =	shalt  }
0x75: {  	_ =	shalt  }
0x76: {  	_ =	shalt  }
0x77: {  	_ =	shalt  }
0x78: {  	_ =	shalt  }
0x79: {  	_ =	shalt  }
0x7a: {  	_ =	shalt  }
0x7b: {  	_ =	shalt  }
0x7c: {  	_ =	shalt  }
0x7d: {  	_ =	shalt  }
0x7e: {  	_ =	shalt  }
0x7f: {  	_ =	shalt  }
0x80: {  	_ =	shalt  }
0x81: {  	_ =	shalt  }
0x82: {  	_ =	shalt  }
0x83: {  	_ =	shalt  }
0x84: {  	_ =	shalt  }
0x85: {  	_ =	shalt  }
0x86: {  	_ =	shalt  }
0x87: {  	_ =	shalt  }
.Lfunc_end0:
.L_simem_size_0:
called_computation_lowered:
.L_overlay_start_0:
0x88: {  	s2 =	sld [smem:$0x3FD9]  }
0x89: {  	s3 =	sld [smem:$0x3FFE];
	_ =	sdelay $0x1  }
0x8a: {  	s1 =	srdreg.scid  }
0x8b: {  	s0 =	sand.u32 $0x1, s1  }
0x8c: {  	s17 =	sshll.u32 s0, $0xA;
	s2 =	sadd.s32 s3, s2  }
0x8d: {  	s2 =	sadd.s32 s2, s17  }
0x8e: {  	[smem:$0x3FBE] =	sst s2  }
0x8f: {  	_ = 	snop  }
0x90: {  	s2 =	sld [smem:$0x3FD0];
	(tm) =	ssettm $0x1  }
0x91: {  	s18 =	sld [smem:$0x3FFB];
	_ =	sdelay $0x3  }
0x92: {  	_ =	strace s18  }
0x93: {  	s3 =	sld [smem:$0x3FFC];
	_ =	sdelay $0x3  }
0x94: {  	_ =	strace s3  }
0x95: {  	s3 =	sld [smem:$0x3FFD];
	_ =	sdelay $0x3  }
0x96: {  	_ =	strace s3  }
0x97: {  	_ =	strace $0x8FFFFFFF  }
0x98: {  	s19 =	sld [smem:$0x3FDB];
	_ =	sdelay $0x1  }
0x99: {  	s4 =	simm.s32 $_scs_section_size  }
0x9a: {  	s5 =	simm.s32 $_size__tile_overlayer_lowered;
	s6 =	simm.s32 $_tile_overlayer_lowered  }
0x9b: {  	s22 =	simm.s32 $0x1BFF;
	s21 =	sshll.u32 s6, $0x1;
	s3 =	sadd.s32 s4, s19  }
0x9c: {  	s7 =	simm.s32 $0x0;
	s20 =	sshll.u32 s5, $0x1;
	s5 =	sadd.s32 s21, s3  }
0x9d: {  	[timem:s7], [sflag:s22] =	dma.local [hbm:s5], s20  }
0x9e: {  	_ =	swait.ge [sflag:s22], s20  }
0x9f: {  	s4 =	ssub.s32 $0x0, s20;
	[sflag:s22] =	ssyncset.done $0x0  }
0xa0: {  	[sflag:s22] =	ssyncadd.s32 s4;
	_ =	sdelay $0x1  }
0xa1: {  	s23 =	simm.s32 $0x1B8B  }
0xa2: {  	_ =	swait.ge [sflag:s23], $0x1  }
0xa3: {  	[sflag:s23] =	ssyncset.done $0x0  }
0xa4: {  	s25 =	simm.s32 $0x1B8E;
	s24 =	sld [smem:$0x3FFE];
	[sflag:s23] =	ssyncadd.s32 $0xFFFFFFFF  }
0xa5: {  	s26 =	simm.s32 $execute0_lowered;
	[smem:$0x3FD2] =	sst s25  }
0xa6: {  	s5 =	sshll.u32 s26, $0x1;
	_ =	strace $0x80000046;
	[dreg:$0x1] =	wrdreg $0xFFFFFFFF  }
0xa7: {  	s28 =	simm.s32 $_size_execute0_lowered;
	s3 =	sadd.s32 s3, s5;
	[dreg:$0x0] =	wrdreg $0x0  }
0xa8: {  	s5 =	sshll.u32 s28, $0x1;
	[dreg:$0x2] =	wrdreg s3  }
0xa9: {  	[dreg:$0x3] =	wrdreg s5  }
0xaa: {  	[dreg:$0x4] =	wrdreg $0xC0  }
0xab: {  	_ =	task [dreg:s7], $0x5FFFF  }
0xac: {  	[dreg:$0x1] =	wrdreg $0xFFFFFFFF  }
0xad: {  	[dreg:$0x0] =	wrdreg $0x60  }
0xae: {  	[dreg:$0x2] =	wrdreg s2  }
0xaf: {  	[dreg:$0x3] =	wrdreg s24  }
0xb0: {  	[dreg:$0x4] =	wrdreg $0x90000  }
0xb1: {  	[dreg:$0x5] =	wrdreg $0x9  }
0xb2: {  	_ =	task.clear_ibuf [dreg:s7], $0x6FFFF;
	_ =	strace $0x90000046  }
0xb3: {  	s29 =	simm.s32 $0x9;
	_ =	strace $0x80000048  }
0xb4: {  	_ =	swait.ge [sflag:s29], $0x1  }
0xb5: {  	[sflag:s29] =	ssyncadd.s32 $0xFFFFFFFF  }
0xb6: {  	_ =	strace $0x90000048  }
0xb7: {  	_ =	sfence  }
0xb8: {  	s30 =	sld [smem:$0x0];
	_ =	sdelay $0x2  }
0xb9: {  	s31 =	sshll.u32 s1, $0xD;
	s1 =	sshrl.u32 s1, $0x2  }
0xba: {  	s3 =	sand.u32 $0x4000, s31;
	s1 =	sadd.s32 s1, s30  }
0xbb: {  	s0 =	sor.u32 s3, s0;
	s1 =	sshll.u32 s1, $0x11  }
0xbc: {  	s0 =	sor.u32 s1, s0  }
0xbd: {  	s0 =	sadd.s32 $0x8F2B, s0  }
0xbe: {  	[sflag:s0] =	ssyncadd.remote.s32 $0x1  }
0xbf: {  	_ =	sfence.sel $0xFFFF  }
0xc0: {  	[dreg:$0x0] =	wrdreg $0xFFFFFFFF;
	(pc) =	sbr.abs _section_cstart, $3  }
0xc1: {  	[dreg:$0x1] =	wrdreg $0xFFFFFFFF  }
0xc2: {  	_ =	task.clear_ibuf [dreg:s7], $0x2FFFF;
	_ =	strace $0x9FFFFFFF  }
0xc3: {  	(tm) =	ssettm $0x7FFFFFFF  }
tec
execute0_lowered:
.L_overlay_start_1:
0x0: {  	(tag) =	ssettag $0x1  }
0x1: {  	s1 =	rddreg [dreg:$0x0]  }
0x2: {  	s0 =	srdreg.scid;
	s2 =	rddreg [dreg:$0x1]  }
0x3: {  	s11 =	stileid.u32;
	s3 =	rddreg [dreg:$0x2]  }
0x4: {  	s4 =	simm.s32 $0x0;
	s29 =	simm.s32 $0x2;
	s31 =	simm.s32 $0x4  }
0x5: {  	s14 =	simm.s32 $0x6;
	s12 =	simm.s32 $0xF00;
	s6 =	smul.u32 $0x14000, s11  }
0x6: {  	s13 =	simm.s32 $0xF80;
	s30 =	simm.s32 $0x0;
	s16 =	smul.u32 $0x50000, s11  }
0x7: {  	s0 =	sand.u32 $0x1, s0;
	[smem:$0x7FF] =	sst s4;
	s25 =	smul.u32 $0x500, s11  }
0x8: {  	s7 =	sadd.s32 $0x2C00, s2;
	s8 =	sadd.s32 $0xCC00, s2;
	s5 =	smul.u32 $0x140000, s0  }
0x9: {  	_ =	strace $0x80000047;
	s17 =	ssub.s32 $0x2, s0;
	s9 =	sshll.u32 s0, $0x4  }
0xa: {  	s0 =	smul.u32 $0x5000, s0;
	s10 =	sshrl.u32 s17, $0x1;
	s9 =	sor.u32 s11, s9  }
0xb: {  	s11 =	simm.s32 $0xB80;
	s5 =	sadd.s32 s6, s5;
	s6 =	sshrl.u32 s16, $0x2  }
0xc: {  	s18 =	smul.u32 $0x500, s9;
	s26 =	sadd.s32 s0, s7;
	s0 =	sadd.s32 s0, s8  }
0xd: {  	s5 =	sshrl.u32 s5, $0x3;
	s28 =	sadd.s32 s6, s3;
	s16 =	sadd.s32 s25, s26  }
0xe: {  	s26 =	simm.s32 $0x3;
	s2 =	sadd.s32 s5, s2;
	s5 =	ssub.s32 s17, s10  }
0xf: {  	s6 =	sadd.s32 $0x4000, s28;
	s19 =	sadd.s32 $0x8000, s28;
	[dreg:$0x4] =	wrdreg s28  }
0x10: {  	s20 =	sadd.s32 $0xC000, s28;
	s21 =	sadd.s32 $0x10000, s28;
	[dreg:$0x5] =	wrdreg s6  }
0x11: {  	s22 =	sadd.s32 s7, s18;
	s23 =	sor.u32 $0x80, s18;
	[dreg:$0x6] =	wrdreg s19  }
0x12: {  	s17 =	sadd.s32 s25, s0;
	s25 =	simm.s32 $0x5000;
	[dreg:$0x7] =	wrdreg s20  }
0x13: {  	s0 =	simm.s32 $0xA00;
	s10 =	simm.s32 $0xE80;
	[dreg:$0x8] =	wrdreg s21  }
0x14: {  	[dreg:$0x9] =	wrdreg s22;
	s6 =	sadd.s32 s8, s18;
	s24 =	sadd.s32 s7, s23  }
0x15: {  	s9 =	sadd.s32 s8, s23;
	s2 =	sadd.s32 $0x16C00, s2;
	s5 =	smax.u32 s5, $0x1  }
0x16: {  	s18 =	simm.s32 $0x1000;
	s19 =	simm.s32 $0x1;
	[dreg:$0xa] =	wrdreg s6  }
.Ltmp0:
0x17: {  	s21 =	simm.s32 $0x800;
	[dreg:$0xb] =	wrdreg s24;
	(pc) =	sbr.rel .LBB2_1-.Ltmp0, $4  }
0x18: {  	s22 =	simm.s32 $0xC00;
	s23 =	simm.s32 $0x5;
	[dreg:$0xc] =	wrdreg s9  }
0x19: {  	s20 =	simm.s32 $0x980;
	s7 =	simm.s32 $0xA80;
	[dreg:$0xd] =	wrdreg s2  }
0x1a: {  	s8 =	simm.s32 $0xE00;
	[dreg:$0xe] =	wrdreg s5;
	s24 =	simm.s32 $0x80  }
0x1b: {  	v0 =	vimm.f32 $0.0e+00;
	s2 =	simm.s32 $0xD00;
	s6 =	simm.s32 $0xD80;
	s9 =	simm.s32 $0xB00  }
.LBB2_6:
0x1c: {  	_ =	swait.ge [sflag:s29], $0x4000  }
0x1d: {  	[sflag:s29] =	ssyncset.done $0x0  }
0x1e: {  	[sflag:s29] =	ssyncadd.s32 $0xFFFFC000  }
0x1f: {  	[spmem:s3] =	stream.indirect.scatter.add.f32 [tilespmem:s25], [sflag:$0x4], $0x80, s13, s24, $0xb8;
	[tilespmem:$0x1D000] =	vst v63  }
0x20: {  	_ =	swait.ge [sflag:s31], $0x4000  }
0x21: {  	[sflag:s31] =	ssyncset.done $0x0  }
0x22: {  	[sflag:s31] =	ssyncadd.s32 $0xFFFFC000  }
0x23: {  	s5 =	stileid.u32;
	[bflag:$0x0] =	sbarrier.arrive $0xFFFF  }
0x24: {  	s5 =	sshll.u32 s5, $0x6;
	s28 =	rddreg [dreg:$0x4]  }
0x25: {  	s5 =	sor.u32 $0x1C07, s5;
	s30 =	rddreg [dreg:$0xd];
	s15 =	sshrl.u32 s28, $0x3  }
0x26: {  	[hbm:s30], [sflag:s5] =	dma.local [spmem:s15], $0x2800  }
0x27: {  	s15 =	simm.s32 $0x7  }
0x28: {  	_ =	swait.ge [sflag:s15], $0x2800  }
0x29: {  	s30 =	rddreg [dreg:$0xf]  }
0x2a: {  	s5 =	rddreg [dreg:$0xe];
	s30 =	sadd.s32 $0x1, s30  }
0x2b: {  	p0 =	sne.s32 s30, s5  }
.Ltmp1:
0x2c: {  	_ = 	snop;
	(pc) =	sbr.rel @!p0 .LBB2_7-.Ltmp1, $3  }
0x2d: {  	_ =	sdelay $0x1  }
0x2e: {  	[sflag:s15] =	ssyncset.done $0x0  }
0x2f: {  	[sflag:s15] =	ssyncadd.s32 $0xFFFFD800  }
.LBB2_1:
0x30: {  	[dreg:$0xf] =	wrdreg s30;
	s15 =	simm.s32 $0x0;
	s5 =	simm.s32 $0x200  }
.LBB2_2:
0x31: {  	p0 =	sne.s32 s5, $0xFE00;
	[tilespmem:s15+$0x1070] =	vst v0  }
0x32: {  	[tilespmem:s15+$0x1000] =	vst v0  }
0x33: {  	[tilespmem:s15+$0x1010] =	vst v0  }
.Ltmp2:
0x34: {  	[tilespmem:s15+$0x1020] =	vst v0;
	(pc) =	sbr.rel @p0 .LBB2_2-.Ltmp2, $4  }
0x35: {  	[tilespmem:s15+$0x1030] =	vst v0  }
0x36: {  	[tilespmem:s15+$0x1040] =	vst v0  }
0x37: {  	[tilespmem:s15+$0x1050] =	vst v0  }
0x38: {  	[tilespmem:s15+$0x1060] =	vst v0;
	s15 =	sshra.s32 s5, $0x2;
	s5 =	sadd.s32 $0x200, s5  }
0x39: {  	[tilespmem:s15+$0x1070] =	vst v0  }
0x3a: {  	[tilespmem:s15+$0x1000] =	vst v0  }
0x3b: {  	[tilespmem:s15+$0x1010] =	vst v0  }
0x3c: {  	[tilespmem:s15+$0x1020] =	vst v0  }
0x3d: {  	[tilespmem:s15+$0x1030] =	vst v0  }
0x3e: {  	[tilespmem:s15+$0x1040] =	vst v0  }
0x3f: {  	[tilespmem:s15+$0x1050] =	vst v0  }
0x40: {  	[tilespmem:s15+$0x1060] =	vst v0  }
0x41: {  	[spmem:s28] =	stream.linear.scatter [tilespmem:s18], [sflag:$0x1], $0x4000, $0x38;
	[tilespmem:$0x1D000] =	vst v63  }
0x42: {  	s5 =	rddreg [dreg:$0x5]  }
0x43: {  	[spmem:s5] =	stream.linear.scatter [tilespmem:s18], [sflag:$0x1], $0x4000, $0x38;
	[tilespmem:$0x1D000] =	vst v63  }
0x44: {  	s28 =	rddreg [dreg:$0x6]  }
0x45: {  	[spmem:s28] =	stream.linear.scatter [tilespmem:s18], [sflag:$0x1], $0x4000, $0x38;
	[tilespmem:$0x1D000] =	vst v63  }
0x46: {  	s30 =	rddreg [dreg:$0x7]  }
0x47: {  	[spmem:s30] =	stream.linear.scatter [tilespmem:s18], [sflag:$0x1], $0x4000, $0x38;
	[tilespmem:$0x1D000] =	vst v63  }
0x48: {  	s15 =	rddreg [dreg:$0x8]  }
0x49: {  	[spmem:s15] =	stream.linear.scatter [tilespmem:s18], [sflag:$0x1], $0x4000, $0x38;
	[tilespmem:$0x1D000] =	vst v63  }
0x4a: {  	_ =	swait.ge [sflag:s19], $0x4000  }
0x4b: {  	[sflag:s19] =	ssyncset.done $0x0  }
0x4c: {  	[sflag:s19] =	ssyncadd.s32 $0xFFFFC000  }
0x4d: {  	_ =	swait.ge [sflag:s19], $0x4000  }
0x4e: {  	[sflag:s19] =	ssyncset.done $0x0  }
0x4f: {  	[sflag:s19] =	ssyncadd.s32 $0xFFFFC000  }
0x50: {  	_ =	swait.ge [sflag:s19], $0x4000  }
0x51: {  	[sflag:s19] =	ssyncset.done $0x0  }
0x52: {  	[sflag:s19] =	ssyncadd.s32 $0xFFFFC000  }
0x53: {  	_ =	swait.ge [sflag:s19], $0x4000  }
0x54: {  	[sflag:s19] =	ssyncset.done $0x0  }
0x55: {  	[sflag:s19] =	ssyncadd.s32 $0xFFFFC000  }
0x56: {  	_ =	swait.ge [sflag:s19], $0x4000  }
0x57: {  	[sflag:s19] =	ssyncset.done $0x0  }
0x58: {  	s15 =	simm.s32 $0x0;
	s28 =	rddreg [dreg:$0x9];
	[sflag:s19] =	ssyncadd.s32 $0xFFFFC000  }
0x59: {  	[tilespmem:s15], [sflag:$0x5] =	stream.linear.gather [hbm4b:s28+s15], $0x400, $0x38;
	[tilespmem:$0x1D000] =	vst v63  }
0x5a: {  	s30 =	simm.s32 $0x400;
	s5 =	rddreg [dreg:$0xa]  }
0x5b: {  	[tilespmem:s30], [sflag:$0x5] =	stream.linear.gather [hbm4b:s5+s15], $0x400, $0x38;
	[tilespmem:$0x1D000] =	vst v63  }
0x5c: {  	s28 =	rddreg [dreg:$0xb]  }
0x5d: {  	[tilespmem:s21], [sflag:$0x6] =	stream.linear.gather [hbm4b:s28+s15], $0x400, $0x38;
	[tilespmem:$0x1D000] =	vst v63  }
0x5e: {  	s30 =	rddreg [dreg:$0xc]  }
0x5f: {  	[tilespmem:s22], [sflag:$0x6] =	stream.linear.gather [hbm4b:s30+s15], $0x400, $0x38;
	[tilespmem:$0x1D000] =	vst v63  }
0x60: {  	_ =	swait.ge [sflag:s23], $0x400  }
0x61: {  	[sflag:s23] =	ssyncset.done $0x0  }
0x62: {  	[sflag:s23] =	ssyncadd.s32 $0xFFFFFC00  }
0x63: {  	_ =	swait.ge [sflag:s23], $0x400  }
0x64: {  	[sflag:s23] =	ssyncset.done $0x0  }
0x65: {  	[sflag:s23] =	ssyncadd.s32 $0xFFFFFC00  }
0x66: {  	[bflag:$0x0] =	sbarrier.arrive $0xFFFF  }
0x67: {  	[tilespmem:s18], [sflag:$0x1] =	stream.indirect.gather [hbm4b:s1+s24], $0x80, s15, s24, $0xb8;
	[tilespmem:$0x1D000] =	vst v63  }
.LBB2_4:
0x68: {  	p0 =	seq.s32 s15, $0x0  }
0x69: {  	s5 =	simm.s32 @!p0 $0x4  }
0x6a: {  	_ =	swait.ge @!p0 [sflag:s5], $0x4000  }
0x6b: {  	[sflag:s5] =	ssyncset.done @!p0 $0x0  }
0x6c: {  	[sflag:s5] =	ssyncadd.s32 @!p0 $0xFFFFC000  }
0x6d: {  	[tilespmem:s25], [sflag:$0x2] =	stream.indirect.gather [hbm4b:s1+s24], $0x80, s24, s24, $0xb8;
	[tilespmem:$0x1D000] =	vst v63  }
0x6e: {  	_ =	swait.ge [sflag:s19], $0x4000  }
0x6f: {  	[sflag:s19] =	ssyncset.done $0x0  }
0x70: {  	s30 =	simm.s32 $0x400;
	[sflag:s19] =	ssyncadd.s32 $0xFFFFC000  }
0x71: {  	[spmem:s3] =	stream.indirect.scatter.add.f32 [tilespmem:s18], [sflag:$0x3], $0x80, s30, s24, $0xb8;
	[tilespmem:$0x1D000] =	vst v63  }
0x72: {  	_ =	swait.ge [sflag:s26], $0x4000  }
0x73: {  	[sflag:s26] =	ssyncset.done $0x0  }
0x74: {  	s28 =	simm.s32 $0x100;
	[sflag:s26] =	ssyncadd.s32 $0xFFFFC000  }
0x75: {  	[tilespmem:s18], [sflag:$0x1] =	stream.indirect.gather [hbm4b:s1+s24], $0x80, s28, s24, $0xb8;
	[tilespmem:$0x1D000] =	vst v63  }
0x76: {  	_ =	swait.ge [sflag:s29], $0x4000  }
0x77: {  	[sflag:s29] =	ssyncset.done $0x0  }
0x78: {  	s30 =	simm.s32 $0x480;
	[sflag:s29] =	ssyncadd.s32 $0xFFFFC000  }
0x79: {  	[spmem:s3] =	stream.indirect.scatter.add.f32 [tilespmem:s25], [sflag:$0x4], $0x80, s30, s24, $0xb8;
	[tilespmem:$0x1D000] =	vst v63  }
0x7a: {  	_ =	swait.ge [sflag:s31], $0x4000  }
0x7b: {  	[sflag:s31] =	ssyncset.done $0x0  }
0x7c: {  	s28 =	simm.s32 $0x180;
	[sflag:s31] =	ssyncadd.s32 $0xFFFFC000  }
0x7d: {  	[tilespmem:s25], [sflag:$0x2] =	stream.indirect.gather [hbm4b:s1+s24], $0x80, s28, s24, $0xb8;
	[tilespmem:$0x1D000] =	vst v63  }
0x7e: {  	_ =	swait.ge [sflag:s19], $0x4000  }
0x7f: {  	[sflag:s19] =	ssyncset.done $0x0  }
0x80: {  	s30 =	simm.s32 $0x500;
	[sflag:s19] =	ssyncadd.s32 $0xFFFFC000  }
0x81: {  	[spmem:s3] =	stream.indirect.scatter.add.f32 [tilespmem:s18], [sflag:$0x3], $0x80, s30, s24, $0xb8;
	[tilespmem:$0x1D000] =	vst v63  }
0x82: {  	_ =	swait.ge [sflag:s26], $0x4000  }
0x83: {  	[sflag:s26] =	ssyncset.done $0x0  }
0x84: {  	s28 =	simm.s32 $0x200;
	[sflag:s26] =	ssyncadd.s32 $0xFFFFC000  }
0x85: {  	[tilespmem:s18], [sflag:$0x1] =	stream.indirect.gather [hbm4b:s1+s24], $0x80, s28, s24, $0xb8;
	[tilespmem:$0x1D000] =	vst v63  }
0x86: {  	_ =	swait.ge [sflag:s29], $0x4000  }
0x87: {  	[sflag:s29] =	ssyncset.done $0x0  }
0x88: {  	s30 =	simm.s32 $0x580;
	[sflag:s29] =	ssyncadd.s32 $0xFFFFC000  }
0x89: {  	[spmem:s3] =	stream.indirect.scatter.add.f32 [tilespmem:s25], [sflag:$0x4], $0x80, s30, s24, $0xb8;
	[tilespmem:$0x1D000] =	vst v63  }
0x8a: {  	_ =	swait.ge [sflag:s31], $0x4000  }
0x8b: {  	[sflag:s31] =	ssyncset.done $0x0  }
0x8c: {  	s28 =	simm.s32 $0x280;
	[sflag:s31] =	ssyncadd.s32 $0xFFFFC000  }
0x8d: {  	[tilespmem:s25], [sflag:$0x2] =	stream.indirect.gather [hbm4b:s1+s24], $0x80, s28, s24, $0xb8;
	[tilespmem:$0x1D000] =	vst v63  }
0x8e: {  	_ =	swait.ge [sflag:s19], $0x4000  }
0x8f: {  	[sflag:s19] =	ssyncset.done $0x0  }
0x90: {  	s30 =	simm.s32 $0x600;
	[sflag:s19] =	ssyncadd.s32 $0xFFFFC000  }
0x91: {  	[spmem:s3] =	stream.indirect.scatter.add.f32 [tilespmem:s18], [sflag:$0x3], $0x80, s30, s24, $0xb8;
	[tilespmem:$0x1D000] =	vst v63  }
0x92: {  	_ =	swait.ge [sflag:s26], $0x4000  }
0x93: {  	[sflag:s26] =	ssyncset.done $0x0  }
0x94: {  	s28 =	simm.s32 $0x300;
	[sflag:s26] =	ssyncadd.s32 $0xFFFFC000  }
0x95: {  	[tilespmem:s18], [sflag:$0x1] =	stream.indirect.gather [hbm4b:s1+s24], $0x80, s28, s24, $0xb8;
	[tilespmem:$0x1D000] =	vst v63  }
0x96: {  	_ =	swait.ge [sflag:s29], $0x4000  }
0x97: {  	[sflag:s29] =	ssyncset.done $0x0  }
0x98: {  	s30 =	simm.s32 $0x680;
	[sflag:s29] =	ssyncadd.s32 $0xFFFFC000  }
0x99: {  	[spmem:s3] =	stream.indirect.scatter.add.f32 [tilespmem:s25], [sflag:$0x4], $0x80, s30, s24, $0xb8;
	[tilespmem:$0x1D000] =	vst v63  }
0x9a: {  	_ =	swait.ge [sflag:s31], $0x4000  }
0x9b: {  	[sflag:s31] =	ssyncset.done $0x0  }
0x9c: {  	s28 =	simm.s32 $0x380;
	[sflag:s31] =	ssyncadd.s32 $0xFFFFC000  }
0x9d: {  	[tilespmem:s25], [sflag:$0x2] =	stream.indirect.gather [hbm4b:s1+s24], $0x80, s28, s24, $0xb8;
	[tilespmem:$0x1D000] =	vst v63  }
0x9e: {  	_ =	swait.ge [sflag:s19], $0x4000  }
0x9f: {  	[sflag:s19] =	ssyncset.done $0x0  }
0xa0: {  	s30 =	simm.s32 $0x700;
	[sflag:s19] =	ssyncadd.s32 $0xFFFFC000  }
0xa1: {  	[spmem:s3] =	stream.indirect.scatter.add.f32 [tilespmem:s18], [sflag:$0x3], $0x80, s30, s24, $0xb8;
	[tilespmem:$0x1D000] =	vst v63  }
0xa2: {  	_ =	swait.ge [sflag:s26], $0x4000  }
0xa3: {  	[sflag:s26] =	ssyncset.done $0x0  }
0xa4: {  	[sflag:s26] =	ssyncadd.s32 $0xFFFFC000  }
0xa5: {  	_ =	swait.ge [sflag:s14], $0x400  }
0xa6: {  	[sflag:s14] =	ssyncset.done $0x0  }
0xa7: {  	[sflag:s14] =	ssyncadd.s32 $0xFFFFFC00  }
0xa8: {  	_ =	swait.ge [sflag:s14], $0x400  }
0xa9: {  	[sflag:s14] =	ssyncset.done $0x0  }
0xaa: {  	[sflag:s14] =	ssyncadd.s32 $0xFFFFFC00  }
0xab: {  	[tilespmem:s18], [sflag:$0x1] =	stream.indirect.gather [hbm4b:s1+s24], $0x80, s21, s24, $0xb8;
	[tilespmem:$0x1D000] =	vst v63  }
0xac: {  	_ =	swait.ge [sflag:s29], $0x4000  }
0xad: {  	p0 =	seq.s32 s15, $0x400;
	[sflag:s29] =	ssyncset.done $0x0  }
0xae: {  	s5 =	sadd.s32 @!p0 s15, s16;
	s28 =	simm.s32 $0x780;
	[sflag:s29] =	ssyncadd.s32 $0xFFFFC000  }
0xaf: {  	[spmem:s3] =	stream.indirect.scatter.add.f32 [tilespmem:s25], [sflag:$0x4], $0x80, s28, s24, $0xb8;
	[tilespmem:$0x1D000] =	vst v63  }
0xb0: {  	s5 =	sadd.s32 @!p0 $0x100, s5;
	s28 =	simm.s32 @!p0 $0x0  }
0xb1: {  	[tilespmem:s28], [sflag:$0x5] =	stream.linear.gather @!p0 [hbm4b:s5+s28], $0x400, $0x38;
	[tilespmem:$0x1D000] =	vst v63  }
0xb2: {  	s5 =	sadd.s32 @!p0 s15, s17  }
0xb3: {  	s30 =	simm.s32 @!p0 $0x400;
	s5 =	sadd.s32 @!p0 $0x100, s5  }
0xb4: {  	[tilespmem:s30], [sflag:$0x5] =	stream.linear.gather @!p0 [hbm4b:s5+s28], $0x400, $0x38;
	[tilespmem:$0x1D000] =	vst v63  }
0xb5: {  	_ =	swait.ge [sflag:s31], $0x4000  }
0xb6: {  	[sflag:s31] =	ssyncset.done $0x0  }
0xb7: {  	s30 =	simm.s32 $0x880;
	[sflag:s31] =	ssyncadd.s32 $0xFFFFC000  }
0xb8: {  	[tilespmem:s25], [sflag:$0x2] =	stream.indirect.gather [hbm4b:s1+s24], $0x80, s30, s24, $0xb8;
	[tilespmem:$0x1D000] =	vst v63  }
0xb9: {  	_ =	swait.ge [sflag:s19], $0x4000  }
0xba: {  	[sflag:s19] =	ssyncset.done $0x0  }
0xbb: {  	[sflag:s19] =	ssyncadd.s32 $0xFFFFC000  }
0xbc: {  	[spmem:s3] =	stream.indirect.scatter.add.f32 [tilespmem:s18], [sflag:$0x3], $0x80, s22, s24, $0xb8;
	[tilespmem:$0x1D000] =	vst v63  }
0xbd: {  	_ =	swait.ge [sflag:s26], $0x4000  }
0xbe: {  	[sflag:s26] =	ssyncset.done $0x0  }
0xbf: {  	s28 =	simm.s32 $0x900;
	[sflag:s26] =	ssyncadd.s32 $0xFFFFC000  }
0xc0: {  	[tilespmem:s18], [sflag:$0x1] =	stream.indirect.gather [hbm4b:s1+s24], $0x80, s28, s24, $0xb8;
	[tilespmem:$0x1D000] =	vst v63  }
0xc1: {  	_ =	swait.ge [sflag:s29], $0x4000  }
0xc2: {  	[sflag:s29] =	ssyncset.done $0x0  }
0xc3: {  	s30 =	simm.s32 $0xC80;
	[sflag:s29] =	ssyncadd.s32 $0xFFFFC000  }
0xc4: {  	[spmem:s3] =	stream.indirect.scatter.add.f32 [tilespmem:s25], [sflag:$0x4], $0x80, s30, s24, $0xb8;
	[tilespmem:$0x1D000] =	vst v63  }
0xc5: {  	_ =	swait.ge [sflag:s31], $0x4000  }
0xc6: {  	[sflag:s31] =	ssyncset.done $0x0  }
0xc7: {  	[sflag:s31] =	ssyncadd.s32 $0xFFFFC000  }
0xc8: {  	[tilespmem:s25], [sflag:$0x2] =	stream.indirect.gather [hbm4b:s1+s24], $0x80, s20, s24, $0xb8;
	[tilespmem:$0x1D000] =	vst v63  }
0xc9: {  	_ =	swait.ge [sflag:s19], $0x4000  }
0xca: {  	[sflag:s19] =	ssyncset.done $0x0  }
0xcb: {  	[sflag:s19] =	ssyncadd.s32 $0xFFFFC000  }
0xcc: {  	[spmem:s3] =	stream.indirect.scatter.add.f32 [tilespmem:s18], [sflag:$0x3], $0x80, s2, s24, $0xb8;
	[tilespmem:$0x1D000] =	vst v63  }
0xcd: {  	_ =	swait.ge [sflag:s26], $0x4000  }
0xce: {  	[sflag:s26] =	ssyncset.done $0x0  }
0xcf: {  	[sflag:s26] =	ssyncadd.s32 $0xFFFFC000  }
0xd0: {  	[tilespmem:s18], [sflag:$0x1] =	stream.indirect.gather [hbm4b:s1+s24], $0x80, s0, s24, $0xb8;
	[tilespmem:$0x1D000] =	vst v63  }
0xd1: {  	_ =	swait.ge [sflag:s29], $0x4000  }
0xd2: {  	[sflag:s29] =	ssyncset.done $0x0  }
0xd3: {  	[sflag:s29] =	ssyncadd.s32 $0xFFFFC000  }
0xd4: {  	[spmem:s3] =	stream.indirect.scatter.add.f32 [tilespmem:s25], [sflag:$0x4], $0x80, s6, s24, $0xb8;
	[tilespmem:$0x1D000] =	vst v63  }
0xd5: {  	_ =	swait.ge [sflag:s31], $0x4000  }
0xd6: {  	[sflag:s31] =	ssyncset.done $0x0  }
0xd7: {  	[sflag:s31] =	ssyncadd.s32 $0xFFFFC000  }
0xd8: {  	[tilespmem:s25], [sflag:$0x2] =	stream.indirect.gather [hbm4b:s1+s24], $0x80, s7, s24, $0xb8;
	[tilespmem:$0x1D000] =	vst v63  }
0xd9: {  	_ =	swait.ge [sflag:s19], $0x4000  }
0xda: {  	[sflag:s19] =	ssyncset.done $0x0  }
0xdb: {  	[sflag:s19] =	ssyncadd.s32 $0xFFFFC000  }
0xdc: {  	[spmem:s3] =	stream.indirect.scatter.add.f32 [tilespmem:s18], [sflag:$0x3], $0x80, s8, s24, $0xb8;
	[tilespmem:$0x1D000] =	vst v63  }
0xdd: {  	_ =	swait.ge [sflag:s26], $0x4000  }
0xde: {  	[sflag:s26] =	ssyncset.done $0x0  }
0xdf: {  	[sflag:s26] =	ssyncadd.s32 $0xFFFFC000  }
0xe0: {  	[tilespmem:s18], [sflag:$0x1] =	stream.indirect.gather [hbm4b:s1+s24], $0x80, s9, s24, $0xb8;
	[tilespmem:$0x1D000] =	vst v63  }
0xe1: {  	_ =	swait.ge [sflag:s29], $0x4000  }
0xe2: {  	[sflag:s29] =	ssyncset.done $0x0  }
0xe3: {  	[sflag:s29] =	ssyncadd.s32 $0xFFFFC000  }
0xe4: {  	[spmem:s3] =	stream.indirect.scatter.add.f32 [tilespmem:s25], [sflag:$0x4], $0x80, s10, s24, $0xb8;
	[tilespmem:$0x1D000] =	vst v63  }
0xe5: {  	_ =	swait.ge [sflag:s31], $0x4000  }
0xe6: {  	[sflag:s31] =	ssyncset.done $0x0  }
0xe7: {  	[sflag:s31] =	ssyncadd.s32 $0xFFFFC000  }
0xe8: {  	[tilespmem:s25], [sflag:$0x2] =	stream.indirect.gather [hbm4b:s1+s24], $0x80, s11, s24, $0xb8;
	[tilespmem:$0x1D000] =	vst v63  }
0xe9: {  	_ =	swait.ge [sflag:s19], $0x4000  }
0xea: {  	[sflag:s19] =	ssyncset.done $0x0  }
.Ltmp3:
0xeb: {  	[sflag:s19] =	ssyncadd.s32 $0xFFFFC000;
	(pc) =	sbr.rel @p0 .LBB2_6-.Ltmp3, $4  }
0xec: {  	[spmem:s3] =	stream.indirect.scatter.add.f32 [tilespmem:s18], [sflag:$0x3], $0x80, s12, s24, $0xb8;
	[tilespmem:$0x1D000] =	vst v63  }
0xed: {  	_ =	swait.ge [sflag:s26], $0x4000  }
0xee: {  	[sflag:s26] =	ssyncset.done $0x0  }
0xef: {  	[sflag:s26] =	ssyncadd.s32 $0xFFFFC000  }
0xf0: {  	_ =	swait.ge [sflag:s23], $0x400  }
0xf1: {  	[sflag:s23] =	ssyncset.done $0x0  }
0xf2: {  	[sflag:s23] =	ssyncadd.s32 $0xFFFFFC00  }
0xf3: {  	_ =	swait.ge [sflag:s23], $0x400  }
0xf4: {  	[sflag:s23] =	ssyncset.done $0x0  }
0xf5: {  	[sflag:s23] =	ssyncadd.s32 $0xFFFFFC00  }
0xf6: {  	[tilespmem:s18], [sflag:$0x1] =	stream.indirect.gather [hbm4b:s1+s24], $0x80, s4, s24, $0xb8;
	[tilespmem:$0x1D000] =	vst v63  }
0xf7: {  	_ =	swait.ge [sflag:s29], $0x4000  }
0xf8: {  	[sflag:s29] =	ssyncset.done $0x0  }
0xf9: {  	[sflag:s29] =	ssyncadd.s32 $0xFFFFC000  }
0xfa: {  	[spmem:s3] =	stream.indirect.scatter.add.f32 [tilespmem:s25], [sflag:$0x4], $0x80, s13, s24, $0xb8;
	[tilespmem:$0x1D000] =	vst v63  }
.Ltmp4:
0xfb: {  	s5 =	sadd.s32 s15, s16;
	(pc) =	sbr.rel .LBB2_4-.Ltmp4, $4  }
0xfc: {  	s30 =	sadd.s32 s15, s17;
	s5 =	sadd.s32 $0x180, s5  }
0xfd: {  	[tilespmem:s21], [sflag:$0x6] =	stream.linear.gather [hbm4b:s5+s4], $0x400, $0x38;
	[tilespmem:$0x1D000] =	vst v63  }
0xfe: {  	s15 =	sadd.s32 $0x100, s15;
	s5 =	sadd.s32 $0x180, s30  }
0xff: {  	[tilespmem:s22], [sflag:$0x6] =	stream.linear.gather [hbm4b:s5+s4], $0x400, $0x38;
	[tilespmem:$0x1D000] =	vst v63  }
.LBB2_7:
0x100: {  	_ =	sfence.sel $0x180000  }
0x101: {  	[bflag:$0x0] =	sbarrier.arrive $0xFFFF  }
0x102: {  	_ =	strace $0x90000047  }
0x103: {  	s0 =	stileid.u32;
	[bflag:$0x2] =	sbarrier.arrive $0xFFFF  }
0x104: {  	p0 =	sne.s32 s0, $0x0;
	s0 =	rddreg [dreg:$0x3]  }
0x105: {  	s0 =	sadd.s32 @!p0 $0x100000, s0  }
0x106: {  	[sflag:s0] =	ssyncadd.tile.s32 @!p0 $0x1;
	_ =	shalt  }
.Lfunc_end2:
_tile_overlayer_lowered:
.L_overlay_start_2:
0x107: {  	(tag) =	ssettag $0x2  }
0x108: {  	s0 =	rddreg [dreg:$0x0];
	s2 =	stileid.u32  }
0x109: {  	s1 =	rddreg [dreg:$0x1];
	p0 =	sne.s32 s2, $0x0  }
0x10a: {  	s3 =	rddreg [dreg:$0x2];
	[bflag:$0x3] =	sbarrier.arrive $0xFFFF;
	s2 =	simm.s32 @!p0 $0x1C07  }
0x10b: {  	[timem:s3], [sflag:s2] =	dma.local @!p0 [hbm:s0], s1  }
0x10c: {  	s0 =	simm.s32 @!p0 $0x7  }
0x10d: {  	_ =	swait.ge @!p0 [sflag:s0], s1  }
0x10e: {  	s1 =	ssub.s32 @!p0 $0x0, s1;
	[sflag:s0] =	ssyncset.done @!p0 $0x0  }
0x10f: {  	[sflag:s0] =	ssyncadd.s32 @!p0 s1  }
0x110: {  	[bflag:$0x3] =	sbarrier.arrive $0xFFFF  }
0x111: {  	_ =	shalt  }

</sc_bundles>
